<compile_context>
chip_gen: v7x
topology: tpu7x:2x2x1
jax: 0.10.2.dev20260603
libtpu: 0.0.44.dev20260713+nightly
codegen_flags: <defaults>
</compile_context>

<pallas_src>
import functools

import jax
import jax.numpy as jnp
from jax import lax
from jax.experimental import pallas as pl
from jax.experimental.pallas import tpu as pltpu
from jax.experimental.pallas import tpu_sc as plsc

N = 10000
E = 320000
NPAD = 10240
EPAD = 32 * NPAD
G = 128
NB = 2
F32 = jnp.float32

_MESH = plsc.VectorSubcoreMesh(core_axis_name="c", subcore_axis_name="s")


def _make_sc_prop(feat, feat_split=False, const_ones=False):
    nbatch = (EPAD // 16 if feat_split else EPAD // 32) // G
    CH = 32 if feat_split else 40
    wide = feat > 1
    acc_shape = (NPAD, feat) if wide else (NPAD,)
    row_shape = (G, feat) if wide else (G,)
    zrows = 32
    out_sd = jax.ShapeDtypeStruct(acc_shape, F32)

    n_tables = 0 if const_ones else (2 if feat_split else 1)
    scratch = [pltpu.VMEM_SHARED(acc_shape, F32)]
    scratch.append(pltpu.VMEM((zrows, feat) if wide else (640,), F32))
    if not const_ones:
        scratch.append(pltpu.VMEM((CH, G), jnp.int32))
    scratch.append(pltpu.VMEM((CH, G), jnp.int32))
    scratch += [pltpu.VMEM(row_shape, F32) for _ in range(NB)]
    scratch += [pltpu.SemaphoreType.DMA for _ in range(2 * NB)]

    @functools.partial(
        pl.kernel,
        out_type=(out_sd, out_sd),
        scratch_types=scratch,
        mesh=_MESH,
    )
    def prop(*refs):
        k = n_tables
        tables = refs[:k]
        if not const_ones:
            src2d_h = refs[k]; k += 1
        dst2d_h = refs[k]; k += 1
        out0, out1 = refs[k], refs[k + 1]; k += 2
        acc = refs[k]; k += 1
        zbuf = refs[k]; k += 1
        if not const_ones:
            srci = refs[k]; k += 1
        dsti = refs[k]; k += 1
        rows = refs[k:k + NB]; k += NB
        sems = refs[k:k + NB]; k += NB
        ssems = refs[k:k + NB]

        c = lax.axis_index("c")
        s = lax.axis_index("s")

        if wide:
            def zb(i, carry):
                zbuf[i // 8, pl.ds((i % 8) * 16, 16)] = jnp.zeros((16,), F32)
                return carry
            lax.fori_loop(0, zrows * 8, zb, 0)
            def zcp(kk, carry):
                pltpu.sync_copy(zbuf, acc.at[pl.ds(s * 640 + kk * zrows, zrows)])
                return carry
            lax.fori_loop(0, 640 // zrows, zcp, 0)
        else:
            def zb(i, carry):
                zbuf[pl.ds(i * 16, 16)] = jnp.zeros((16,), F32)
                return carry
            lax.fori_loop(0, 40, zb, 0)
            pltpu.sync_copy(zbuf, acc.at[pl.ds(s * 640, 640)])
        plsc.subcore_barrier()

        ibase = s * nbatch if feat_split else c * 16 * nbatch + s * nbatch

        if const_ones:
            for b in range(NB):
                def ob(i, carry, _b=b):
                    rows[_b][pl.ds(i * 16, 16)] = jnp.ones((16,), F32)
                    return carry
                lax.fori_loop(0, G // 16, ob, 0)

            def chunk(ci, carry):
                pltpu.sync_copy(dst2d_h.at[pl.ds(ibase + ci * CH, CH)], dsti)
                for b in range(NB):
                    pltpu.async_copy(rows[b], acc.at[dsti.at[b]], sems[b], add=True)
                def steady(j2, carry2):
                    for b in range(NB):
                        jj = j2 * NB + b
                        pltpu.make_async_copy(
                            rows[b], acc.at[dsti.at[jj - NB]], sems[b]).wait()
                        pltpu.async_copy(rows[b], acc.at[dsti.at[jj]], sems[b],
                                         add=True)
                    return carry2
                lax.fori_loop(1, CH // NB, steady, 0)
                for b in range(NB):
                    jj = CH - NB + b
                    pltpu.make_async_copy(rows[b], acc.at[dsti.at[jj]], sems[b]).wait()
                return carry
            lax.fori_loop(0, nbatch // CH, chunk, 0)
        else:
            def run(tbl):
                def chunk(ci, carry):
                    base = ibase + ci * CH
                    pltpu.sync_copy(src2d_h.at[pl.ds(base, CH)], srci)
                    pltpu.sync_copy(dst2d_h.at[pl.ds(base, CH)], dsti)
                    for b in range(NB):
                        pltpu.async_copy(tbl.at[srci.at[b]], rows[b], sems[b])
                    def steady(j2, carry2):
                        for b in range(NB):
                            jj = j2 * NB + b
                            pltpu.make_async_copy(
                                tbl.at[srci.at[jj]], rows[b], sems[b]).wait()
                            pltpu.sync_copy(rows[b], acc.at[dsti.at[jj]], add=True)
                            pltpu.async_copy(tbl.at[srci.at[jj + NB]], rows[b],
                                             sems[b])
                        return carry2
                    lax.fori_loop(0, CH // NB - 1, steady, 0)
                    for b in range(NB):
                        jj = CH - NB + b
                        pltpu.make_async_copy(
                            tbl.at[srci.at[jj]], rows[b], sems[b]).wait()
                        pltpu.sync_copy(rows[b], acc.at[dsti.at[jj]], add=True)
                    return carry
                lax.fori_loop(0, nbatch // CH, chunk, 0)

            if feat_split:
                @pl.when(c == 0)
                def _():
                    run(tables[0])
                @pl.when(c == 1)
                def _():
                    run(tables[1])
            else:
                run(tables[0])

        plsc.subcore_barrier()

        @pl.when(c == 0)
        def _():
            pltpu.sync_copy(acc.at[pl.ds(s * 640, 640)], out0.at[pl.ds(s * 640, 640)])
        @pl.when(c == 1)
        def _():
            pltpu.sync_copy(acc.at[pl.ds(s * 640, 640)], out1.at[pl.ds(s * 640, 640)])

    return prop


_sc_deg = _make_sc_prop(1, const_ones=True)
_sc_prop1 = _make_sc_prop(1)
_sc_prop128 = _make_sc_prop(128)
_sc_prop256 = _make_sc_prop(128, feat_split=True)


def _tca_body(d0, d1, x, dis_o, t0_o):
    deg = d0[...] + d1[...] + 1.0
    dis = lax.rsqrt(deg)
    dis_o[...] = dis
    t0_o[...] = x[...] * dis


def _tc_a(d0, d1, x):
    R = 2000
    return pl.pallas_call(
        _tca_body,
        grid=(N // R,),
        in_specs=[
            pl.BlockSpec((R, 1), lambda i: (i, 0)),
            pl.BlockSpec((R, 1), lambda i: (i, 0)),
            pl.BlockSpec((R, 128), lambda i: (i, 0)),
        ],
        out_specs=[
            pl.BlockSpec((R, 1), lambda i: (i, 0)),
            pl.BlockSpec((R, 128), lambda i: (i, 0)),
        ],
        out_shape=[
            jax.ShapeDtypeStruct((N, 1), F32),
            jax.ShapeDtypeStruct((N, 128), F32),
        ],
    )(d0, d1, x)


def _tcb_body(a0, a1, t0, dis, W1, b1, o0, o1):
    d = dis[...]
    z = (a0[...] + a1[...] + t0[...]) * d
    h = jnp.maximum(jnp.dot(z, W1[...], preferred_element_type=F32) + b1[...], 0.0)
    t1 = h * d
    o0[...] = t1[:, :128]
    o1[...] = t1[:, 128:]


def _tc_b(a0, a1, t0, dis, W1, b1):
    R = 1000
    return pl.pallas_call(
        _tcb_body,
        grid=(N // R,),
        in_specs=[
            pl.BlockSpec((R, 128), lambda i: (i, 0)),
            pl.BlockSpec((R, 128), lambda i: (i, 0)),
            pl.BlockSpec((R, 128), lambda i: (i, 0)),
            pl.BlockSpec((R, 1), lambda i: (i, 0)),
            pl.BlockSpec((128, 256), lambda i: (0, 0)),
            pl.BlockSpec((1, 256), lambda i: (0, 0)),
        ],
        out_specs=[
            pl.BlockSpec((R, 128), lambda i: (i, 0)),
            pl.BlockSpec((R, 128), lambda i: (i, 0)),
        ],
        out_shape=[
            jax.ShapeDtypeStruct((N, 128), F32),
            jax.ShapeDtypeStruct((N, 128), F32),
        ],
    )(a0, a1, t0, dis, W1, b1)


def _tcc_body(c0, c1, t1a, t1b, dis, W2, b2, W3, o):
    d = dis[...]
    zA = (c0[...] + t1a[...]) * d
    zB = (c1[...] + t1b[...]) * d
    z = jnp.concatenate([zA, zB], axis=1)
    h = jnp.maximum(jnp.dot(z, W2[...], preferred_element_type=F32) + b2[...], 0.0)
    o[...] = jnp.dot(h, W3[...], preferred_element_type=F32) * d


def _tc_c(c0, c1, t1a, t1b, dis, W2, b2, W3):
    R = 1000
    return pl.pallas_call(
        _tcc_body,
        grid=(N // R,),
        in_specs=[
            pl.BlockSpec((R, 128), lambda i: (i, 0)),
            pl.BlockSpec((R, 128), lambda i: (i, 0)),
            pl.BlockSpec((R, 128), lambda i: (i, 0)),
            pl.BlockSpec((R, 128), lambda i: (i, 0)),
            pl.BlockSpec((R, 1), lambda i: (i, 0)),
            pl.BlockSpec((256, 512), lambda i: (0, 0)),
            pl.BlockSpec((1, 512), lambda i: (0, 0)),
            pl.BlockSpec((512, 1), lambda i: (0, 0)),
        ],
        out_specs=pl.BlockSpec((R, 1), lambda i: (i, 0)),
        out_shape=jax.ShapeDtypeStruct((N, 1), F32),
    )(c0, c1, t1a, t1b, dis, W2, b2, W3)


def _tcd_body(p0, p1, t3, dis, b3, o):
    z = (p0[...] + p1[...] + t3[...]) * dis[...] + b3[...]
    o[...] = 1.0 / (1.0 + jnp.exp(-z))


def _tc_d(p0, p1, t3, dis, b3):
    R = 2000
    return pl.pallas_call(
        _tcd_body,
        grid=(N // R,),
        in_specs=[
            pl.BlockSpec((R, 1), lambda i: (i, 0)),
            pl.BlockSpec((R, 1), lambda i: (i, 0)),
            pl.BlockSpec((R, 1), lambda i: (i, 0)),
            pl.BlockSpec((R, 1), lambda i: (i, 0)),
            pl.BlockSpec((1, 1), lambda i: (0, 0)),
        ],
        out_specs=pl.BlockSpec((R, 1), lambda i: (i, 0)),
        out_shape=jax.ShapeDtypeStruct((N, 1), F32),
    )(p0, p1, t3, dis, b3)


def kernel(x, edge_index, W1, b1, W2, b2, W3, b3):
    src = edge_index[0].astype(jnp.int32)
    dst = edge_index[1].astype(jnp.int32)
    npadrows = NPAD - N
    pad_dst = N + (jnp.arange(EPAD - E, dtype=jnp.int32) % npadrows)
    src2d = jnp.concatenate(
        [src, jnp.zeros((EPAD - E,), jnp.int32)]).reshape(EPAD // G, G)
    dst2d = jnp.concatenate([dst, pad_dst]).reshape(EPAD // G, G)

    d0, d1 = _sc_deg(dst2d)
    dis, t0 = _tc_a(d0.reshape(NPAD, 1), d1.reshape(NPAD, 1), x)
    a0, a1 = _sc_prop128(t0, src2d, dst2d)
    t1a, t1b = _tc_b(a0, a1, t0, dis, W1, b1.reshape(1, -1))
    c0, c1 = _sc_prop256(t1a, t1b, src2d, dst2d)
    t3 = _tc_c(c0, c1, t1a, t1b, dis, W2, b2.reshape(1, -1), W3)
    p0, p1 = _sc_prop1(t3.reshape(N), src2d, dst2d)
    return _tc_d(p0.reshape(NPAD, 1), p1.reshape(NPAD, 1), t3, dis,
                 b3.reshape(1, 1))

# --- scband reference (transcript-rebuilt; emitter-appended) ---
"""Pipeline reference for scband-gcn-52484500357663 (READ-ONLY COPY).

The authoritative reference and input builder live on the scoring server;
editing this copy changes nothing except your own understanding.
"""

import jax, jax.numpy as jnp
import numpy as np

N_NODES = 10000
N_EDGES = 320000
N_FEAT = 128


def gcn_conv(x, edge_index, W, b):
    # Faithful PyG GCNConv: x' = D^{-1/2} (A+I) D^{-1/2} (X W) + b
    n = x.shape[0]
    x = x @ W
    src = edge_index[0]
    dst = edge_index[1]
    # add self loops
    loop = jnp.arange(n, dtype=edge_index.dtype)
    src = jnp.concatenate([src, loop])
    dst = jnp.concatenate([dst, loop])
    # symmetric normalization based on dst-degree
    deg = jnp.zeros((n,), dtype=x.dtype).at[dst].add(1.0)
    deg_inv_sqrt = jnp.where(deg > 0, 1.0 / jnp.sqrt(deg), 0.0)
    norm = deg_inv_sqrt[src] * deg_inv_sqrt[dst]
    # gather messages from source nodes, scale, scatter-add to dst
    msg = x[src] * norm[:, None]
    out = jnp.zeros_like(x).at[dst].add(msg)
    return out + b


def setup_inputs(seed: int = 0) -> dict:
    key = jax.random.key(seed)
    k = jax.random.split(key, 8)
    x = jax.random.normal(k[0], (N_NODES, N_FEAT), dtype=jnp.float32)
    edge_index = jax.random.randint(k[1], (2, N_EDGES), 0, N_NODES, dtype=jnp.int64)
    d1, d2, d3 = N_FEAT, 2 * N_FEAT, 4 * N_FEAT
    W1 = jax.random.normal(k[2], (d1, d2), dtype=jnp.float32) / np.sqrt(d1)
    b1 = jnp.zeros((d2,), dtype=jnp.float32)
    W2 = jax.random.normal(k[3], (d2, d3), dtype=jnp.float32) / np.sqrt(d2)
    b2 = jnp.zeros((d3,), dtype=jnp.float32)
    W3 = jax.random.normal(k[4], (d3, 1), dtype=jnp.float32) / np.sqrt(d3)
    b3 = jnp.zeros((1,), dtype=jnp.float32)
    return {"x": x, "edge_index": edge_index, "W1": W1, "b1": b1, "W2": W2, "b2": b2, "W3": W3, "b3": b3}


def reference(x, edge_index, W1, b1, W2, b2, W3, b3):
    # eval mode: dropout is identity
    h = jax.nn.relu(gcn_conv(x, edge_index, W1, b1))
    h = jax.nn.relu(gcn_conv(h, edge_index, W2, b2))
    h = gcn_conv(h, edge_index, W3, b3)
    return jax.nn.sigmoid(h)

if __name__ == "__main__":
    import jax
    _d = setup_inputs()
    print(jax.jit(kernel)(*tuple(_d.values())))

</pallas_src>

<mosaic_0001>
#map = affine_map<(d0, d1) -> (0, 0)>
module attributes {stable_mosaic.version = 14 : i64} {
  func.func @prop(%arg0: i32, %arg1: i32, %arg2: memref<10000x128xf32, #tpu.memory_space<hbm>>, %arg3: memref<2560x128xi32, #tpu.memory_space<hbm>>, %arg4: memref<2560x128xi32, #tpu.memory_space<hbm>>, %arg5: memref<10240x128xf32, #tpu.memory_space<hbm>>, %arg6: memref<10240x128xf32, #tpu.memory_space<hbm>>, %arg7: memref<10240x128xf32, #tpu.memory_space<vmem_shared>>, %arg8: memref<32x128xf32, #tpu.memory_space<vmem>>, %arg9: memref<40x128xi32, #tpu.memory_space<vmem>>, %arg10: memref<40x128xi32, #tpu.memory_space<vmem>>, %arg11: memref<128x128xf32, #tpu.memory_space<vmem>>, %arg12: memref<128x128xf32, #tpu.memory_space<vmem>>, %arg13: memref<!tpu.dma_semaphore, #tpu.memory_space<semaphore_mem>>, %arg14: memref<!tpu.dma_semaphore, #tpu.memory_space<semaphore_mem>>, %arg15: memref<!tpu.dma_semaphore, #tpu.memory_space<semaphore_mem>>, %arg16: memref<!tpu.dma_semaphore, #tpu.memory_space<semaphore_mem>>) attributes {dimension_semantics = [#tpu.dimension_semantics<core_parallel>, #tpu.dimension_semantics<subcore_parallel>], iteration_bounds = array<i64: 2, 16>, scalar_prefetch = 0 : i64, scratch_operands = 10 : i64, tpu.core_type = #tpu.core_type<sc_vector_subcore>, window_params = [{transform_indices = #map}, {transform_indices = #map}, {transform_indices = #map}, {transform_indices = #map}, {transform_indices = #map}]} {
    %scan3A = arith.constant 0 : i32
    %scan3A_0 = arith.constant 0 : i32
    %scan3A_1 = arith.constant 256 : i32
    %scan3A_2 = arith.addi %scan3A_0, %scan3A_1 : i32
    %scan3A_3 = arith.constant 1 : i32
    scf.for %scan3A_30 = %scan3A_0 to %scan3A_2 step %scan3A_3  : i32 {
      %broadcast_in_dim3A = arith.constant 0.000000e+00 : f32
      %broadcast_in_dim3A_31 = vector.broadcast %broadcast_in_dim3A : f32 to vector<16xf32>
      %jit3A = arith.constant 8 : i32
      %div3A = arith.divsi %scan3A_30, %jit3A : i32
      %sign3A = arith.constant 0 : i32
      %sign3A_32 = arith.cmpi sgt, %scan3A_30, %sign3A : i32
      %sign3A_33 = arith.extui %sign3A_32 : i1 to i32
      %sign3A_34 = arith.constant 0 : i32
      %sign3A_35 = arith.cmpi slt, %scan3A_30, %sign3A_34 : i32
      %sign3A_36 = arith.extui %sign3A_35 : i1 to i32
      %sign3A_37 = arith.subi %sign3A_33, %sign3A_36 : i32
      %sign3A_38 = arith.constant 0 : i32
      %sign3A_39 = arith.cmpi sgt, %jit3A, %sign3A_38 : i32
      %sign3A_40 = arith.extui %sign3A_39 : i1 to i32
      %sign3A_41 = arith.constant 0 : i32
      %sign3A_42 = arith.cmpi slt, %jit3A, %sign3A_41 : i32
      %sign3A_43 = arith.extui %sign3A_42 : i1 to i32
      %sign3A_44 = arith.subi %sign3A_40, %sign3A_43 : i32
      %ne3A = arith.cmpi ne, %sign3A_37, %sign3A_44 : i32
      %rem3A = arith.remsi %scan3A_30, %jit3A : i32
      %ne3A_45 = arith.constant 0 : i32
      %ne3A_46 = arith.cmpi ne, %rem3A, %ne3A_45 : i32
      %and3A = arith.andi %ne3A, %ne3A_46 : i1
      %sub3A = arith.constant 1 : i32
      %sub3A_47 = arith.subi %div3A, %sub3A : i32
      %select_n3A = arith.select %and3A, %sub3A_47, %div3A : i32
      %jit3A_48 = arith.constant 8 : i32
      %eq3A_49 = arith.constant 0 : i32
      %eq3A_50 = arith.cmpi eq, %jit3A_48, %eq3A_49 : i32
      %jit3A_51 = arith.constant 1 : i32
      %select_n3A_52 = arith.select %eq3A_50, %jit3A_51, %jit3A_48 : i32
      %rem3A_53 = arith.remsi %scan3A_30, %select_n3A_52 : i32
      %ne3A_54 = arith.constant 0 : i32
      %ne3A_55 = arith.cmpi ne, %rem3A_53, %ne3A_54 : i32
      %lt3A = arith.constant 0 : i32
      %lt3A_56 = arith.cmpi slt, %rem3A_53, %lt3A : i32
      %lt3A_57 = arith.constant 0 : i32
      %lt3A_58 = arith.cmpi slt, %select_n3A_52, %lt3A_57 : i32
      %ne3A_59 = arith.xori %lt3A_56, %lt3A_58 : i1
      %and3A_60 = arith.andi %ne3A_59, %ne3A_55 : i1
      %add3A_61 = arith.addi %rem3A_53, %select_n3A_52 : i32
      %select_n3A_62 = arith.select %and3A_60, %add3A_61, %rem3A_53 : i32
      %mul3A_63 = arith.constant 16 : i32
      %mul3A_64 = arith.muli %select_n3A_62, %mul3A_63 : i32
      %swap3A = arith.index_cast %select_n3A : i32 to index
      %swap3A_65 = arith.index_cast %mul3A_64 : i32 to index
      %swap3A_66 = tpu.vector_load %arg8[%swap3A, %swap3A_65] {strides = array<i32>} : memref<32x128xf32, #tpu.memory_space<vmem>>, vector<1x16xf32>,
      %swap3A_67 = vector.shape_cast %swap3A_66 : vector<1x16xf32> to vector<16xf32>
      %swap3A_68 = vector.shape_cast %broadcast_in_dim3A_31 : vector<16xf32> to vector<1x16xf32>
      tpu.vector_store %arg8[%swap3A, %swap3A_65], %swap3A_68 {strides = array<i32>} : memref<32x128xf32, #tpu.memory_space<vmem>>, vector<1x16xf32>,
    }
    %scan3A_4 = arith.constant 256 : i32
    %scan3A_5 = arith.constant 0 : i32
    %scan3A_6 = arith.constant 0 : i32
    %scan3A_7 = arith.constant 20 : i32
    %scan3A_8 = arith.addi %scan3A_6, %scan3A_7 : i32
    %scan3A_9 = arith.constant 1 : i32
    scf.for %scan3A_30 = %scan3A_6 to %scan3A_8 step %scan3A_9  : i32 {
      %mul3A_31 = arith.constant 640 : i32
      %mul3A_32 = arith.muli %arg1, %mul3A_31 : i32
      %mul3A_33 = arith.constant 32 : i32
      %mul3A_34 = arith.muli %scan3A_30, %mul3A_33 : i32
      %add3A_35 = arith.addi %mul3A_32, %mul3A_34 : i32
      "tpu.region"() ({
        %run_scoped3A = tpu.sem_alloc : memref<!tpu.dma_semaphore, #tpu.memory_space<semaphore_mem>>
        %dma_start3A = arith.constant 0 : i32
        %dma_start3A_36 = tpu.memref_slice %arg7[%add3A_35, %dma_start3A] : memref<10240x128xf32, #tpu.memory_space<vmem_shared>> -> memref<32x128xf32, #tpu.memory_space<vmem_shared>>
        %dma_start3A_37 = arith.constant 0 : i32
        %dma_start3A_38 = tpu.memref_slice %arg7[%add3A_35, %dma_start3A_37] : memref<10240x128xf32, #tpu.memory_space<vmem_shared>> -> memref<32x128xf32, #tpu.memory_space<vmem_shared>>
        tpu.enqueue_dma source(%arg8 : memref<32x128xf32, #tpu.memory_space<vmem>>) target(%dma_start3A_38 : memref<32x128xf32, #tpu.memory_space<vmem_shared>>) target_semaphore(%run_scoped3A : memref<!tpu.dma_semaphore, #tpu.memory_space<semaphore_mem>>)
        %dma_wait3A = arith.constant 0 : i32
        %dma_wait3A_39 = tpu.memref_slice %arg7[%add3A_35, %dma_wait3A] : memref<10240x128xf32, #tpu.memory_space<vmem_shared>> -> memref<32x128xf32, #tpu.memory_space<vmem_shared>>
        %dma_wait3A_40 = arith.constant 0 : i32
        %dma_wait3A_41 = tpu.memref_slice %arg7[%add3A_35, %dma_wait3A_40] : memref<10240x128xf32, #tpu.memory_space<vmem_shared>> -> memref<32x128xf32, #tpu.memory_space<vmem_shared>>
        tpu.wait_dma2 semaphore(%run_scoped3A : memref<!tpu.dma_semaphore, #tpu.memory_space<semaphore_mem>>) src(%arg8 : memref<32x128xf32, #tpu.memory_space<vmem>>) dst(%dma_wait3A_41 : memref<32x128xf32, #tpu.memory_space<vmem_shared>>)
        tpu.yield
      }) : () -> ()
    }
    %scan3A_10 = arith.constant 20 : i32
    %barrier3A = arith.constant 0 : index
    tpu.barrier barrier_id(%barrier3A)
    %mul3A = arith.constant 16 : i32
    %mul3A_11 = arith.muli %arg0, %mul3A : i32
    %mul3A_12 = arith.constant 80 : i32
    %mul3A_13 = arith.muli %mul3A_11, %mul3A_12 : i32
    %mul3A_14 = arith.constant 80 : i32
    %mul3A_15 = arith.muli %arg1, %mul3A_14 : i32
    %add3A = arith.addi %mul3A_13, %mul3A_15 : i32
    %scan3A_16 = arith.constant 0 : i32
    %scan3A_17 = arith.constant 0 : i32
    %scan3A_18 = arith.constant 2 : i32
    %scan3A_19 = arith.addi %scan3A_17, %scan3A_18 : i32
    %scan3A_20 = arith.constant 1 : i32
    scf.for %scan3A_30 = %scan3A_17 to %scan3A_19 step %scan3A_20  : i32 {
      %mul3A_31 = arith.constant 40 : i32
      %mul3A_32 = arith.muli %scan3A_30, %mul3A_31 : i32
      %add3A_33 = arith.addi %add3A, %mul3A_32 : i32
      "tpu.region"() ({
        %run_scoped3A_67 = tpu.sem_alloc : memref<!tpu.dma_semaphore, #tpu.memory_space<semaphore_mem>>
        %dma_start3A_68 = arith.constant 0 : i32
        %dma_start3A_69 = tpu.memref_slice %arg3[%add3A_33, %dma_start3A_68] : memref<2560x128xi32, #tpu.memory_space<hbm>> -> memref<40x128xi32, #tpu.memory_space<hbm>>
        %dma_start3A_70 = arith.constant 0 : i32
        %dma_start3A_71 = tpu.memref_slice %arg3[%add3A_33, %dma_start3A_70] : memref<2560x128xi32, #tpu.memory_space<hbm>> -> memref<40x128xi32, #tpu.memory_space<hbm>>
        tpu.enqueue_dma source(%dma_start3A_71 : memref<40x128xi32, #tpu.memory_space<hbm>>) target(%arg9 : memref<40x128xi32, #tpu.memory_space<vmem>>) target_semaphore(%run_scoped3A_67 : memref<!tpu.dma_semaphore, #tpu.memory_space<semaphore_mem>>)
        %dma_wait3A_72 = arith.constant 0 : i32
        %dma_wait3A_73 = tpu.memref_slice %arg3[%add3A_33, %dma_wait3A_72] : memref<2560x128xi32, #tpu.memory_space<hbm>> -> memref<40x128xi32, #tpu.memory_space<hbm>>
        %dma_wait3A_74 = arith.constant 0 : i32
        %dma_wait3A_75 = tpu.memref_slice %arg3[%add3A_33, %dma_wait3A_74] : memref<2560x128xi32, #tpu.memory_space<hbm>> -> memref<40x128xi32, #tpu.memory_space<hbm>>
        tpu.wait_dma2 semaphore(%run_scoped3A_67 : memref<!tpu.dma_semaphore, #tpu.memory_space<semaphore_mem>>) src(%dma_wait3A_75 : memref<40x128xi32, #tpu.memory_space<hbm>>) dst(%arg9 : memref<40x128xi32, #tpu.memory_space<vmem>>)
        tpu.yield
      }) : () -> ()
      "tpu.region"() ({
        %run_scoped3A_67 = tpu.sem_alloc : memref<!tpu.dma_semaphore, #tpu.memory_space<semaphore_mem>>
        %dma_start3A_68 = arith.constant 0 : i32
        %dma_start3A_69 = tpu.memref_slice %arg4[%add3A_33, %dma_start3A_68] : memref<2560x128xi32, #tpu.memory_space<hbm>> -> memref<40x128xi32, #tpu.memory_space<hbm>>
        %dma_start3A_70 = arith.constant 0 : i32
        %dma_start3A_71 = tpu.memref_slice %arg4[%add3A_33, %dma_start3A_70] : memref<2560x128xi32, #tpu.memory_space<hbm>> -> memref<40x128xi32, #tpu.memory_space<hbm>>
        tpu.enqueue_dma source(%dma_start3A_71 : memref<40x128xi32, #tpu.memory_space<hbm>>) target(%arg10 : memref<40x128xi32, #tpu.memory_space<vmem>>) target_semaphore(%run_scoped3A_67 : memref<!tpu.dma_semaphore, #tpu.memory_space<semaphore_mem>>)
        %dma_wait3A_72 = arith.constant 0 : i32
        %dma_wait3A_73 = tpu.memref_slice %arg4[%add3A_33, %dma_wait3A_72] : memref<2560x128xi32, #tpu.memory_space<hbm>> -> memref<40x128xi32, #tpu.memory_space<hbm>>
        %dma_wait3A_74 = arith.constant 0 : i32
        %dma_wait3A_75 = tpu.memref_slice %arg4[%add3A_33, %dma_wait3A_74] : memref<2560x128xi32, #tpu.memory_space<hbm>> -> memref<40x128xi32, #tpu.memory_space<hbm>>
        tpu.wait_dma2 semaphore(%run_scoped3A_67 : memref<!tpu.dma_semaphore, #tpu.memory_space<semaphore_mem>>) src(%dma_wait3A_75 : memref<40x128xi32, #tpu.memory_space<hbm>>) dst(%arg10 : memref<40x128xi32, #tpu.memory_space<vmem>>)
        tpu.yield
      }) : () -> ()
      %dma_start3A = arith.constant 0 : i32
      %dma_start3A_34 = arith.constant 0 : i32
      %dma_start3A_35 = tpu.memref_slice %arg9[%dma_start3A, %dma_start3A_34] : memref<40x128xi32, #tpu.memory_space<vmem>> -> memref<1x128xi32, #tpu.memory_space<vmem>>
      %dma_start3A_36 = tpu.memref_squeeze %dma_start3A_35 : memref<1x128xi32, #tpu.memory_space<vmem>> -> memref<128xi32, #tpu.memory_space<vmem>>
      %dma_start3A_37 = arith.constant 0 : i32
      %dma_start3A_38 = arith.constant 0 : i32
      %dma_start3A_39 = tpu.memref_slice %arg2[%dma_start3A_37, %dma_start3A_38] : memref<10000x128xf32, #tpu.memory_space<hbm>> -> memref<10000x128xf32, #tpu.memory_space<hbm>>
      tpu.enqueue_indirect_dma source(%dma_start3A_39 : memref<10000x128xf32, #tpu.memory_space<hbm>>) target(%arg11 : memref<128x128xf32, #tpu.memory_space<vmem>>) offsets(%dma_start3A_36 : memref<128xi32, #tpu.memory_space<vmem>>) semaphore(%arg13 : memref<!tpu.dma_semaphore, #tpu.memory_space<semaphore_mem>>)
      %dma_start3A_40 = arith.constant 1 : i32
      %dma_start3A_41 = arith.constant 0 : i32
      %dma_start3A_42 = tpu.memref_slice %arg9[%dma_start3A_40, %dma_start3A_41] : memref<40x128xi32, #tpu.memory_space<vmem>> -> memref<1x128xi32, #tpu.memory_space<vmem>>
      %dma_start3A_43 = tpu.memref_squeeze %dma_start3A_42 : memref<1x128xi32, #tpu.memory_space<vmem>> -> memref<128xi32, #tpu.memory_space<vmem>>
      %dma_start3A_44 = arith.constant 0 : i32
      %dma_start3A_45 = arith.constant 0 : i32
      %dma_start3A_46 = tpu.memref_slice %arg2[%dma_start3A_44, %dma_start3A_45] : memref<10000x128xf32, #tpu.memory_space<hbm>> -> memref<10000x128xf32, #tpu.memory_space<hbm>>
      tpu.enqueue_indirect_dma source(%dma_start3A_46 : memref<10000x128xf32, #tpu.memory_space<hbm>>) target(%arg12 : memref<128x128xf32, #tpu.memory_space<vmem>>) offsets(%dma_start3A_43 : memref<128xi32, #tpu.memory_space<vmem>>) semaphore(%arg14 : memref<!tpu.dma_semaphore, #tpu.memory_space<semaphore_mem>>)
      %scan3A_47 = arith.constant 0 : i32
      %scan3A_48 = arith.constant 0 : i32
      %scan3A_49 = arith.constant 19 : i32
      %scan3A_50 = arith.addi %scan3A_48, %scan3A_49 : i32
      %scan3A_51 = arith.constant 1 : i32
      scf.for %scan3A_67 = %scan3A_48 to %scan3A_50 step %scan3A_51  : i32 {
        %mul3A_68 = arith.constant 2 : i32
        %mul3A_69 = arith.muli %scan3A_67, %mul3A_68 : i32
        %add3A_70 = arith.constant 0 : i32
        %add3A_71 = arith.addi %mul3A_69, %add3A_70 : i32
        %dma_wait3A_72 = arith.constant 0 : i32
        %dma_wait3A_73 = tpu.memref_slice %arg9[%add3A_71, %dma_wait3A_72] : memref<40x128xi32, #tpu.memory_space<vmem>> -> memref<1x128xi32, #tpu.memory_space<vmem>>
        %dma_wait3A_74 = tpu.memref_squeeze %dma_wait3A_73 : memref<1x128xi32, #tpu.memory_space<vmem>> -> memref<128xi32, #tpu.memory_space<vmem>>
        %dma_wait3A_75 = arith.constant 0 : i32
        %dma_wait3A_76 = arith.constant 0 : i32
        %dma_wait3A_77 = tpu.memref_slice %arg2[%dma_wait3A_75, %dma_wait3A_76] : memref<10000x128xf32, #tpu.memory_space<hbm>> -> memref<10000x128xf32, #tpu.memory_space<hbm>>
        tpu.wait_indirect_dma semaphore(%arg13 : memref<!tpu.dma_semaphore, #tpu.memory_space<semaphore_mem>>) src(%dma_wait3A_77 : memref<10000x128xf32, #tpu.memory_space<hbm>>) dst(%arg11 : memref<128x128xf32, #tpu.memory_space<vmem>>)
        "tpu.region"() ({
          %run_scoped3A_104 = tpu.sem_alloc : memref<!tpu.dma_semaphore, #tpu.memory_space<semaphore_mem>>
          %dma_start3A_105 = arith.constant 0 : i32
          %dma_start3A_106 = tpu.memref_slice %arg10[%add3A_71, %dma_start3A_105] : memref<40x128xi32, #tpu.memory_space<vmem>> -> memref<1x128xi32, #tpu.memory_space<vmem>>
          %dma_start3A_107 = tpu.memref_squeeze %dma_start3A_106 : memref<1x128xi32, #tpu.memory_space<vmem>> -> memref<128xi32, #tpu.memory_space<vmem>>
          %dma_start3A_108 = arith.constant 0 : i32
          %dma_start3A_109 = arith.constant 0 : i32
          %dma_start3A_110 = tpu.memref_slice %arg7[%dma_start3A_108, %dma_start3A_109] : memref<10240x128xf32, #tpu.memory_space<vmem_shared>> -> memref<10240x128xf32, #tpu.memory_space<vmem_shared>>
          tpu.enqueue_indirect_dma source(%arg11 : memref<128x128xf32, #tpu.memory_space<vmem>>) target(%dma_start3A_110 : memref<10240x128xf32, #tpu.memory_space<vmem_shared>>) offsets(%dma_start3A_107 : memref<128xi32, #tpu.memory_space<vmem>>) semaphore(%run_scoped3A_104 : memref<!tpu.dma_semaphore, #tpu.memory_space<semaphore_mem>>) {add = true}
          %dma_wait3A_111 = arith.constant 0 : i32
          %dma_wait3A_112 = tpu.memref_slice %arg10[%add3A_71, %dma_wait3A_111] : memref<40x128xi32, #tpu.memory_space<vmem>> -> memref<1x128xi32, #tpu.memory_space<vmem>>
          %dma_wait3A_113 = tpu.memref_squeeze %dma_wait3A_112 : memref<1x128xi32, #tpu.memory_space<vmem>> -> memref<128xi32, #tpu.memory_space<vmem>>
          %dma_wait3A_114 = arith.constant 0 : i32
          %dma_wait3A_115 = arith.constant 0 : i32
          %dma_wait3A_116 = tpu.memref_slice %arg7[%dma_wait3A_114, %dma_wait3A_115] : memref<10240x128xf32, #tpu.memory_space<vmem_shared>> -> memref<10240x128xf32, #tpu.memory_space<vmem_shared>>
          tpu.wait_indirect_dma semaphore(%run_scoped3A_104 : memref<!tpu.dma_semaphore, #tpu.memory_space<semaphore_mem>>) src(%arg11 : memref<128x128xf32, #tpu.memory_space<vmem>>) dst(%dma_wait3A_116 : memref<10240x128xf32, #tpu.memory_space<vmem_shared>>)
          tpu.yield
        }) : () -> ()
        %add3A_78 = arith.constant 2 : i32
        %add3A_79 = arith.addi %add3A_71, %add3A_78 : i32
        %dma_start3A_80 = arith.constant 0 : i32
        %dma_start3A_81 = tpu.memref_slice %arg9[%add3A_79, %dma_start3A_80] : memref<40x128xi32, #tpu.memory_space<vmem>> -> memref<1x128xi32, #tpu.memory_space<vmem>>
        %dma_start3A_82 = tpu.memref_squeeze %dma_start3A_81 : memref<1x128xi32, #tpu.memory_space<vmem>> -> memref<128xi32, #tpu.memory_space<vmem>>
        %dma_start3A_83 = arith.constant 0 : i32
        %dma_start3A_84 = arith.constant 0 : i32
        %dma_start3A_85 = tpu.memref_slice %arg2[%dma_start3A_83, %dma_start3A_84] : memref<10000x128xf32, #tpu.memory_space<hbm>> -> memref<10000x128xf32, #tpu.memory_space<hbm>>
        tpu.enqueue_indirect_dma source(%dma_start3A_85 : memref<10000x128xf32, #tpu.memory_space<hbm>>) target(%arg11 : memref<128x128xf32, #tpu.memory_space<vmem>>) offsets(%dma_start3A_82 : memref<128xi32, #tpu.memory_space<vmem>>) semaphore(%arg13 : memref<!tpu.dma_semaphore, #tpu.memory_space<semaphore_mem>>)
        %mul3A_86 = arith.constant 2 : i32
        %mul3A_87 = arith.muli %scan3A_67, %mul3A_86 : i32
        %add3A_88 = arith.constant 1 : i32
        %add3A_89 = arith.addi %mul3A_87, %add3A_88 : i32
        %dma_wait3A_90 = arith.constant 0 : i32
        %dma_wait3A_91 = tpu.memref_slice %arg9[%add3A_89, %dma_wait3A_90] : memref<40x128xi32, #tpu.memory_space<vmem>> -> memref<1x128xi32, #tpu.memory_space<vmem>>
        %dma_wait3A_92 = tpu.memref_squeeze %dma_wait3A_91 : memref<1x128xi32, #tpu.memory_space<vmem>> -> memref<128xi32, #tpu.memory_space<vmem>>
        %dma_wait3A_93 = arith.constant 0 : i32
        %dma_wait3A_94 = arith.constant 0 : i32
        %dma_wait3A_95 = tpu.memref_slice %arg2[%dma_wait3A_93, %dma_wait3A_94] : memref<10000x128xf32, #tpu.memory_space<hbm>> -> memref<10000x128xf32, #tpu.memory_space<hbm>>
        tpu.wait_indirect_dma semaphore(%arg14 : memref<!tpu.dma_semaphore, #tpu.memory_space<semaphore_mem>>) src(%dma_wait3A_95 : memref<10000x128xf32, #tpu.memory_space<hbm>>) dst(%arg12 : memref<128x128xf32, #tpu.memory_space<vmem>>)
        "tpu.region"() ({
          %run_scoped3A_104 = tpu.sem_alloc : memref<!tpu.dma_semaphore, #tpu.memory_space<semaphore_mem>>
          %dma_start3A_105 = arith.constant 0 : i32
          %dma_start3A_106 = tpu.memref_slice %arg10[%add3A_89, %dma_start3A_105] : memref<40x128xi32, #tpu.memory_space<vmem>> -> memref<1x128xi32, #tpu.memory_space<vmem>>
          %dma_start3A_107 = tpu.memref_squeeze %dma_start3A_106 : memref<1x128xi32, #tpu.memory_space<vmem>> -> memref<128xi32, #tpu.memory_space<vmem>>
          %dma_start3A_108 = arith.constant 0 : i32
          %dma_start3A_109 = arith.constant 0 : i32
          %dma_start3A_110 = tpu.memref_slice %arg7[%dma_start3A_108, %dma_start3A_109] : memref<10240x128xf32, #tpu.memory_space<vmem_shared>> -> memref<10240x128xf32, #tpu.memory_space<vmem_shared>>
          tpu.enqueue_indirect_dma source(%arg12 : memref<128x128xf32, #tpu.memory_space<vmem>>) target(%dma_start3A_110 : memref<10240x128xf32, #tpu.memory_space<vmem_shared>>) offsets(%dma_start3A_107 : memref<128xi32, #tpu.memory_space<vmem>>) semaphore(%run_scoped3A_104 : memref<!tpu.dma_semaphore, #tpu.memory_space<semaphore_mem>>) {add = true}
          %dma_wait3A_111 = arith.constant 0 : i32
          %dma_wait3A_112 = tpu.memref_slice %arg10[%add3A_89, %dma_wait3A_111] : memref<40x128xi32, #tpu.memory_space<vmem>> -> memref<1x128xi32, #tpu.memory_space<vmem>>
          %dma_wait3A_113 = tpu.memref_squeeze %dma_wait3A_112 : memref<1x128xi32, #tpu.memory_space<vmem>> -> memref<128xi32, #tpu.memory_space<vmem>>
          %dma_wait3A_114 = arith.constant 0 : i32
          %dma_wait3A_115 = arith.constant 0 : i32
          %dma_wait3A_116 = tpu.memref_slice %arg7[%dma_wait3A_114, %dma_wait3A_115] : memref<10240x128xf32, #tpu.memory_space<vmem_shared>> -> memref<10240x128xf32, #tpu.memory_space<vmem_shared>>
          tpu.wait_indirect_dma semaphore(%run_scoped3A_104 : memref<!tpu.dma_semaphore, #tpu.memory_space<semaphore_mem>>) src(%arg12 : memref<128x128xf32, #tpu.memory_space<vmem>>) dst(%dma_wait3A_116 : memref<10240x128xf32, #tpu.memory_space<vmem_shared>>)
          tpu.yield
        }) : () -> ()
        %add3A_96 = arith.constant 2 : i32
        %add3A_97 = arith.addi %add3A_89, %add3A_96 : i32
        %dma_start3A_98 = arith.constant 0 : i32
        %dma_start3A_99 = tpu.memref_slice %arg9[%add3A_97, %dma_start3A_98] : memref<40x128xi32, #tpu.memory_space<vmem>> -> memref<1x128xi32, #tpu.memory_space<vmem>>
        %dma_start3A_100 = tpu.memref_squeeze %dma_start3A_99 : memref<1x128xi32, #tpu.memory_space<vmem>> -> memref<128xi32, #tpu.memory_space<vmem>>
        %dma_start3A_101 = arith.constant 0 : i32
        %dma_start3A_102 = arith.constant 0 : i32
        %dma_start3A_103 = tpu.memref_slice %arg2[%dma_start3A_101, %dma_start3A_102] : memref<10000x128xf32, #tpu.memory_space<hbm>> -> memref<10000x128xf32, #tpu.memory_space<hbm>>
        tpu.enqueue_indirect_dma source(%dma_start3A_103 : memref<10000x128xf32, #tpu.memory_space<hbm>>) target(%arg12 : memref<128x128xf32, #tpu.memory_space<vmem>>) offsets(%dma_start3A_100 : memref<128xi32, #tpu.memory_space<vmem>>) semaphore(%arg14 : memref<!tpu.dma_semaphore, #tpu.memory_space<semaphore_mem>>)
      }
      %scan3A_52 = arith.constant 19 : i32
      %dma_wait3A = arith.constant 38 : i32
      %dma_wait3A_53 = arith.constant 0 : i32
      %dma_wait3A_54 = tpu.memref_slice %arg9[%dma_wait3A, %dma_wait3A_53] : memref<40x128xi32, #tpu.memory_space<vmem>> -> memref<1x128xi32, #tpu.memory_space<vmem>>
      %dma_wait3A_55 = tpu.memref_squeeze %dma_wait3A_54 : memref<1x128xi32, #tpu.memory_space<vmem>> -> memref<128xi32, #tpu.memory_space<vmem>>
      %dma_wait3A_56 = arith.constant 0 : i32
      %dma_wait3A_57 = arith.constant 0 : i32
      %dma_wait3A_58 = tpu.memref_slice %arg2[%dma_wait3A_56, %dma_wait3A_57] : memref<10000x128xf32, #tpu.memory_space<hbm>> -> memref<10000x128xf32, #tpu.memory_space<hbm>>
      tpu.wait_indirect_dma semaphore(%arg13 : memref<!tpu.dma_semaphore, #tpu.memory_space<semaphore_mem>>) src(%dma_wait3A_58 : memref<10000x128xf32, #tpu.memory_space<hbm>>) dst(%arg11 : memref<128x128xf32, #tpu.memory_space<vmem>>)
      %run_scoped3A = arith.constant 38 : i32
      "tpu.region"() ({
        %run_scoped3A_67 = tpu.sem_alloc : memref<!tpu.dma_semaphore, #tpu.memory_space<semaphore_mem>>
        %dma_start3A_68 = arith.constant 0 : i32
        %dma_start3A_69 = tpu.memref_slice %arg10[%run_scoped3A, %dma_start3A_68] : memref<40x128xi32, #tpu.memory_space<vmem>> -> memref<1x128xi32, #tpu.memory_space<vmem>>
        %dma_start3A_70 = tpu.memref_squeeze %dma_start3A_69 : memref<1x128xi32, #tpu.memory_space<vmem>> -> memref<128xi32, #tpu.memory_space<vmem>>
        %dma_start3A_71 = arith.constant 0 : i32
        %dma_start3A_72 = arith.constant 0 : i32
        %dma_start3A_73 = tpu.memref_slice %arg7[%dma_start3A_71, %dma_start3A_72] : memref<10240x128xf32, #tpu.memory_space<vmem_shared>> -> memref<10240x128xf32, #tpu.memory_space<vmem_shared>>
        tpu.enqueue_indirect_dma source(%arg11 : memref<128x128xf32, #tpu.memory_space<vmem>>) target(%dma_start3A_73 : memref<10240x128xf32, #tpu.memory_space<vmem_shared>>) offsets(%dma_start3A_70 : memref<128xi32, #tpu.memory_space<vmem>>) semaphore(%run_scoped3A_67 : memref<!tpu.dma_semaphore, #tpu.memory_space<semaphore_mem>>) {add = true}
        %dma_wait3A_74 = arith.constant 0 : i32
        %dma_wait3A_75 = tpu.memref_slice %arg10[%run_scoped3A, %dma_wait3A_74] : memref<40x128xi32, #tpu.memory_space<vmem>> -> memref<1x128xi32, #tpu.memory_space<vmem>>
        %dma_wait3A_76 = tpu.memref_squeeze %dma_wait3A_75 : memref<1x128xi32, #tpu.memory_space<vmem>> -> memref<128xi32, #tpu.memory_space<vmem>>
        %dma_wait3A_77 = arith.constant 0 : i32
        %dma_wait3A_78 = arith.constant 0 : i32
        %dma_wait3A_79 = tpu.memref_slice %arg7[%dma_wait3A_77, %dma_wait3A_78] : memref<10240x128xf32, #tpu.memory_space<vmem_shared>> -> memref<10240x128xf32, #tpu.memory_space<vmem_shared>>
        tpu.wait_indirect_dma semaphore(%run_scoped3A_67 : memref<!tpu.dma_semaphore, #tpu.memory_space<semaphore_mem>>) src(%arg11 : memref<128x128xf32, #tpu.memory_space<vmem>>) dst(%dma_wait3A_79 : memref<10240x128xf32, #tpu.memory_space<vmem_shared>>)
        tpu.yield
      }) : () -> ()
      %dma_wait3A_59 = arith.constant 39 : i32
      %dma_wait3A_60 = arith.constant 0 : i32
      %dma_wait3A_61 = tpu.memref_slice %arg9[%dma_wait3A_59, %dma_wait3A_60] : memref<40x128xi32, #tpu.memory_space<vmem>> -> memref<1x128xi32, #tpu.memory_space<vmem>>
      %dma_wait3A_62 = tpu.memref_squeeze %dma_wait3A_61 : memref<1x128xi32, #tpu.memory_space<vmem>> -> memref<128xi32, #tpu.memory_space<vmem>>
      %dma_wait3A_63 = arith.constant 0 : i32
      %dma_wait3A_64 = arith.constant 0 : i32
      %dma_wait3A_65 = tpu.memref_slice %arg2[%dma_wait3A_63, %dma_wait3A_64] : memref<10000x128xf32, #tpu.memory_space<hbm>> -> memref<10000x128xf32, #tpu.memory_space<hbm>>
      tpu.wait_indirect_dma semaphore(%arg14 : memref<!tpu.dma_semaphore, #tpu.memory_space<semaphore_mem>>) src(%dma_wait3A_65 : memref<10000x128xf32, #tpu.memory_space<hbm>>) dst(%arg12 : memref<128x128xf32, #tpu.memory_space<vmem>>)
      %run_scoped3A_66 = arith.constant 39 : i32
      "tpu.region"() ({
        %run_scoped3A_67 = tpu.sem_alloc : memref<!tpu.dma_semaphore, #tpu.memory_space<semaphore_mem>>
        %dma_start3A_68 = arith.constant 0 : i32
        %dma_start3A_69 = tpu.memref_slice %arg10[%run_scoped3A_66, %dma_start3A_68] : memref<40x128xi32, #tpu.memory_space<vmem>> -> memref<1x128xi32, #tpu.memory_space<vmem>>
        %dma_start3A_70 = tpu.memref_squeeze %dma_start3A_69 : memref<1x128xi32, #tpu.memory_space<vmem>> -> memref<128xi32, #tpu.memory_space<vmem>>
        %dma_start3A_71 = arith.constant 0 : i32
        %dma_start3A_72 = arith.constant 0 : i32
        %dma_start3A_73 = tpu.memref_slice %arg7[%dma_start3A_71, %dma_start3A_72] : memref<10240x128xf32, #tpu.memory_space<vmem_shared>> -> memref<10240x128xf32, #tpu.memory_space<vmem_shared>>
        tpu.enqueue_indirect_dma source(%arg12 : memref<128x128xf32, #tpu.memory_space<vmem>>) target(%dma_start3A_73 : memref<10240x128xf32, #tpu.memory_space<vmem_shared>>) offsets(%dma_start3A_70 : memref<128xi32, #tpu.memory_space<vmem>>) semaphore(%run_scoped3A_67 : memref<!tpu.dma_semaphore, #tpu.memory_space<semaphore_mem>>) {add = true}
        %dma_wait3A_74 = arith.constant 0 : i32
        %dma_wait3A_75 = tpu.memref_slice %arg10[%run_scoped3A_66, %dma_wait3A_74] : memref<40x128xi32, #tpu.memory_space<vmem>> -> memref<1x128xi32, #tpu.memory_space<vmem>>
        %dma_wait3A_76 = tpu.memref_squeeze %dma_wait3A_75 : memref<1x128xi32, #tpu.memory_space<vmem>> -> memref<128xi32, #tpu.memory_space<vmem>>
        %dma_wait3A_77 = arith.constant 0 : i32
        %dma_wait3A_78 = arith.constant 0 : i32
        %dma_wait3A_79 = tpu.memref_slice %arg7[%dma_wait3A_77, %dma_wait3A_78] : memref<10240x128xf32, #tpu.memory_space<vmem_shared>> -> memref<10240x128xf32, #tpu.memory_space<vmem_shared>>
        tpu.wait_indirect_dma semaphore(%run_scoped3A_67 : memref<!tpu.dma_semaphore, #tpu.memory_space<semaphore_mem>>) src(%arg12 : memref<128x128xf32, #tpu.memory_space<vmem>>) dst(%dma_wait3A_79 : memref<10240x128xf32, #tpu.memory_space<vmem_shared>>)
        tpu.yield
      }) : () -> ()
    }
    %scan3A_21 = arith.constant 2 : i32
    %barrier3A_22 = arith.constant 0 : index
    tpu.barrier barrier_id(%barrier3A_22)
    %eq3A = arith.constant 0 : i32
    %eq3A_23 = arith.cmpi eq, %arg0, %eq3A : i32
    %convert_element_type3A = arith.extui %eq3A_23 : i1 to i32
    %cond3A = arith.constant 0 : i32
    %cond3A_24 = arith.cmpi ne, %convert_element_type3A, %cond3A : i32
    scf.if %cond3A_24 {
      %mul3A_30 = arith.constant 640 : i32
      %mul3A_31 = arith.muli %arg1, %mul3A_30 : i32
      %mul3A_32 = arith.constant 640 : i32
      %mul3A_33 = arith.muli %arg1, %mul3A_32 : i32
      "tpu.region"() ({
        %run_scoped3A = tpu.sem_alloc : memref<!tpu.dma_semaphore, #tpu.memory_space<semaphore_mem>>
        %dma_start3A = arith.constant 0 : i32
        %dma_start3A_34 = tpu.memref_slice %arg5[%mul3A_33, %dma_start3A] : memref<10240x128xf32, #tpu.memory_space<hbm>> -> memref<640x128xf32, #tpu.memory_space<hbm>>
        %dma_start3A_35 = arith.constant 0 : i32
        %dma_start3A_36 = tpu.memref_slice %arg7[%mul3A_31, %dma_start3A_35] : memref<10240x128xf32, #tpu.memory_space<vmem_shared>> -> memref<640x128xf32, #tpu.memory_space<vmem_shared>>
        tpu.enqueue_dma source(%dma_start3A_36 : memref<640x128xf32, #tpu.memory_space<vmem_shared>>) target(%dma_start3A_34 : memref<640x128xf32, #tpu.memory_space<hbm>>) target_semaphore(%run_scoped3A : memref<!tpu.dma_semaphore, #tpu.memory_space<semaphore_mem>>)
        %dma_wait3A = arith.constant 0 : i32
        %dma_wait3A_37 = tpu.memref_slice %arg5[%mul3A_33, %dma_wait3A] : memref<10240x128xf32, #tpu.memory_space<hbm>> -> memref<640x128xf32, #tpu.memory_space<hbm>>
        %dma_wait3A_38 = arith.constant 0 : i32
        %dma_wait3A_39 = tpu.memref_slice %arg7[%mul3A_31, %dma_wait3A_38] : memref<10240x128xf32, #tpu.memory_space<vmem_shared>> -> memref<640x128xf32, #tpu.memory_space<vmem_shared>>
        tpu.wait_dma2 semaphore(%run_scoped3A : memref<!tpu.dma_semaphore, #tpu.memory_space<semaphore_mem>>) src(%dma_wait3A_39 : memref<640x128xf32, #tpu.memory_space<vmem_shared>>) dst(%dma_wait3A_37 : memref<640x128xf32, #tpu.memory_space<hbm>>)
        tpu.yield
      }) : () -> ()
    } else {
    }
    %eq3A_25 = arith.constant 1 : i32
    %eq3A_26 = arith.cmpi eq, %arg0, %eq3A_25 : i32
    %convert_element_type3A_27 = arith.extui %eq3A_26 : i1 to i32
    %cond3A_28 = arith.constant 0 : i32
    %cond3A_29 = arith.cmpi ne, %convert_element_type3A_27, %cond3A_28 : i32
    scf.if %cond3A_29 {
      %mul3A_30 = arith.constant 640 : i32
      %mul3A_31 = arith.muli %arg1, %mul3A_30 : i32
      %mul3A_32 = arith.constant 640 : i32
      %mul3A_33 = arith.muli %arg1, %mul3A_32 : i32
      "tpu.region"() ({
        %run_scoped3A = tpu.sem_alloc : memref<!tpu.dma_semaphore, #tpu.memory_space<semaphore_mem>>
        %dma_start3A = arith.constant 0 : i32
        %dma_start3A_34 = tpu.memref_slice %arg6[%mul3A_33, %dma_start3A] : memref<10240x128xf32, #tpu.memory_space<hbm>> -> memref<640x128xf32, #tpu.memory_space<hbm>>
        %dma_start3A_35 = arith.constant 0 : i32
        %dma_start3A_36 = tpu.memref_slice %arg7[%mul3A_31, %dma_start3A_35] : memref<10240x128xf32, #tpu.memory_space<vmem_shared>> -> memref<640x128xf32, #tpu.memory_space<vmem_shared>>
        tpu.enqueue_dma source(%dma_start3A_36 : memref<640x128xf32, #tpu.memory_space<vmem_shared>>) target(%dma_start3A_34 : memref<640x128xf32, #tpu.memory_space<hbm>>) target_semaphore(%run_scoped3A : memref<!tpu.dma_semaphore, #tpu.memory_space<semaphore_mem>>)
        %dma_wait3A = arith.constant 0 : i32
        %dma_wait3A_37 = tpu.memref_slice %arg6[%mul3A_33, %dma_wait3A] : memref<10240x128xf32, #tpu.memory_space<hbm>> -> memref<640x128xf32, #tpu.memory_space<hbm>>
        %dma_wait3A_38 = arith.constant 0 : i32
        %dma_wait3A_39 = tpu.memref_slice %arg7[%mul3A_31, %dma_wait3A_38] : memref<10240x128xf32, #tpu.memory_space<vmem_shared>> -> memref<640x128xf32, #tpu.memory_space<vmem_shared>>
        tpu.wait_dma2 semaphore(%run_scoped3A : memref<!tpu.dma_semaphore, #tpu.memory_space<semaphore_mem>>) src(%dma_wait3A_39 : memref<640x128xf32, #tpu.memory_space<vmem_shared>>) dst(%dma_wait3A_37 : memref<640x128xf32, #tpu.memory_space<hbm>>)
        tpu.yield
      }) : () -> ()
    } else {
    }
    return
  }
}

#map = affine_map<(d0, d1) -> (0, 0)>
module attributes {stable_mosaic.version = 14 : i64} {
  func.func @prop(%arg0: i32, %arg1: i32, %arg2: memref<10000x128xf32, #tpu.memory_space<hbm>>, %arg3: memref<10000x128xf32, #tpu.memory_space<hbm>>, %arg4: memref<2560x128xi32, #tpu.memory_space<hbm>>, %arg5: memref<2560x128xi32, #tpu.memory_space<hbm>>, %arg6: memref<10240x128xf32, #tpu.memory_space<hbm>>, %arg7: memref<10240x128xf32, #tpu.memory_space<hbm>>, %arg8: memref<10240x128xf32, #tpu.memory_space<vmem_shared>>, %arg9: memref<32x128xf32, #tpu.memory_space<vmem>>, %arg10: memref<32x128xi32, #tpu.memory_space<vmem>>, %arg11: memref<32x128xi32, #tpu.memory_space<vmem>>, %arg12: memref<128x128xf32, #tpu.memory_space<vmem>>, %arg13: memref<128x128xf32, #tpu.memory_space<vmem>>, %arg14: memref<!tpu.dma_semaphore, #tpu.memory_space<semaphore_mem>>, %arg15: memref<!tpu.dma_semaphore, #tpu.memory_space<semaphore_mem>>, %arg16: memref<!tpu.dma_semaphore, #tpu.memory_space<semaphore_mem>>, %arg17: memref<!tpu.dma_semaphore, #tpu.memory_space<semaphore_mem>>) attributes {dimension_semantics = [#tpu.dimension_semantics<core_parallel>, #tpu.dimension_semantics<subcore_parallel>], iteration_bounds = array<i64: 2, 16>, scalar_prefetch = 0 : i64, scratch_operands = 10 : i64, tpu.core_type = #tpu.core_type<sc_vector_subcore>, window_params = [{transform_indices = #map}, {transform_indices = #map}, {transform_indices = #map}, {transform_indices = #map}, {transform_indices = #map}, {transform_indices = #map}]} {
    %scan3A = arith.constant 0 : i32
    %scan3A_0 = arith.constant 0 : i32
    %scan3A_1 = arith.constant 256 : i32
    %scan3A_2 = arith.addi %scan3A_0, %scan3A_1 : i32
    %scan3A_3 = arith.constant 1 : i32
    scf.for %scan3A_30 = %scan3A_0 to %scan3A_2 step %scan3A_3  : i32 {
      %broadcast_in_dim3A = arith.constant 0.000000e+00 : f32
      %broadcast_in_dim3A_31 = vector.broadcast %broadcast_in_dim3A : f32 to vector<16xf32>
      %jit3A = arith.constant 8 : i32
      %div3A = arith.divsi %scan3A_30, %jit3A : i32
      %sign3A = arith.constant 0 : i32
      %sign3A_32 = arith.cmpi sgt, %scan3A_30, %sign3A : i32
      %sign3A_33 = arith.extui %sign3A_32 : i1 to i32
      %sign3A_34 = arith.constant 0 : i32
      %sign3A_35 = arith.cmpi slt, %scan3A_30, %sign3A_34 : i32
      %sign3A_36 = arith.extui %sign3A_35 : i1 to i32
      %sign3A_37 = arith.subi %sign3A_33, %sign3A_36 : i32
      %sign3A_38 = arith.constant 0 : i32
      %sign3A_39 = arith.cmpi sgt, %jit3A, %sign3A_38 : i32
      %sign3A_40 = arith.extui %sign3A_39 : i1 to i32
      %sign3A_41 = arith.constant 0 : i32
      %sign3A_42 = arith.cmpi slt, %jit3A, %sign3A_41 : i32
      %sign3A_43 = arith.extui %sign3A_42 : i1 to i32
      %sign3A_44 = arith.subi %sign3A_40, %sign3A_43 : i32
      %ne3A = arith.cmpi ne, %sign3A_37, %sign3A_44 : i32
      %rem3A = arith.remsi %scan3A_30, %jit3A : i32
      %ne3A_45 = arith.constant 0 : i32
      %ne3A_46 = arith.cmpi ne, %rem3A, %ne3A_45 : i32
      %and3A = arith.andi %ne3A, %ne3A_46 : i1
      %sub3A = arith.constant 1 : i32
      %sub3A_47 = arith.subi %div3A, %sub3A : i32
      %select_n3A = arith.select %and3A, %sub3A_47, %div3A : i32
      %jit3A_48 = arith.constant 8 : i32
      %eq3A_49 = arith.constant 0 : i32
      %eq3A_50 = arith.cmpi eq, %jit3A_48, %eq3A_49 : i32
      %jit3A_51 = arith.constant 1 : i32
      %select_n3A_52 = arith.select %eq3A_50, %jit3A_51, %jit3A_48 : i32
      %rem3A_53 = arith.remsi %scan3A_30, %select_n3A_52 : i32
      %ne3A_54 = arith.constant 0 : i32
      %ne3A_55 = arith.cmpi ne, %rem3A_53, %ne3A_54 : i32
      %lt3A = arith.constant 0 : i32
      %lt3A_56 = arith.cmpi slt, %rem3A_53, %lt3A : i32
      %lt3A_57 = arith.constant 0 : i32
      %lt3A_58 = arith.cmpi slt, %select_n3A_52, %lt3A_57 : i32
      %ne3A_59 = arith.xori %lt3A_56, %lt3A_58 : i1
      %and3A_60 = arith.andi %ne3A_59, %ne3A_55 : i1
      %add3A = arith.addi %rem3A_53, %select_n3A_52 : i32
      %select_n3A_61 = arith.select %and3A_60, %add3A, %rem3A_53 : i32
      %mul3A_62 = arith.constant 16 : i32
      %mul3A_63 = arith.muli %select_n3A_61, %mul3A_62 : i32
      %swap3A = arith.index_cast %select_n3A : i32 to index
      %swap3A_64 = arith.index_cast %mul3A_63 : i32 to index
      %swap3A_65 = tpu.vector_load %arg9[%swap3A, %swap3A_64] {strides = array<i32>} : memref<32x128xf32, #tpu.memory_space<vmem>>, vector<1x16xf32>,
      %swap3A_66 = vector.shape_cast %swap3A_65 : vector<1x16xf32> to vector<16xf32>
      %swap3A_67 = vector.shape_cast %broadcast_in_dim3A_31 : vector<16xf32> to vector<1x16xf32>
      tpu.vector_store %arg9[%swap3A, %swap3A_64], %swap3A_67 {strides = array<i32>} : memref<32x128xf32, #tpu.memory_space<vmem>>, vector<1x16xf32>,
    }
    %scan3A_4 = arith.constant 256 : i32
    %scan3A_5 = arith.constant 0 : i32
    %scan3A_6 = arith.constant 0 : i32
    %scan3A_7 = arith.constant 20 : i32
    %scan3A_8 = arith.addi %scan3A_6, %scan3A_7 : i32
    %scan3A_9 = arith.constant 1 : i32
    scf.for %scan3A_30 = %scan3A_6 to %scan3A_8 step %scan3A_9  : i32 {
      %mul3A_31 = arith.constant 640 : i32
      %mul3A_32 = arith.muli %arg1, %mul3A_31 : i32
      %mul3A_33 = arith.constant 32 : i32
      %mul3A_34 = arith.muli %scan3A_30, %mul3A_33 : i32
      %add3A = arith.addi %mul3A_32, %mul3A_34 : i32
      "tpu.region"() ({
        %run_scoped3A = tpu.sem_alloc : memref<!tpu.dma_semaphore, #tpu.memory_space<semaphore_mem>>
        %dma_start3A = arith.constant 0 : i32
        %dma_start3A_35 = tpu.memref_slice %arg8[%add3A, %dma_start3A] : memref<10240x128xf32, #tpu.memory_space<vmem_shared>> -> memref<32x128xf32, #tpu.memory_space<vmem_shared>>
        %dma_start3A_36 = arith.constant 0 : i32
        %dma_start3A_37 = tpu.memref_slice %arg8[%add3A, %dma_start3A_36] : memref<10240x128xf32, #tpu.memory_space<vmem_shared>> -> memref<32x128xf32, #tpu.memory_space<vmem_shared>>
        tpu.enqueue_dma source(%arg9 : memref<32x128xf32, #tpu.memory_space<vmem>>) target(%dma_start3A_37 : memref<32x128xf32, #tpu.memory_space<vmem_shared>>) target_semaphore(%run_scoped3A : memref<!tpu.dma_semaphore, #tpu.memory_space<semaphore_mem>>)
        %dma_wait3A = arith.constant 0 : i32
        %dma_wait3A_38 = tpu.memref_slice %arg8[%add3A, %dma_wait3A] : memref<10240x128xf32, #tpu.memory_space<vmem_shared>> -> memref<32x128xf32, #tpu.memory_space<vmem_shared>>
        %dma_wait3A_39 = arith.constant 0 : i32
        %dma_wait3A_40 = tpu.memref_slice %arg8[%add3A, %dma_wait3A_39] : memref<10240x128xf32, #tpu.memory_space<vmem_shared>> -> memref<32x128xf32, #tpu.memory_space<vmem_shared>>
        tpu.wait_dma2 semaphore(%run_scoped3A : memref<!tpu.dma_semaphore, #tpu.memory_space<semaphore_mem>>) src(%arg9 : memref<32x128xf32, #tpu.memory_space<vmem>>) dst(%dma_wait3A_40 : memref<32x128xf32, #tpu.memory_space<vmem_shared>>)
        tpu.yield
      }) : () -> ()
    }
    %scan3A_10 = arith.constant 20 : i32
    %barrier3A = arith.constant 0 : index
    tpu.barrier barrier_id(%barrier3A)
    %mul3A = arith.constant 160 : i32
    %mul3A_11 = arith.muli %arg1, %mul3A : i32
    %eq3A = arith.constant 0 : i32
    %eq3A_12 = arith.cmpi eq, %arg0, %eq3A : i32
    %convert_element_type3A = arith.extui %eq3A_12 : i1 to i32
    %cond3A = arith.constant 0 : i32
    %cond3A_13 = arith.cmpi ne, %convert_element_type3A, %cond3A : i32
    scf.if %cond3A_13 {
      %scan3A_30 = arith.constant 0 : i32
      %scan3A_31 = arith.constant 0 : i32
      %scan3A_32 = arith.constant 5 : i32
      %scan3A_33 = arith.addi %scan3A_31, %scan3A_32 : i32
      %scan3A_34 = arith.constant 1 : i32
      scf.for %scan3A_36 = %scan3A_31 to %scan3A_33 step %scan3A_34  : i32 {
        %mul3A_37 = arith.constant 32 : i32
        %mul3A_38 = arith.muli %scan3A_36, %mul3A_37 : i32
        %add3A = arith.addi %mul3A_11, %mul3A_38 : i32
        "tpu.region"() ({
          %run_scoped3A_72 = tpu.sem_alloc : memref<!tpu.dma_semaphore, #tpu.memory_space<semaphore_mem>>
          %dma_start3A_73 = arith.constant 0 : i32
          %dma_start3A_74 = tpu.memref_slice %arg4[%add3A, %dma_start3A_73] : memref<2560x128xi32, #tpu.memory_space<hbm>> -> memref<32x128xi32, #tpu.memory_space<hbm>>
          %dma_start3A_75 = arith.constant 0 : i32
          %dma_start3A_76 = tpu.memref_slice %arg4[%add3A, %dma_start3A_75] : memref<2560x128xi32, #tpu.memory_space<hbm>> -> memref<32x128xi32, #tpu.memory_space<hbm>>
          tpu.enqueue_dma source(%dma_start3A_76 : memref<32x128xi32, #tpu.memory_space<hbm>>) target(%arg10 : memref<32x128xi32, #tpu.memory_space<vmem>>) target_semaphore(%run_scoped3A_72 : memref<!tpu.dma_semaphore, #tpu.memory_space<semaphore_mem>>)
          %dma_wait3A_77 = arith.constant 0 : i32
          %dma_wait3A_78 = tpu.memref_slice %arg4[%add3A, %dma_wait3A_77] : memref<2560x128xi32, #tpu.memory_space<hbm>> -> memref<32x128xi32, #tpu.memory_space<hbm>>
          %dma_wait3A_79 = arith.constant 0 : i32
          %dma_wait3A_80 = tpu.memref_slice %arg4[%add3A, %dma_wait3A_79] : memref<2560x128xi32, #tpu.memory_space<hbm>> -> memref<32x128xi32, #tpu.memory_space<hbm>>
          tpu.wait_dma2 semaphore(%run_scoped3A_72 : memref<!tpu.dma_semaphore, #tpu.memory_space<semaphore_mem>>) src(%dma_wait3A_80 : memref<32x128xi32, #tpu.memory_space<hbm>>) dst(%arg10 : memref<32x128xi32, #tpu.memory_space<vmem>>)
          tpu.yield
        }) : () -> ()
        "tpu.region"() ({
          %run_scoped3A_72 = tpu.sem_alloc : memref<!tpu.dma_semaphore, #tpu.memory_space<semaphore_mem>>
          %dma_start3A_73 = arith.constant 0 : i32
          %dma_start3A_74 = tpu.memref_slice %arg5[%add3A, %dma_start3A_73] : memref<2560x128xi32, #tpu.memory_space<hbm>> -> memref<32x128xi32, #tpu.memory_space<hbm>>
          %dma_start3A_75 = arith.constant 0 : i32
          %dma_start3A_76 = tpu.memref_slice %arg5[%add3A, %dma_start3A_75] : memref<2560x128xi32, #tpu.memory_space<hbm>> -> memref<32x128xi32, #tpu.memory_space<hbm>>
          tpu.enqueue_dma source(%dma_start3A_76 : memref<32x128xi32, #tpu.memory_space<hbm>>) target(%arg11 : memref<32x128xi32, #tpu.memory_space<vmem>>) target_semaphore(%run_scoped3A_72 : memref<!tpu.dma_semaphore, #tpu.memory_space<semaphore_mem>>)
          %dma_wait3A_77 = arith.constant 0 : i32
          %dma_wait3A_78 = tpu.memref_slice %arg5[%add3A, %dma_wait3A_77] : memref<2560x128xi32, #tpu.memory_space<hbm>> -> memref<32x128xi32, #tpu.memory_space<hbm>>
          %dma_wait3A_79 = arith.constant 0 : i32
          %dma_wait3A_80 = tpu.memref_slice %arg5[%add3A, %dma_wait3A_79] : memref<2560x128xi32, #tpu.memory_space<hbm>> -> memref<32x128xi32, #tpu.memory_space<hbm>>
          tpu.wait_dma2 semaphore(%run_scoped3A_72 : memref<!tpu.dma_semaphore, #tpu.memory_space<semaphore_mem>>) src(%dma_wait3A_80 : memref<32x128xi32, #tpu.memory_space<hbm>>) dst(%arg11 : memref<32x128xi32, #tpu.memory_space<vmem>>)
          tpu.yield
        }) : () -> ()
        %dma_start3A = arith.constant 0 : i32
        %dma_start3A_39 = arith.constant 0 : i32
        %dma_start3A_40 = tpu.memref_slice %arg10[%dma_start3A, %dma_start3A_39] : memref<32x128xi32, #tpu.memory_space<vmem>> -> memref<1x128xi32, #tpu.memory_space<vmem>>
        %dma_start3A_41 = tpu.memref_squeeze %dma_start3A_40 : memref<1x128xi32, #tpu.memory_space<vmem>> -> memref<128xi32, #tpu.memory_space<vmem>>
        %dma_start3A_42 = arith.constant 0 : i32
        %dma_start3A_43 = arith.constant 0 : i32
        %dma_start3A_44 = tpu.memref_slice %arg2[%dma_start3A_42, %dma_start3A_43] : memref<10000x128xf32, #tpu.memory_space<hbm>> -> memref<10000x128xf32, #tpu.memory_space<hbm>>
        tpu.enqueue_indirect_dma source(%dma_start3A_44 : memref<10000x128xf32, #tpu.memory_space<hbm>>) target(%arg12 : memref<128x128xf32, #tpu.memory_space<vmem>>) offsets(%dma_start3A_41 : memref<128xi32, #tpu.memory_space<vmem>>) semaphore(%arg14 : memref<!tpu.dma_semaphore, #tpu.memory_space<semaphore_mem>>)
        %dma_start3A_45 = arith.constant 1 : i32
        %dma_start3A_46 = arith.constant 0 : i32
        %dma_start3A_47 = tpu.memref_slice %arg10[%dma_start3A_45, %dma_start3A_46] : memref<32x128xi32, #tpu.memory_space<vmem>> -> memref<1x128xi32, #tpu.memory_space<vmem>>
        %dma_start3A_48 = tpu.memref_squeeze %dma_start3A_47 : memref<1x128xi32, #tpu.memory_space<vmem>> -> memref<128xi32, #tpu.memory_space<vmem>>
        %dma_start3A_49 = arith.constant 0 : i32
        %dma_start3A_50 = arith.constant 0 : i32
        %dma_start3A_51 = tpu.memref_slice %arg2[%dma_start3A_49, %dma_start3A_50] : memref<10000x128xf32, #tpu.memory_space<hbm>> -> memref<10000x128xf32, #tpu.memory_space<hbm>>
        tpu.enqueue_indirect_dma source(%dma_start3A_51 : memref<10000x128xf32, #tpu.memory_space<hbm>>) target(%arg13 : memref<128x128xf32, #tpu.memory_space<vmem>>) offsets(%dma_start3A_48 : memref<128xi32, #tpu.memory_space<vmem>>) semaphore(%arg15 : memref<!tpu.dma_semaphore, #tpu.memory_space<semaphore_mem>>)
        %scan3A_52 = arith.constant 0 : i32
        %scan3A_53 = arith.constant 0 : i32
        %scan3A_54 = arith.constant 15 : i32
        %scan3A_55 = arith.addi %scan3A_53, %scan3A_54 : i32
        %scan3A_56 = arith.constant 1 : i32
        scf.for %scan3A_72 = %scan3A_53 to %scan3A_55 step %scan3A_56  : i32 {
          %mul3A_73 = arith.constant 2 : i32
          %mul3A_74 = arith.muli %scan3A_72, %mul3A_73 : i32
          %add3A_75 = arith.constant 0 : i32
          %add3A_76 = arith.addi %mul3A_74, %add3A_75 : i32
          %dma_wait3A_77 = arith.constant 0 : i32
          %dma_wait3A_78 = tpu.memref_slice %arg10[%add3A_76, %dma_wait3A_77] : memref<32x128xi32, #tpu.memory_space<vmem>> -> memref<1x128xi32, #tpu.memory_space<vmem>>
          %dma_wait3A_79 = tpu.memref_squeeze %dma_wait3A_78 : memref<1x128xi32, #tpu.memory_space<vmem>> -> memref<128xi32, #tpu.memory_space<vmem>>
          %dma_wait3A_80 = arith.constant 0 : i32
          %dma_wait3A_81 = arith.constant 0 : i32
          %dma_wait3A_82 = tpu.memref_slice %arg2[%dma_wait3A_80, %dma_wait3A_81] : memref<10000x128xf32, #tpu.memory_space<hbm>> -> memref<10000x128xf32, #tpu.memory_space<hbm>>
          tpu.wait_indirect_dma semaphore(%arg14 : memref<!tpu.dma_semaphore, #tpu.memory_space<semaphore_mem>>) src(%dma_wait3A_82 : memref<10000x128xf32, #tpu.memory_space<hbm>>) dst(%arg12 : memref<128x128xf32, #tpu.memory_space<vmem>>)
          "tpu.region"() ({
            %run_scoped3A_109 = tpu.sem_alloc : memref<!tpu.dma_semaphore, #tpu.memory_space<semaphore_mem>>
            %dma_start3A_110 = arith.constant 0 : i32
            %dma_start3A_111 = tpu.memref_slice %arg11[%add3A_76, %dma_start3A_110] : memref<32x128xi32, #tpu.memory_space<vmem>> -> memref<1x128xi32, #tpu.memory_space<vmem>>
            %dma_start3A_112 = tpu.memref_squeeze %dma_start3A_111 : memref<1x128xi32, #tpu.memory_space<vmem>> -> memref<128xi32, #tpu.memory_space<vmem>>
            %dma_start3A_113 = arith.constant 0 : i32
            %dma_start3A_114 = arith.constant 0 : i32
            %dma_start3A_115 = tpu.memref_slice %arg8[%dma_start3A_113, %dma_start3A_114] : memref<10240x128xf32, #tpu.memory_space<vmem_shared>> -> memref<10240x128xf32, #tpu.memory_space<vmem_shared>>
            tpu.enqueue_indirect_dma source(%arg12 : memref<128x128xf32, #tpu.memory_space<vmem>>) target(%dma_start3A_115 : memref<10240x128xf32, #tpu.memory_space<vmem_shared>>) offsets(%dma_start3A_112 : memref<128xi32, #tpu.memory_space<vmem>>) semaphore(%run_scoped3A_109 : memref<!tpu.dma_semaphore, #tpu.memory_space<semaphore_mem>>) {add = true}
            %dma_wait3A_116 = arith.constant 0 : i32
            %dma_wait3A_117 = tpu.memref_slice %arg11[%add3A_76, %dma_wait3A_116] : memref<32x128xi32, #tpu.memory_space<vmem>> -> memref<1x128xi32, #tpu.memory_space<vmem>>
            %dma_wait3A_118 = tpu.memref_squeeze %dma_wait3A_117 : memref<1x128xi32, #tpu.memory_space<vmem>> -> memref<128xi32, #tpu.memory_space<vmem>>
            %dma_wait3A_119 = arith.constant 0 : i32
            %dma_wait3A_120 = arith.constant 0 : i32
            %dma_wait3A_121 = tpu.memref_slice %arg8[%dma_wait3A_119, %dma_wait3A_120] : memref<10240x128xf32, #tpu.memory_space<vmem_shared>> -> memref<10240x128xf32, #tpu.memory_space<vmem_shared>>
            tpu.wait_indirect_dma semaphore(%run_scoped3A_109 : memref<!tpu.dma_semaphore, #tpu.memory_space<semaphore_mem>>) src(%arg12 : memref<128x128xf32, #tpu.memory_space<vmem>>) dst(%dma_wait3A_121 : memref<10240x128xf32, #tpu.memory_space<vmem_shared>>)
            tpu.yield
          }) : () -> ()
          %add3A_83 = arith.constant 2 : i32
          %add3A_84 = arith.addi %add3A_76, %add3A_83 : i32
          %dma_start3A_85 = arith.constant 0 : i32
          %dma_start3A_86 = tpu.memref_slice %arg10[%add3A_84, %dma_start3A_85] : memref<32x128xi32, #tpu.memory_space<vmem>> -> memref<1x128xi32, #tpu.memory_space<vmem>>
          %dma_start3A_87 = tpu.memref_squeeze %dma_start3A_86 : memref<1x128xi32, #tpu.memory_space<vmem>> -> memref<128xi32, #tpu.memory_space<vmem>>
          %dma_start3A_88 = arith.constant 0 : i32
          %dma_start3A_89 = arith.constant 0 : i32
          %dma_start3A_90 = tpu.memref_slice %arg2[%dma_start3A_88, %dma_start3A_89] : memref<10000x128xf32, #tpu.memory_space<hbm>> -> memref<10000x128xf32, #tpu.memory_space<hbm>>
          tpu.enqueue_indirect_dma source(%dma_start3A_90 : memref<10000x128xf32, #tpu.memory_space<hbm>>) target(%arg12 : memref<128x128xf32, #tpu.memory_space<vmem>>) offsets(%dma_start3A_87 : memref<128xi32, #tpu.memory_space<vmem>>) semaphore(%arg14 : memref<!tpu.dma_semaphore, #tpu.memory_space<semaphore_mem>>)
          %mul3A_91 = arith.constant 2 : i32
          %mul3A_92 = arith.muli %scan3A_72, %mul3A_91 : i32
          %add3A_93 = arith.constant 1 : i32
          %add3A_94 = arith.addi %mul3A_92, %add3A_93 : i32
          %dma_wait3A_95 = arith.constant 0 : i32
          %dma_wait3A_96 = tpu.memref_slice %arg10[%add3A_94, %dma_wait3A_95] : memref<32x128xi32, #tpu.memory_space<vmem>> -> memref<1x128xi32, #tpu.memory_space<vmem>>
          %dma_wait3A_97 = tpu.memref_squeeze %dma_wait3A_96 : memref<1x128xi32, #tpu.memory_space<vmem>> -> memref<128xi32, #tpu.memory_space<vmem>>
          %dma_wait3A_98 = arith.constant 0 : i32
          %dma_wait3A_99 = arith.constant 0 : i32
          %dma_wait3A_100 = tpu.memref_slice %arg2[%dma_wait3A_98, %dma_wait3A_99] : memref<10000x128xf32, #tpu.memory_space<hbm>> -> memref<10000x128xf32, #tpu.memory_space<hbm>>
          tpu.wait_indirect_dma semaphore(%arg15 : memref<!tpu.dma_semaphore, #tpu.memory_space<semaphore_mem>>) src(%dma_wait3A_100 : memref<10000x128xf32, #tpu.memory_space<hbm>>) dst(%arg13 : memref<128x128xf32, #tpu.memory_space<vmem>>)
          "tpu.region"() ({
            %run_scoped3A_109 = tpu.sem_alloc : memref<!tpu.dma_semaphore, #tpu.memory_space<semaphore_mem>>
            %dma_start3A_110 = arith.constant 0 : i32
            %dma_start3A_111 = tpu.memref_slice %arg11[%add3A_94, %dma_start3A_110] : memref<32x128xi32, #tpu.memory_space<vmem>> -> memref<1x128xi32, #tpu.memory_space<vmem>>
            %dma_start3A_112 = tpu.memref_squeeze %dma_start3A_111 : memref<1x128xi32, #tpu.memory_space<vmem>> -> memref<128xi32, #tpu.memory_space<vmem>>
            %dma_start3A_113 = arith.constant 0 : i32
            %dma_start3A_114 = arith.constant 0 : i32
            %dma_start3A_115 = tpu.memref_slice %arg8[%dma_start3A_113, %dma_start3A_114] : memref<10240x128xf32, #tpu.memory_space<vmem_shared>> -> memref<10240x128xf32, #tpu.memory_space<vmem_shared>>
            tpu.enqueue_indirect_dma source(%arg13 : memref<128x128xf32, #tpu.memory_space<vmem>>) target(%dma_start3A_115 : memref<10240x128xf32, #tpu.memory_space<vmem_shared>>) offsets(%dma_start3A_112 : memref<128xi32, #tpu.memory_space<vmem>>) semaphore(%run_scoped3A_109 : memref<!tpu.dma_semaphore, #tpu.memory_space<semaphore_mem>>) {add = true}
            %dma_wait3A_116 = arith.constant 0 : i32
            %dma_wait3A_117 = tpu.memref_slice %arg11[%add3A_94, %dma_wait3A_116] : memref<32x128xi32, #tpu.memory_space<vmem>> -> memref<1x128xi32, #tpu.memory_space<vmem>>
            %dma_wait3A_118 = tpu.memref_squeeze %dma_wait3A_117 : memref<1x128xi32, #tpu.memory_space<vmem>> -> memref<128xi32, #tpu.memory_space<vmem>>
            %dma_wait3A_119 = arith.constant 0 : i32
            %dma_wait3A_120 = arith.constant 0 : i32
            %dma_wait3A_121 = tpu.memref_slice %arg8[%dma_wait3A_119, %dma_wait3A_120] : memref<10240x128xf32, #tpu.memory_space<vmem_shared>> -> memref<10240x128xf32, #tpu.memory_space<vmem_shared>>
            tpu.wait_indirect_dma semaphore(%run_scoped3A_109 : memref<!tpu.dma_semaphore, #tpu.memory_space<semaphore_mem>>) src(%arg13 : memref<128x128xf32, #tpu.memory_space<vmem>>) dst(%dma_wait3A_121 : memref<10240x128xf32, #tpu.memory_space<vmem_shared>>)
            tpu.yield
          }) : () -> ()
          %add3A_101 = arith.constant 2 : i32
          %add3A_102 = arith.addi %add3A_94, %add3A_101 : i32
          %dma_start3A_103 = arith.constant 0 : i32
          %dma_start3A_104 = tpu.memref_slice %arg10[%add3A_102, %dma_start3A_103] : memref<32x128xi32, #tpu.memory_space<vmem>> -> memref<1x128xi32, #tpu.memory_space<vmem>>
          %dma_start3A_105 = tpu.memref_squeeze %dma_start3A_104 : memref<1x128xi32, #tpu.memory_space<vmem>> -> memref<128xi32, #tpu.memory_space<vmem>>
          %dma_start3A_106 = arith.constant 0 : i32
          %dma_start3A_107 = arith.constant 0 : i32
          %dma_start3A_108 = tpu.memref_slice %arg2[%dma_start3A_106, %dma_start3A_107] : memref<10000x128xf32, #tpu.memory_space<hbm>> -> memref<10000x128xf32, #tpu.memory_space<hbm>>
          tpu.enqueue_indirect_dma source(%dma_start3A_108 : memref<10000x128xf32, #tpu.memory_space<hbm>>) target(%arg13 : memref<128x128xf32, #tpu.memory_space<vmem>>) offsets(%dma_start3A_105 : memref<128xi32, #tpu.memory_space<vmem>>) semaphore(%arg15 : memref<!tpu.dma_semaphore, #tpu.memory_space<semaphore_mem>>)
        }
        %scan3A_57 = arith.constant 15 : i32
        %dma_wait3A = arith.constant 30 : i32
        %dma_wait3A_58 = arith.constant 0 : i32
        %dma_wait3A_59 = tpu.memref_slice %arg10[%dma_wait3A, %dma_wait3A_58] : memref<32x128xi32, #tpu.memory_space<vmem>> -> memref<1x128xi32, #tpu.memory_space<vmem>>
        %dma_wait3A_60 = tpu.memref_squeeze %dma_wait3A_59 : memref<1x128xi32, #tpu.memory_space<vmem>> -> memref<128xi32, #tpu.memory_space<vmem>>
        %dma_wait3A_61 = arith.constant 0 : i32
        %dma_wait3A_62 = arith.constant 0 : i32
        %dma_wait3A_63 = tpu.memref_slice %arg2[%dma_wait3A_61, %dma_wait3A_62] : memref<10000x128xf32, #tpu.memory_space<hbm>> -> memref<10000x128xf32, #tpu.memory_space<hbm>>
        tpu.wait_indirect_dma semaphore(%arg14 : memref<!tpu.dma_semaphore, #tpu.memory_space<semaphore_mem>>) src(%dma_wait3A_63 : memref<10000x128xf32, #tpu.memory_space<hbm>>) dst(%arg12 : memref<128x128xf32, #tpu.memory_space<vmem>>)
        %run_scoped3A = arith.constant 30 : i32
        "tpu.region"() ({
          %run_scoped3A_72 = tpu.sem_alloc : memref<!tpu.dma_semaphore, #tpu.memory_space<semaphore_mem>>
          %dma_start3A_73 = arith.constant 0 : i32
          %dma_start3A_74 = tpu.memref_slice %arg11[%run_scoped3A, %dma_start3A_73] : memref<32x128xi32, #tpu.memory_space<vmem>> -> memref<1x128xi32, #tpu.memory_space<vmem>>
          %dma_start3A_75 = tpu.memref_squeeze %dma_start3A_74 : memref<1x128xi32, #tpu.memory_space<vmem>> -> memref<128xi32, #tpu.memory_space<vmem>>
          %dma_start3A_76 = arith.constant 0 : i32
          %dma_start3A_77 = arith.constant 0 : i32
          %dma_start3A_78 = tpu.memref_slice %arg8[%dma_start3A_76, %dma_start3A_77] : memref<10240x128xf32, #tpu.memory_space<vmem_shared>> -> memref<10240x128xf32, #tpu.memory_space<vmem_shared>>
          tpu.enqueue_indirect_dma source(%arg12 : memref<128x128xf32, #tpu.memory_space<vmem>>) target(%dma_start3A_78 : memref<10240x128xf32, #tpu.memory_space<vmem_shared>>) offsets(%dma_start3A_75 : memref<128xi32, #tpu.memory_space<vmem>>) semaphore(%run_scoped3A_72 : memref<!tpu.dma_semaphore, #tpu.memory_space<semaphore_mem>>) {add = true}
          %dma_wait3A_79 = arith.constant 0 : i32
          %dma_wait3A_80 = tpu.memref_slice %arg11[%run_scoped3A, %dma_wait3A_79] : memref<32x128xi32, #tpu.memory_space<vmem>> -> memref<1x128xi32, #tpu.memory_space<vmem>>
          %dma_wait3A_81 = tpu.memref_squeeze %dma_wait3A_80 : memref<1x128xi32, #tpu.memory_space<vmem>> -> memref<128xi32, #tpu.memory_space<vmem>>
          %dma_wait3A_82 = arith.constant 0 : i32
          %dma_wait3A_83 = arith.constant 0 : i32
          %dma_wait3A_84 = tpu.memref_slice %arg8[%dma_wait3A_82, %dma_wait3A_83] : memref<10240x128xf32, #tpu.memory_space<vmem_shared>> -> memref<10240x128xf32, #tpu.memory_space<vmem_shared>>
          tpu.wait_indirect_dma semaphore(%run_scoped3A_72 : memref<!tpu.dma_semaphore, #tpu.memory_space<semaphore_mem>>) src(%arg12 : memref<128x128xf32, #tpu.memory_space<vmem>>) dst(%dma_wait3A_84 : memref<10240x128xf32, #tpu.memory_space<vmem_shared>>)
          tpu.yield
        }) : () -> ()
        %dma_wait3A_64 = arith.constant 31 : i32
        %dma_wait3A_65 = arith.constant 0 : i32
        %dma_wait3A_66 = tpu.memref_slice %arg10[%dma_wait3A_64, %dma_wait3A_65] : memref<32x128xi32, #tpu.memory_space<vmem>> -> memref<1x128xi32, #tpu.memory_space<vmem>>
        %dma_wait3A_67 = tpu.memref_squeeze %dma_wait3A_66 : memref<1x128xi32, #tpu.memory_space<vmem>> -> memref<128xi32, #tpu.memory_space<vmem>>
        %dma_wait3A_68 = arith.constant 0 : i32
        %dma_wait3A_69 = arith.constant 0 : i32
        %dma_wait3A_70 = tpu.memref_slice %arg2[%dma_wait3A_68, %dma_wait3A_69] : memref<10000x128xf32, #tpu.memory_space<hbm>> -> memref<10000x128xf32, #tpu.memory_space<hbm>>
        tpu.wait_indirect_dma semaphore(%arg15 : memref<!tpu.dma_semaphore, #tpu.memory_space<semaphore_mem>>) src(%dma_wait3A_70 : memref<10000x128xf32, #tpu.memory_space<hbm>>) dst(%arg13 : memref<128x128xf32, #tpu.memory_space<vmem>>)
        %run_scoped3A_71 = arith.constant 31 : i32
        "tpu.region"() ({
          %run_scoped3A_72 = tpu.sem_alloc : memref<!tpu.dma_semaphore, #tpu.memory_space<semaphore_mem>>
          %dma_start3A_73 = arith.constant 0 : i32
          %dma_start3A_74 = tpu.memref_slice %arg11[%run_scoped3A_71, %dma_start3A_73] : memref<32x128xi32, #tpu.memory_space<vmem>> -> memref<1x128xi32, #tpu.memory_space<vmem>>
          %dma_start3A_75 = tpu.memref_squeeze %dma_start3A_74 : memref<1x128xi32, #tpu.memory_space<vmem>> -> memref<128xi32, #tpu.memory_space<vmem>>
          %dma_start3A_76 = arith.constant 0 : i32
          %dma_start3A_77 = arith.constant 0 : i32
          %dma_start3A_78 = tpu.memref_slice %arg8[%dma_start3A_76, %dma_start3A_77] : memref<10240x128xf32, #tpu.memory_space<vmem_shared>> -> memref<10240x128xf32, #tpu.memory_space<vmem_shared>>
          tpu.enqueue_indirect_dma source(%arg13 : memref<128x128xf32, #tpu.memory_space<vmem>>) target(%dma_start3A_78 : memref<10240x128xf32, #tpu.memory_space<vmem_shared>>) offsets(%dma_start3A_75 : memref<128xi32, #tpu.memory_space<vmem>>) semaphore(%run_scoped3A_72 : memref<!tpu.dma_semaphore, #tpu.memory_space<semaphore_mem>>) {add = true}
          %dma_wait3A_79 = arith.constant 0 : i32
          %dma_wait3A_80 = tpu.memref_slice %arg11[%run_scoped3A_71, %dma_wait3A_79] : memref<32x128xi32, #tpu.memory_space<vmem>> -> memref<1x128xi32, #tpu.memory_space<vmem>>
          %dma_wait3A_81 = tpu.memref_squeeze %dma_wait3A_80 : memref<1x128xi32, #tpu.memory_space<vmem>> -> memref<128xi32, #tpu.memory_space<vmem>>
          %dma_wait3A_82 = arith.constant 0 : i32
          %dma_wait3A_83 = arith.constant 0 : i32
          %dma_wait3A_84 = tpu.memref_slice %arg8[%dma_wait3A_82, %dma_wait3A_83] : memref<10240x128xf32, #tpu.memory_space<vmem_shared>> -> memref<10240x128xf32, #tpu.memory_space<vmem_shared>>
          tpu.wait_indirect_dma semaphore(%run_scoped3A_72 : memref<!tpu.dma_semaphore, #tpu.memory_space<semaphore_mem>>) src(%arg13 : memref<128x128xf32, #tpu.memory_space<vmem>>) dst(%dma_wait3A_84 : memref<10240x128xf32, #tpu.memory_space<vmem_shared>>)
          tpu.yield
        }) : () -> ()
      }
      %scan3A_35 = arith.constant 5 : i32
    } else {
    }
    %eq3A_14 = arith.constant 1 : i32
    %eq3A_15 = arith.cmpi eq, %arg0, %eq3A_14 : i32
    %convert_element_type3A_16 = arith.extui %eq3A_15 : i1 to i32
    %cond3A_17 = arith.constant 0 : i32
    %cond3A_18 = arith.cmpi ne, %convert_element_type3A_16, %cond3A_17 : i32
    scf.if %cond3A_18 {
      %scan3A_30 = arith.constant 0 : i32
      %scan3A_31 = arith.constant 0 : i32
      %scan3A_32 = arith.constant 5 : i32
      %scan3A_33 = arith.addi %scan3A_31, %scan3A_32 : i32
      %scan3A_34 = arith.constant 1 : i32
      scf.for %scan3A_36 = %scan3A_31 to %scan3A_33 step %scan3A_34  : i32 {
        %mul3A_37 = arith.constant 32 : i32
        %mul3A_38 = arith.muli %scan3A_36, %mul3A_37 : i32
        %add3A = arith.addi %mul3A_11, %mul3A_38 : i32
        "tpu.region"() ({
          %run_scoped3A_72 = tpu.sem_alloc : memref<!tpu.dma_semaphore, #tpu.memory_space<semaphore_mem>>
          %dma_start3A_73 = arith.constant 0 : i32
          %dma_start3A_74 = tpu.memref_slice %arg4[%add3A, %dma_start3A_73] : memref<2560x128xi32, #tpu.memory_space<hbm>> -> memref<32x128xi32, #tpu.memory_space<hbm>>
          %dma_start3A_75 = arith.constant 0 : i32
          %dma_start3A_76 = tpu.memref_slice %arg4[%add3A, %dma_start3A_75] : memref<2560x128xi32, #tpu.memory_space<hbm>> -> memref<32x128xi32, #tpu.memory_space<hbm>>
          tpu.enqueue_dma source(%dma_start3A_76 : memref<32x128xi32, #tpu.memory_space<hbm>>) target(%arg10 : memref<32x128xi32, #tpu.memory_space<vmem>>) target_semaphore(%run_scoped3A_72 : memref<!tpu.dma_semaphore, #tpu.memory_space<semaphore_mem>>)
          %dma_wait3A_77 = arith.constant 0 : i32
          %dma_wait3A_78 = tpu.memref_slice %arg4[%add3A, %dma_wait3A_77] : memref<2560x128xi32, #tpu.memory_space<hbm>> -> memref<32x128xi32, #tpu.memory_space<hbm>>
          %dma_wait3A_79 = arith.constant 0 : i32
          %dma_wait3A_80 = tpu.memref_slice %arg4[%add3A, %dma_wait3A_79] : memref<2560x128xi32, #tpu.memory_space<hbm>> -> memref<32x128xi32, #tpu.memory_space<hbm>>
          tpu.wait_dma2 semaphore(%run_scoped3A_72 : memref<!tpu.dma_semaphore, #tpu.memory_space<semaphore_mem>>) src(%dma_wait3A_80 : memref<32x128xi32, #tpu.memory_space<hbm>>) dst(%arg10 : memref<32x128xi32, #tpu.memory_space<vmem>>)
          tpu.yield
        }) : () -> ()
        "tpu.region"() ({
          %run_scoped3A_72 = tpu.sem_alloc : memref<!tpu.dma_semaphore, #tpu.memory_space<semaphore_mem>>
          %dma_start3A_73 = arith.constant 0 : i32
          %dma_start3A_74 = tpu.memref_slice %arg5[%add3A, %dma_start3A_73] : memref<2560x128xi32, #tpu.memory_space<hbm>> -> memref<32x128xi32, #tpu.memory_space<hbm>>
          %dma_start3A_75 = arith.constant 0 : i32
          %dma_start3A_76 = tpu.memref_slice %arg5[%add3A, %dma_start3A_75] : memref<2560x128xi32, #tpu.memory_space<hbm>> -> memref<32x128xi32, #tpu.memory_space<hbm>>
          tpu.enqueue_dma source(%dma_start3A_76 : memref<32x128xi32, #tpu.memory_space<hbm>>) target(%arg11 : memref<32x128xi32, #tpu.memory_space<vmem>>) target_semaphore(%run_scoped3A_72 : memref<!tpu.dma_semaphore, #tpu.memory_space<semaphore_mem>>)
          %dma_wait3A_77 = arith.constant 0 : i32
          %dma_wait3A_78 = tpu.memref_slice %arg5[%add3A, %dma_wait3A_77] : memref<2560x128xi32, #tpu.memory_space<hbm>> -> memref<32x128xi32, #tpu.memory_space<hbm>>
          %dma_wait3A_79 = arith.constant 0 : i32
          %dma_wait3A_80 = tpu.memref_slice %arg5[%add3A, %dma_wait3A_79] : memref<2560x128xi32, #tpu.memory_space<hbm>> -> memref<32x128xi32, #tpu.memory_space<hbm>>
          tpu.wait_dma2 semaphore(%run_scoped3A_72 : memref<!tpu.dma_semaphore, #tpu.memory_space<semaphore_mem>>) src(%dma_wait3A_80 : memref<32x128xi32, #tpu.memory_space<hbm>>) dst(%arg11 : memref<32x128xi32, #tpu.memory_space<vmem>>)
          tpu.yield
        }) : () -> ()
        %dma_start3A = arith.constant 0 : i32
        %dma_start3A_39 = arith.constant 0 : i32
        %dma_start3A_40 = tpu.memref_slice %arg10[%dma_start3A, %dma_start3A_39] : memref<32x128xi32, #tpu.memory_space<vmem>> -> memref<1x128xi32, #tpu.memory_space<vmem>>
        %dma_start3A_41 = tpu.memref_squeeze %dma_start3A_40 : memref<1x128xi32, #tpu.memory_space<vmem>> -> memref<128xi32, #tpu.memory_space<vmem>>
        %dma_start3A_42 = arith.constant 0 : i32
        %dma_start3A_43 = arith.constant 0 : i32
        %dma_start3A_44 = tpu.memref_slice %arg3[%dma_start3A_42, %dma_start3A_43] : memref<10000x128xf32, #tpu.memory_space<hbm>> -> memref<10000x128xf32, #tpu.memory_space<hbm>>
        tpu.enqueue_indirect_dma source(%dma_start3A_44 : memref<10000x128xf32, #tpu.memory_space<hbm>>) target(%arg12 : memref<128x128xf32, #tpu.memory_space<vmem>>) offsets(%dma_start3A_41 : memref<128xi32, #tpu.memory_space<vmem>>) semaphore(%arg14 : memref<!tpu.dma_semaphore, #tpu.memory_space<semaphore_mem>>)
        %dma_start3A_45 = arith.constant 1 : i32
        %dma_start3A_46 = arith.constant 0 : i32
        %dma_start3A_47 = tpu.memref_slice %arg10[%dma_start3A_45, %dma_start3A_46] : memref<32x128xi32, #tpu.memory_space<vmem>> -> memref<1x128xi32, #tpu.memory_space<vmem>>
        %dma_start3A_48 = tpu.memref_squeeze %dma_start3A_47 : memref<1x128xi32, #tpu.memory_space<vmem>> -> memref<128xi32, #tpu.memory_space<vmem>>
        %dma_start3A_49 = arith.constant 0 : i32
        %dma_start3A_50 = arith.constant 0 : i32
        %dma_start3A_51 = tpu.memref_slice %arg3[%dma_start3A_49, %dma_start3A_50] : memref<10000x128xf32, #tpu.memory_space<hbm>> -> memref<10000x128xf32, #tpu.memory_space<hbm>>
        tpu.enqueue_indirect_dma source(%dma_start3A_51 : memref<10000x128xf32, #tpu.memory_space<hbm>>) target(%arg13 : memref<128x128xf32, #tpu.memory_space<vmem>>) offsets(%dma_start3A_48 : memref<128xi32, #tpu.memory_space<vmem>>) semaphore(%arg15 : memref<!tpu.dma_semaphore, #tpu.memory_space<semaphore_mem>>)
        %scan3A_52 = arith.constant 0 : i32
        %scan3A_53 = arith.constant 0 : i32
        %scan3A_54 = arith.constant 15 : i32
        %scan3A_55 = arith.addi %scan3A_53, %scan3A_54 : i32
        %scan3A_56 = arith.constant 1 : i32
        scf.for %scan3A_72 = %scan3A_53 to %scan3A_55 step %scan3A_56  : i32 {
          %mul3A_73 = arith.constant 2 : i32
          %mul3A_74 = arith.muli %scan3A_72, %mul3A_73 : i32
          %add3A_75 = arith.constant 0 : i32
          %add3A_76 = arith.addi %mul3A_74, %add3A_75 : i32
          %dma_wait3A_77 = arith.constant 0 : i32
          %dma_wait3A_78 = tpu.memref_slice %arg10[%add3A_76, %dma_wait3A_77] : memref<32x128xi32, #tpu.memory_space<vmem>> -> memref<1x128xi32, #tpu.memory_space<vmem>>
          %dma_wait3A_79 = tpu.memref_squeeze %dma_wait3A_78 : memref<1x128xi32, #tpu.memory_space<vmem>> -> memref<128xi32, #tpu.memory_space<vmem>>
          %dma_wait3A_80 = arith.constant 0 : i32
          %dma_wait3A_81 = arith.constant 0 : i32
          %dma_wait3A_82 = tpu.memref_slice %arg3[%dma_wait3A_80, %dma_wait3A_81] : memref<10000x128xf32, #tpu.memory_space<hbm>> -> memref<10000x128xf32, #tpu.memory_space<hbm>>
          tpu.wait_indirect_dma semaphore(%arg14 : memref<!tpu.dma_semaphore, #tpu.memory_space<semaphore_mem>>) src(%dma_wait3A_82 : memref<10000x128xf32, #tpu.memory_space<hbm>>) dst(%arg12 : memref<128x128xf32, #tpu.memory_space<vmem>>)
          "tpu.region"() ({
            %run_scoped3A_109 = tpu.sem_alloc : memref<!tpu.dma_semaphore, #tpu.memory_space<semaphore_mem>>
            %dma_start3A_110 = arith.constant 0 : i32
            %dma_start3A_111 = tpu.memref_slice %arg11[%add3A_76, %dma_start3A_110] : memref<32x128xi32, #tpu.memory_space<vmem>> -> memref<1x128xi32, #tpu.memory_space<vmem>>
            %dma_start3A_112 = tpu.memref_squeeze %dma_start3A_111 : memref<1x128xi32, #tpu.memory_space<vmem>> -> memref<128xi32, #tpu.memory_space<vmem>>
            %dma_start3A_113 = arith.constant 0 : i32
            %dma_start3A_114 = arith.constant 0 : i32
            %dma_start3A_115 = tpu.memref_slice %arg8[%dma_start3A_113, %dma_start3A_114] : memref<10240x128xf32, #tpu.memory_space<vmem_shared>> -> memref<10240x128xf32, #tpu.memory_space<vmem_shared>>
            tpu.enqueue_indirect_dma source(%arg12 : memref<128x128xf32, #tpu.memory_space<vmem>>) target(%dma_start3A_115 : memref<10240x128xf32, #tpu.memory_space<vmem_shared>>) offsets(%dma_start3A_112 : memref<128xi32, #tpu.memory_space<vmem>>) semaphore(%run_scoped3A_109 : memref<!tpu.dma_semaphore, #tpu.memory_space<semaphore_mem>>) {add = true}
            %dma_wait3A_116 = arith.constant 0 : i32
            %dma_wait3A_117 = tpu.memref_slice %arg11[%add3A_76, %dma_wait3A_116] : memref<32x128xi32, #tpu.memory_space<vmem>> -> memref<1x128xi32, #tpu.memory_space<vmem>>
            %dma_wait3A_118 = tpu.memref_squeeze %dma_wait3A_117 : memref<1x128xi32, #tpu.memory_space<vmem>> -> memref<128xi32, #tpu.memory_space<vmem>>
            %dma_wait3A_119 = arith.constant 0 : i32
            %dma_wait3A_120 = arith.constant 0 : i32
            %dma_wait3A_121 = tpu.memref_slice %arg8[%dma_wait3A_119, %dma_wait3A_120] : memref<10240x128xf32, #tpu.memory_space<vmem_shared>> -> memref<10240x128xf32, #tpu.memory_space<vmem_shared>>
            tpu.wait_indirect_dma semaphore(%run_scoped3A_109 : memref<!tpu.dma_semaphore, #tpu.memory_space<semaphore_mem>>) src(%arg12 : memref<128x128xf32, #tpu.memory_space<vmem>>) dst(%dma_wait3A_121 : memref<10240x128xf32, #tpu.memory_space<vmem_shared>>)
            tpu.yield
          }) : () -> ()
          %add3A_83 = arith.constant 2 : i32
          %add3A_84 = arith.addi %add3A_76, %add3A_83 : i32
          %dma_start3A_85 = arith.constant 0 : i32
          %dma_start3A_86 = tpu.memref_slice %arg10[%add3A_84, %dma_start3A_85] : memref<32x128xi32, #tpu.memory_space<vmem>> -> memref<1x128xi32, #tpu.memory_space<vmem>>
          %dma_start3A_87 = tpu.memref_squeeze %dma_start3A_86 : memref<1x128xi32, #tpu.memory_space<vmem>> -> memref<128xi32, #tpu.memory_space<vmem>>
          %dma_start3A_88 = arith.constant 0 : i32
          %dma_start3A_89 = arith.constant 0 : i32
          %dma_start3A_90 = tpu.memref_slice %arg3[%dma_start3A_88, %dma_start3A_89] : memref<10000x128xf32, #tpu.memory_space<hbm>> -> memref<10000x128xf32, #tpu.memory_space<hbm>>
          tpu.enqueue_indirect_dma source(%dma_start3A_90 : memref<10000x128xf32, #tpu.memory_space<hbm>>) target(%arg12 : memref<128x128xf32, #tpu.memory_space<vmem>>) offsets(%dma_start3A_87 : memref<128xi32, #tpu.memory_space<vmem>>) semaphore(%arg14 : memref<!tpu.dma_semaphore, #tpu.memory_space<semaphore_mem>>)
          %mul3A_91 = arith.constant 2 : i32
          %mul3A_92 = arith.muli %scan3A_72, %mul3A_91 : i32
          %add3A_93 = arith.constant 1 : i32
          %add3A_94 = arith.addi %mul3A_92, %add3A_93 : i32
          %dma_wait3A_95 = arith.constant 0 : i32
          %dma_wait3A_96 = tpu.memref_slice %arg10[%add3A_94, %dma_wait3A_95] : memref<32x128xi32, #tpu.memory_space<vmem>> -> memref<1x128xi32, #tpu.memory_space<vmem>>
          %dma_wait3A_97 = tpu.memref_squeeze %dma_wait3A_96 : memref<1x128xi32, #tpu.memory_space<vmem>> -> memref<128xi32, #tpu.memory_space<vmem>>
          %dma_wait3A_98 = arith.constant 0 : i32
          %dma_wait3A_99 = arith.constant 0 : i32
          %dma_wait3A_100 = tpu.memref_slice %arg3[%dma_wait3A_98, %dma_wait3A_99] : memref<10000x128xf32, #tpu.memory_space<hbm>> -> memref<10000x128xf32, #tpu.memory_space<hbm>>
          tpu.wait_indirect_dma semaphore(%arg15 : memref<!tpu.dma_semaphore, #tpu.memory_space<semaphore_mem>>) src(%dma_wait3A_100 : memref<10000x128xf32, #tpu.memory_space<hbm>>) dst(%arg13 : memref<128x128xf32, #tpu.memory_space<vmem>>)
          "tpu.region"() ({
            %run_scoped3A_109 = tpu.sem_alloc : memref<!tpu.dma_semaphore, #tpu.memory_space<semaphore_mem>>
            %dma_start3A_110 = arith.constant 0 : i32
            %dma_start3A_111 = tpu.memref_slice %arg11[%add3A_94, %dma_start3A_110] : memref<32x128xi32, #tpu.memory_space<vmem>> -> memref<1x128xi32, #tpu.memory_space<vmem>>
            %dma_start3A_112 = tpu.memref_squeeze %dma_start3A_111 : memref<1x128xi32, #tpu.memory_space<vmem>> -> memref<128xi32, #tpu.memory_space<vmem>>
            %dma_start3A_113 = arith.constant 0 : i32
            %dma_start3A_114 = arith.constant 0 : i32
            %dma_start3A_115 = tpu.memref_slice %arg8[%dma_start3A_113, %dma_start3A_114] : memref<10240x128xf32, #tpu.memory_space<vmem_shared>> -> memref<10240x128xf32, #tpu.memory_space<vmem_shared>>
            tpu.enqueue_indirect_dma source(%arg13 : memref<128x128xf32, #tpu.memory_space<vmem>>) target(%dma_start3A_115 : memref<10240x128xf32, #tpu.memory_space<vmem_shared>>) offsets(%dma_start3A_112 : memref<128xi32, #tpu.memory_space<vmem>>) semaphore(%run_scoped3A_109 : memref<!tpu.dma_semaphore, #tpu.memory_space<semaphore_mem>>) {add = true}
            %dma_wait3A_116 = arith.constant 0 : i32
            %dma_wait3A_117 = tpu.memref_slice %arg11[%add3A_94, %dma_wait3A_116] : memref<32x128xi32, #tpu.memory_space<vmem>> -> memref<1x128xi32, #tpu.memory_space<vmem>>
            %dma_wait3A_118 = tpu.memref_squeeze %dma_wait3A_117 : memref<1x128xi32, #tpu.memory_space<vmem>> -> memref<128xi32, #tpu.memory_space<vmem>>
            %dma_wait3A_119 = arith.constant 0 : i32
            %dma_wait3A_120 = arith.constant 0 : i32
            %dma_wait3A_121 = tpu.memref_slice %arg8[%dma_wait3A_119, %dma_wait3A_120] : memref<10240x128xf32, #tpu.memory_space<vmem_shared>> -> memref<10240x128xf32, #tpu.memory_space<vmem_shared>>
            tpu.wait_indirect_dma semaphore(%run_scoped3A_109 : memref<!tpu.dma_semaphore, #tpu.memory_space<semaphore_mem>>) src(%arg13 : memref<128x128xf32, #tpu.memory_space<vmem>>) dst(%dma_wait3A_121 : memref<10240x128xf32, #tpu.memory_space<vmem_shared>>)
            tpu.yield
          }) : () -> ()
          %add3A_101 = arith.constant 2 : i32
          %add3A_102 = arith.addi %add3A_94, %add3A_101 : i32
          %dma_start3A_103 = arith.constant 0 : i32
          %dma_start3A_104 = tpu.memref_slice %arg10[%add3A_102, %dma_start3A_103] : memref<32x128xi32, #tpu.memory_space<vmem>> -> memref<1x128xi32, #tpu.memory_space<vmem>>
          %dma_start3A_105 = tpu.memref_squeeze %dma_start3A_104 : memref<1x128xi32, #tpu.memory_space<vmem>> -> memref<128xi32, #tpu.memory_space<vmem>>
          %dma_start3A_106 = arith.constant 0 : i32
          %dma_start3A_107 = arith.constant 0 : i32
          %dma_start3A_108 = tpu.memref_slice %arg3[%dma_start3A_106, %dma_start3A_107] : memref<10000x128xf32, #tpu.memory_space<hbm>> -> memref<10000x128xf32, #tpu.memory_space<hbm>>
          tpu.enqueue_indirect_dma source(%dma_start3A_108 : memref<10000x128xf32, #tpu.memory_space<hbm>>) target(%arg13 : memref<128x128xf32, #tpu.memory_space<vmem>>) offsets(%dma_start3A_105 : memref<128xi32, #tpu.memory_space<vmem>>) semaphore(%arg15 : memref<!tpu.dma_semaphore, #tpu.memory_space<semaphore_mem>>)
        }
        %scan3A_57 = arith.constant 15 : i32
        %dma_wait3A = arith.constant 30 : i32
        %dma_wait3A_58 = arith.constant 0 : i32
        %dma_wait3A_59 = tpu.memref_slice %arg10[%dma_wait3A, %dma_wait3A_58] : memref<32x128xi32, #tpu.memory_space<vmem>> -> memref<1x128xi32, #tpu.memory_space<vmem>>
        %dma_wait3A_60 = tpu.memref_squeeze %dma_wait3A_59 : memref<1x128xi32, #tpu.memory_space<vmem>> -> memref<128xi32, #tpu.memory_space<vmem>>
        %dma_wait3A_61 = arith.constant 0 : i32
        %dma_wait3A_62 = arith.constant 0 : i32
        %dma_wait3A_63 = tpu.memref_slice %arg3[%dma_wait3A_61, %dma_wait3A_62] : memref<10000x128xf32, #tpu.memory_space<hbm>> -> memref<10000x128xf32, #tpu.memory_space<hbm>>
        tpu.wait_indirect_dma semaphore(%arg14 : memref<!tpu.dma_semaphore, #tpu.memory_space<semaphore_mem>>) src(%dma_wait3A_63 : memref<10000x128xf32, #tpu.memory_space<hbm>>) dst(%arg12 : memref<128x128xf32, #tpu.memory_space<vmem>>)
        %run_scoped3A = arith.constant 30 : i32
        "tpu.region"() ({
          %run_scoped3A_72 = tpu.sem_alloc : memref<!tpu.dma_semaphore, #tpu.memory_space<semaphore_mem>>
          %dma_start3A_73 = arith.constant 0 : i32
          %dma_start3A_74 = tpu.memref_slice %arg11[%run_scoped3A, %dma_start3A_73] : memref<32x128xi32, #tpu.memory_space<vmem>> -> memref<1x128xi32, #tpu.memory_space<vmem>>
          %dma_start3A_75 = tpu.memref_squeeze %dma_start3A_74 : memref<1x128xi32, #tpu.memory_space<vmem>> -> memref<128xi32, #tpu.memory_space<vmem>>
          %dma_start3A_76 = arith.constant 0 : i32
          %dma_start3A_77 = arith.constant 0 : i32
          %dma_start3A_78 = tpu.memref_slice %arg8[%dma_start3A_76, %dma_start3A_77] : memref<10240x128xf32, #tpu.memory_space<vmem_shared>> -> memref<10240x128xf32, #tpu.memory_space<vmem_shared>>
          tpu.enqueue_indirect_dma source(%arg12 : memref<128x128xf32, #tpu.memory_space<vmem>>) target(%dma_start3A_78 : memref<10240x128xf32, #tpu.memory_space<vmem_shared>>) offsets(%dma_start3A_75 : memref<128xi32, #tpu.memory_space<vmem>>) semaphore(%run_scoped3A_72 : memref<!tpu.dma_semaphore, #tpu.memory_space<semaphore_mem>>) {add = true}
          %dma_wait3A_79 = arith.constant 0 : i32
          %dma_wait3A_80 = tpu.memref_slice %arg11[%run_scoped3A, %dma_wait3A_79] : memref<32x128xi32, #tpu.memory_space<vmem>> -> memref<1x128xi32, #tpu.memory_space<vmem>>
          %dma_wait3A_81 = tpu.memref_squeeze %dma_wait3A_80 : memref<1x128xi32, #tpu.memory_space<vmem>> -> memref<128xi32, #tpu.memory_space<vmem>>
          %dma_wait3A_82 = arith.constant 0 : i32
          %dma_wait3A_83 = arith.constant 0 : i32
          %dma_wait3A_84 = tpu.memref_slice %arg8[%dma_wait3A_82, %dma_wait3A_83] : memref<10240x128xf32, #tpu.memory_space<vmem_shared>> -> memref<10240x128xf32, #tpu.memory_space<vmem_shared>>
          tpu.wait_indirect_dma semaphore(%run_scoped3A_72 : memref<!tpu.dma_semaphore, #tpu.memory_space<semaphore_mem>>) src(%arg12 : memref<128x128xf32, #tpu.memory_space<vmem>>) dst(%dma_wait3A_84 : memref<10240x128xf32, #tpu.memory_space<vmem_shared>>)
          tpu.yield
        }) : () -> ()
        %dma_wait3A_64 = arith.constant 31 : i32
        %dma_wait3A_65 = arith.constant 0 : i32
        %dma_wait3A_66 = tpu.memref_slice %arg10[%dma_wait3A_64, %dma_wait3A_65] : memref<32x128xi32, #tpu.memory_space<vmem>> -> memref<1x128xi32, #tpu.memory_space<vmem>>
        %dma_wait3A_67 = tpu.memref_squeeze %dma_wait3A_66 : memref<1x128xi32, #tpu.memory_space<vmem>> -> memref<128xi32, #tpu.memory_space<vmem>>
        %dma_wait3A_68 = arith.constant 0 : i32
        %dma_wait3A_69 = arith.constant 0 : i32
        %dma_wait3A_70 = tpu.memref_slice %arg3[%dma_wait3A_68, %dma_wait3A_69] : memref<10000x128xf32, #tpu.memory_space<hbm>> -> memref<10000x128xf32, #tpu.memory_space<hbm>>
        tpu.wait_indirect_dma semaphore(%arg15 : memref<!tpu.dma_semaphore, #tpu.memory_space<semaphore_mem>>) src(%dma_wait3A_70 : memref<10000x128xf32, #tpu.memory_space<hbm>>) dst(%arg13 : memref<128x128xf32, #tpu.memory_space<vmem>>)
        %run_scoped3A_71 = arith.constant 31 : i32
        "tpu.region"() ({
          %run_scoped3A_72 = tpu.sem_alloc : memref<!tpu.dma_semaphore, #tpu.memory_space<semaphore_mem>>
          %dma_start3A_73 = arith.constant 0 : i32
          %dma_start3A_74 = tpu.memref_slice %arg11[%run_scoped3A_71, %dma_start3A_73] : memref<32x128xi32, #tpu.memory_space<vmem>> -> memref<1x128xi32, #tpu.memory_space<vmem>>
          %dma_start3A_75 = tpu.memref_squeeze %dma_start3A_74 : memref<1x128xi32, #tpu.memory_space<vmem>> -> memref<128xi32, #tpu.memory_space<vmem>>
          %dma_start3A_76 = arith.constant 0 : i32
          %dma_start3A_77 = arith.constant 0 : i32
          %dma_start3A_78 = tpu.memref_slice %arg8[%dma_start3A_76, %dma_start3A_77] : memref<10240x128xf32, #tpu.memory_space<vmem_shared>> -> memref<10240x128xf32, #tpu.memory_space<vmem_shared>>
          tpu.enqueue_indirect_dma source(%arg13 : memref<128x128xf32, #tpu.memory_space<vmem>>) target(%dma_start3A_78 : memref<10240x128xf32, #tpu.memory_space<vmem_shared>>) offsets(%dma_start3A_75 : memref<128xi32, #tpu.memory_space<vmem>>) semaphore(%run_scoped3A_72 : memref<!tpu.dma_semaphore, #tpu.memory_space<semaphore_mem>>) {add = true}
          %dma_wait3A_79 = arith.constant 0 : i32
          %dma_wait3A_80 = tpu.memref_slice %arg11[%run_scoped3A_71, %dma_wait3A_79] : memref<32x128xi32, #tpu.memory_space<vmem>> -> memref<1x128xi32, #tpu.memory_space<vmem>>
          %dma_wait3A_81 = tpu.memref_squeeze %dma_wait3A_80 : memref<1x128xi32, #tpu.memory_space<vmem>> -> memref<128xi32, #tpu.memory_space<vmem>>
          %dma_wait3A_82 = arith.constant 0 : i32
          %dma_wait3A_83 = arith.constant 0 : i32
          %dma_wait3A_84 = tpu.memref_slice %arg8[%dma_wait3A_82, %dma_wait3A_83] : memref<10240x128xf32, #tpu.memory_space<vmem_shared>> -> memref<10240x128xf32, #tpu.memory_space<vmem_shared>>
          tpu.wait_indirect_dma semaphore(%run_scoped3A_72 : memref<!tpu.dma_semaphore, #tpu.memory_space<semaphore_mem>>) src(%arg13 : memref<128x128xf32, #tpu.memory_space<vmem>>) dst(%dma_wait3A_84 : memref<10240x128xf32, #tpu.memory_space<vmem_shared>>)
          tpu.yield
        }) : () -> ()
      }
      %scan3A_35 = arith.constant 5 : i32
    } else {
    }
    %barrier3A_19 = arith.constant 0 : index
    tpu.barrier barrier_id(%barrier3A_19)
    %eq3A_20 = arith.constant 0 : i32
    %eq3A_21 = arith.cmpi eq, %arg0, %eq3A_20 : i32
    %convert_element_type3A_22 = arith.extui %eq3A_21 : i1 to i32
    %cond3A_23 = arith.constant 0 : i32
    %cond3A_24 = arith.cmpi ne, %convert_element_type3A_22, %cond3A_23 : i32
    scf.if %cond3A_24 {
      %mul3A_30 = arith.constant 640 : i32
      %mul3A_31 = arith.muli %arg1, %mul3A_30 : i32
      %mul3A_32 = arith.constant 640 : i32
      %mul3A_33 = arith.muli %arg1, %mul3A_32 : i32
      "tpu.region"() ({
        %run_scoped3A = tpu.sem_alloc : memref<!tpu.dma_semaphore, #tpu.memory_space<semaphore_mem>>
        %dma_start3A = arith.constant 0 : i32
        %dma_start3A_34 = tpu.memref_slice %arg6[%mul3A_33, %dma_start3A] : memref<10240x128xf32, #tpu.memory_space<hbm>> -> memref<640x128xf32, #tpu.memory_space<hbm>>
        %dma_start3A_35 = arith.constant 0 : i32
        %dma_start3A_36 = tpu.memref_slice %arg8[%mul3A_31, %dma_start3A_35] : memref<10240x128xf32, #tpu.memory_space<vmem_shared>> -> memref<640x128xf32, #tpu.memory_space<vmem_shared>>
        tpu.enqueue_dma source(%dma_start3A_36 : memref<640x128xf32, #tpu.memory_space<vmem_shared>>) target(%dma_start3A_34 : memref<640x128xf32, #tpu.memory_space<hbm>>) target_semaphore(%run_scoped3A : memref<!tpu.dma_semaphore, #tpu.memory_space<semaphore_mem>>)
        %dma_wait3A = arith.constant 0 : i32
        %dma_wait3A_37 = tpu.memref_slice %arg6[%mul3A_33, %dma_wait3A] : memref<10240x128xf32, #tpu.memory_space<hbm>> -> memref<640x128xf32, #tpu.memory_space<hbm>>
        %dma_wait3A_38 = arith.constant 0 : i32
        %dma_wait3A_39 = tpu.memref_slice %arg8[%mul3A_31, %dma_wait3A_38] : memref<10240x128xf32, #tpu.memory_space<vmem_shared>> -> memref<640x128xf32, #tpu.memory_space<vmem_shared>>
        tpu.wait_dma2 semaphore(%run_scoped3A : memref<!tpu.dma_semaphore, #tpu.memory_space<semaphore_mem>>) src(%dma_wait3A_39 : memref<640x128xf32, #tpu.memory_space<vmem_shared>>) dst(%dma_wait3A_37 : memref<640x128xf32, #tpu.memory_space<hbm>>)
        tpu.yield
      }) : () -> ()
    } else {
    }
    %eq3A_25 = arith.constant 1 : i32
    %eq3A_26 = arith.cmpi eq, %arg0, %eq3A_25 : i32
    %convert_element_type3A_27 = arith.extui %eq3A_26 : i1 to i32
    %cond3A_28 = arith.constant 0 : i32
    %cond3A_29 = arith.cmpi ne, %convert_element_type3A_27, %cond3A_28 : i32
    scf.if %cond3A_29 {
      %mul3A_30 = arith.constant 640 : i32
      %mul3A_31 = arith.muli %arg1, %mul3A_30 : i32
      %mul3A_32 = arith.constant 640 : i32
      %mul3A_33 = arith.muli %arg1, %mul3A_32 : i32
      "tpu.region"() ({
        %run_scoped3A = tpu.sem_alloc : memref<!tpu.dma_semaphore, #tpu.memory_space<semaphore_mem>>
        %dma_start3A = arith.constant 0 : i32
        %dma_start3A_34 = tpu.memref_slice %arg7[%mul3A_33, %dma_start3A] : memref<10240x128xf32, #tpu.memory_space<hbm>> -> memref<640x128xf32, #tpu.memory_space<hbm>>
        %dma_start3A_35 = arith.constant 0 : i32
        %dma_start3A_36 = tpu.memref_slice %arg8[%mul3A_31, %dma_start3A_35] : memref<10240x128xf32, #tpu.memory_space<vmem_shared>> -> memref<640x128xf32, #tpu.memory_space<vmem_shared>>
        tpu.enqueue_dma source(%dma_start3A_36 : memref<640x128xf32, #tpu.memory_space<vmem_shared>>) target(%dma_start3A_34 : memref<640x128xf32, #tpu.memory_space<hbm>>) target_semaphore(%run_scoped3A : memref<!tpu.dma_semaphore, #tpu.memory_space<semaphore_mem>>)
        %dma_wait3A = arith.constant 0 : i32
        %dma_wait3A_37 = tpu.memref_slice %arg7[%mul3A_33, %dma_wait3A] : memref<10240x128xf32, #tpu.memory_space<hbm>> -> memref<640x128xf32, #tpu.memory_space<hbm>>
        %dma_wait3A_38 = arith.constant 0 : i32
        %dma_wait3A_39 = tpu.memref_slice %arg8[%mul3A_31, %dma_wait3A_38] : memref<10240x128xf32, #tpu.memory_space<vmem_shared>> -> memref<640x128xf32, #tpu.memory_space<vmem_shared>>
        tpu.wait_dma2 semaphore(%run_scoped3A : memref<!tpu.dma_semaphore, #tpu.memory_space<semaphore_mem>>) src(%dma_wait3A_39 : memref<640x128xf32, #tpu.memory_space<vmem_shared>>) dst(%dma_wait3A_37 : memref<640x128xf32, #tpu.memory_space<hbm>>)
        tpu.yield
      }) : () -> ()
    } else {
    }
    return
  }
}

#map = affine_map<(d0, d1) -> (0, 0)>
#map1 = affine_map<(d0, d1) -> (0)>
module attributes {stable_mosaic.version = 14 : i64} {
  func.func @prop(%arg0: i32, %arg1: i32, %arg2: memref<2560x128xi32, #tpu.memory_space<hbm>>, %arg3: memref<10240xf32, #tpu.memory_space<hbm>>, %arg4: memref<10240xf32, #tpu.memory_space<hbm>>, %arg5: memref<10240xf32, #tpu.memory_space<vmem_shared>>, %arg6: memref<640xf32, #tpu.memory_space<vmem>>, %arg7: memref<40x128xi32, #tpu.memory_space<vmem>>, %arg8: memref<128xf32, #tpu.memory_space<vmem>>, %arg9: memref<128xf32, #tpu.memory_space<vmem>>, %arg10: memref<!tpu.dma_semaphore, #tpu.memory_space<semaphore_mem>>, %arg11: memref<!tpu.dma_semaphore, #tpu.memory_space<semaphore_mem>>, %arg12: memref<!tpu.dma_semaphore, #tpu.memory_space<semaphore_mem>>, %arg13: memref<!tpu.dma_semaphore, #tpu.memory_space<semaphore_mem>>) attributes {dimension_semantics = [#tpu.dimension_semantics<core_parallel>, #tpu.dimension_semantics<subcore_parallel>], iteration_bounds = array<i64: 2, 16>, scalar_prefetch = 0 : i64, scratch_operands = 9 : i64, tpu.core_type = #tpu.core_type<sc_vector_subcore>, window_params = [{transform_indices = #map}, {transform_indices = #map1}, {transform_indices = #map1}]} {
    %scan3A = arith.constant 0 : i32
    %scan3A_0 = arith.constant 0 : i32
    %scan3A_1 = arith.constant 40 : i32
    %scan3A_2 = arith.addi %scan3A_0, %scan3A_1 : i32
    %scan3A_3 = arith.constant 1 : i32
    scf.for %scan3A_38 = %scan3A_0 to %scan3A_2 step %scan3A_3  : i32 {
      %broadcast_in_dim3A = arith.constant 0.000000e+00 : f32
      %broadcast_in_dim3A_39 = vector.broadcast %broadcast_in_dim3A : f32 to vector<16xf32>
      %mul3A_40 = arith.constant 16 : i32
      %mul3A_41 = arith.muli %scan3A_38, %mul3A_40 : i32
      %swap3A = arith.index_cast %mul3A_41 : i32 to index
      %swap3A_42 = tpu.vector_load %arg6[%swap3A] {strides = array<i32>} : memref<640xf32, #tpu.memory_space<vmem>>, vector<16xf32>,
      %swap3A_43 = vector.shape_cast %swap3A_42 : vector<16xf32> to vector<16xf32>
      %swap3A_44 = vector.shape_cast %broadcast_in_dim3A_39 : vector<16xf32> to vector<16xf32>
      tpu.vector_store %arg6[%swap3A], %swap3A_44 {strides = array<i32>} : memref<640xf32, #tpu.memory_space<vmem>>, vector<16xf32>,
    }
    %scan3A_4 = arith.constant 40 : i32
    %mul3A = arith.constant 640 : i32
    %mul3A_5 = arith.muli %arg1, %mul3A : i32
    "tpu.region"() ({
      %run_scoped3A = tpu.sem_alloc : memref<!tpu.dma_semaphore, #tpu.memory_space<semaphore_mem>>
      %dma_start3A = tpu.memref_slice %arg5[%mul3A_5] : memref<10240xf32, #tpu.memory_space<vmem_shared>> -> memref<640xf32, #tpu.memory_space<vmem_shared>>
      %dma_start3A_38 = tpu.memref_slice %arg5[%mul3A_5] : memref<10240xf32, #tpu.memory_space<vmem_shared>> -> memref<640xf32, #tpu.memory_space<vmem_shared>>
      tpu.enqueue_dma source(%arg6 : memref<640xf32, #tpu.memory_space<vmem>>) target(%dma_start3A_38 : memref<640xf32, #tpu.memory_space<vmem_shared>>) target_semaphore(%run_scoped3A : memref<!tpu.dma_semaphore, #tpu.memory_space<semaphore_mem>>)
      %dma_wait3A = tpu.memref_slice %arg5[%mul3A_5] : memref<10240xf32, #tpu.memory_space<vmem_shared>> -> memref<640xf32, #tpu.memory_space<vmem_shared>>
      %dma_wait3A_39 = tpu.memref_slice %arg5[%mul3A_5] : memref<10240xf32, #tpu.memory_space<vmem_shared>> -> memref<640xf32, #tpu.memory_space<vmem_shared>>
      tpu.wait_dma2 semaphore(%run_scoped3A : memref<!tpu.dma_semaphore, #tpu.memory_space<semaphore_mem>>) src(%arg6 : memref<640xf32, #tpu.memory_space<vmem>>) dst(%dma_wait3A_39 : memref<640xf32, #tpu.memory_space<vmem_shared>>)
      tpu.yield
    }) : () -> ()
    %barrier3A = arith.constant 0 : index
    tpu.barrier barrier_id(%barrier3A)
    %mul3A_6 = arith.constant 16 : i32
    %mul3A_7 = arith.muli %arg0, %mul3A_6 : i32
    %mul3A_8 = arith.constant 80 : i32
    %mul3A_9 = arith.muli %mul3A_7, %mul3A_8 : i32
    %mul3A_10 = arith.constant 80 : i32
    %mul3A_11 = arith.muli %arg1, %mul3A_10 : i32
    %add3A = arith.addi %mul3A_9, %mul3A_11 : i32
    %scan3A_12 = arith.constant 0 : i32
    %scan3A_13 = arith.constant 0 : i32
    %scan3A_14 = arith.constant 8 : i32
    %scan3A_15 = arith.addi %scan3A_13, %scan3A_14 : i32
    %scan3A_16 = arith.constant 1 : i32
    scf.for %scan3A_38 = %scan3A_13 to %scan3A_15 step %scan3A_16  : i32 {
      %broadcast_in_dim3A = arith.constant 1.000000e+00 : f32
      %broadcast_in_dim3A_39 = vector.broadcast %broadcast_in_dim3A : f32 to vector<16xf32>
      %mul3A_40 = arith.constant 16 : i32
      %mul3A_41 = arith.muli %scan3A_38, %mul3A_40 : i32
      %swap3A = arith.index_cast %mul3A_41 : i32 to index
      %swap3A_42 = tpu.vector_load %arg8[%swap3A] {strides = array<i32>} : memref<128xf32, #tpu.memory_space<vmem>>, vector<16xf32>,
      %swap3A_43 = vector.shape_cast %swap3A_42 : vector<16xf32> to vector<16xf32>
      %swap3A_44 = vector.shape_cast %broadcast_in_dim3A_39 : vector<16xf32> to vector<16xf32>
      tpu.vector_store %arg8[%swap3A], %swap3A_44 {strides = array<i32>} : memref<128xf32, #tpu.memory_space<vmem>>, vector<16xf32>,
    }
    %scan3A_17 = arith.constant 8 : i32
    %scan3A_18 = arith.constant 0 : i32
    %scan3A_19 = arith.constant 0 : i32
    %scan3A_20 = arith.constant 8 : i32
    %scan3A_21 = arith.addi %scan3A_19, %scan3A_20 : i32
    %scan3A_22 = arith.constant 1 : i32
    scf.for %scan3A_38 = %scan3A_19 to %scan3A_21 step %scan3A_22  : i32 {
      %broadcast_in_dim3A = arith.constant 1.000000e+00 : f32
      %broadcast_in_dim3A_39 = vector.broadcast %broadcast_in_dim3A : f32 to vector<16xf32>
      %mul3A_40 = arith.constant 16 : i32
      %mul3A_41 = arith.muli %scan3A_38, %mul3A_40 : i32
      %swap3A = arith.index_cast %mul3A_41 : i32 to index
      %swap3A_42 = tpu.vector_load %arg9[%swap3A] {strides = array<i32>} : memref<128xf32, #tpu.memory_space<vmem>>, vector<16xf32>,
      %swap3A_43 = vector.shape_cast %swap3A_42 : vector<16xf32> to vector<16xf32>
      %swap3A_44 = vector.shape_cast %broadcast_in_dim3A_39 : vector<16xf32> to vector<16xf32>
      tpu.vector_store %arg9[%swap3A], %swap3A_44 {strides = array<i32>} : memref<128xf32, #tpu.memory_space<vmem>>, vector<16xf32>,
    }
    %scan3A_23 = arith.constant 8 : i32
    %scan3A_24 = arith.constant 0 : i32
    %scan3A_25 = arith.constant 0 : i32
    %scan3A_26 = arith.constant 2 : i32
    %scan3A_27 = arith.addi %scan3A_25, %scan3A_26 : i32
    %scan3A_28 = arith.constant 1 : i32
    scf.for %scan3A_38 = %scan3A_25 to %scan3A_27 step %scan3A_28  : i32 {
      %mul3A_39 = arith.constant 40 : i32
      %mul3A_40 = arith.muli %scan3A_38, %mul3A_39 : i32
      %add3A_41 = arith.addi %add3A, %mul3A_40 : i32
      "tpu.region"() ({
        %run_scoped3A = tpu.sem_alloc : memref<!tpu.dma_semaphore, #tpu.memory_space<semaphore_mem>>
        %dma_start3A_70 = arith.constant 0 : i32
        %dma_start3A_71 = tpu.memref_slice %arg2[%add3A_41, %dma_start3A_70] : memref<2560x128xi32, #tpu.memory_space<hbm>> -> memref<40x128xi32, #tpu.memory_space<hbm>>
        %dma_start3A_72 = arith.constant 0 : i32
        %dma_start3A_73 = tpu.memref_slice %arg2[%add3A_41, %dma_start3A_72] : memref<2560x128xi32, #tpu.memory_space<hbm>> -> memref<40x128xi32, #tpu.memory_space<hbm>>
        tpu.enqueue_dma source(%dma_start3A_73 : memref<40x128xi32, #tpu.memory_space<hbm>>) target(%arg7 : memref<40x128xi32, #tpu.memory_space<vmem>>) target_semaphore(%run_scoped3A : memref<!tpu.dma_semaphore, #tpu.memory_space<semaphore_mem>>)
        %dma_wait3A_74 = arith.constant 0 : i32
        %dma_wait3A_75 = tpu.memref_slice %arg2[%add3A_41, %dma_wait3A_74] : memref<2560x128xi32, #tpu.memory_space<hbm>> -> memref<40x128xi32, #tpu.memory_space<hbm>>
        %dma_wait3A_76 = arith.constant 0 : i32
        %dma_wait3A_77 = tpu.memref_slice %arg2[%add3A_41, %dma_wait3A_76] : memref<2560x128xi32, #tpu.memory_space<hbm>> -> memref<40x128xi32, #tpu.memory_space<hbm>>
        tpu.wait_dma2 semaphore(%run_scoped3A : memref<!tpu.dma_semaphore, #tpu.memory_space<semaphore_mem>>) src(%dma_wait3A_77 : memref<40x128xi32, #tpu.memory_space<hbm>>) dst(%arg7 : memref<40x128xi32, #tpu.memory_space<vmem>>)
        tpu.yield
      }) : () -> ()
      %dma_start3A = arith.constant 0 : i32
      %dma_start3A_42 = arith.constant 0 : i32
      %dma_start3A_43 = tpu.memref_slice %arg7[%dma_start3A, %dma_start3A_42] : memref<40x128xi32, #tpu.memory_space<vmem>> -> memref<1x128xi32, #tpu.memory_space<vmem>>
      %dma_start3A_44 = tpu.memref_squeeze %dma_start3A_43 : memref<1x128xi32, #tpu.memory_space<vmem>> -> memref<128xi32, #tpu.memory_space<vmem>>
      %dma_start3A_45 = arith.constant 0 : i32
      %dma_start3A_46 = tpu.memref_slice %arg5[%dma_start3A_45] : memref<10240xf32, #tpu.memory_space<vmem_shared>> -> memref<10240xf32, #tpu.memory_space<vmem_shared>>
      tpu.enqueue_indirect_dma source(%arg8 : memref<128xf32, #tpu.memory_space<vmem>>) target(%dma_start3A_46 : memref<10240xf32, #tpu.memory_space<vmem_shared>>) offsets(%dma_start3A_44 : memref<128xi32, #tpu.memory_space<vmem>>) semaphore(%arg10 : memref<!tpu.dma_semaphore, #tpu.memory_space<semaphore_mem>>) {add = true}
      %dma_start3A_47 = arith.constant 1 : i32
      %dma_start3A_48 = arith.constant 0 : i32
      %dma_start3A_49 = tpu.memref_slice %arg7[%dma_start3A_47, %dma_start3A_48] : memref<40x128xi32, #tpu.memory_space<vmem>> -> memref<1x128xi32, #tpu.memory_space<vmem>>
      %dma_start3A_50 = tpu.memref_squeeze %dma_start3A_49 : memref<1x128xi32, #tpu.memory_space<vmem>> -> memref<128xi32, #tpu.memory_space<vmem>>
      %dma_start3A_51 = arith.constant 0 : i32
      %dma_start3A_52 = tpu.memref_slice %arg5[%dma_start3A_51] : memref<10240xf32, #tpu.memory_space<vmem_shared>> -> memref<10240xf32, #tpu.memory_space<vmem_shared>>
      tpu.enqueue_indirect_dma source(%arg9 : memref<128xf32, #tpu.memory_space<vmem>>) target(%dma_start3A_52 : memref<10240xf32, #tpu.memory_space<vmem_shared>>) offsets(%dma_start3A_50 : memref<128xi32, #tpu.memory_space<vmem>>) semaphore(%arg11 : memref<!tpu.dma_semaphore, #tpu.memory_space<semaphore_mem>>) {add = true}
      %scan3A_53 = arith.constant 0 : i32
      %scan3A_54 = arith.constant 1 : i32
      %scan3A_55 = arith.constant 19 : i32
      %scan3A_56 = arith.addi %scan3A_54, %scan3A_55 : i32
      %scan3A_57 = arith.constant 1 : i32
      scf.for %scan3A_70 = %scan3A_54 to %scan3A_56 step %scan3A_57  : i32 {
        %mul3A_71 = arith.constant 2 : i32
        %mul3A_72 = arith.muli %scan3A_70, %mul3A_71 : i32
        %add3A_73 = arith.constant 0 : i32
        %add3A_74 = arith.addi %mul3A_72, %add3A_73 : i32
        %sub3A = arith.constant 2 : i32
        %sub3A_75 = arith.subi %add3A_74, %sub3A : i32
        %dma_wait3A_76 = arith.constant 0 : i32
        %dma_wait3A_77 = tpu.memref_slice %arg7[%sub3A_75, %dma_wait3A_76] : memref<40x128xi32, #tpu.memory_space<vmem>> -> memref<1x128xi32, #tpu.memory_space<vmem>>
        %dma_wait3A_78 = tpu.memref_squeeze %dma_wait3A_77 : memref<1x128xi32, #tpu.memory_space<vmem>> -> memref<128xi32, #tpu.memory_space<vmem>>
        %dma_wait3A_79 = arith.constant 0 : i32
        %dma_wait3A_80 = tpu.memref_slice %arg5[%dma_wait3A_79] : memref<10240xf32, #tpu.memory_space<vmem_shared>> -> memref<10240xf32, #tpu.memory_space<vmem_shared>>
        tpu.wait_indirect_dma semaphore(%arg10 : memref<!tpu.dma_semaphore, #tpu.memory_space<semaphore_mem>>) src(%arg8 : memref<128xf32, #tpu.memory_space<vmem>>) dst(%dma_wait3A_80 : memref<10240xf32, #tpu.memory_space<vmem_shared>>)
        %dma_start3A_81 = arith.constant 0 : i32
        %dma_start3A_82 = tpu.memref_slice %arg7[%add3A_74, %dma_start3A_81] : memref<40x128xi32, #tpu.memory_space<vmem>> -> memref<1x128xi32, #tpu.memory_space<vmem>>
        %dma_start3A_83 = tpu.memref_squeeze %dma_start3A_82 : memref<1x128xi32, #tpu.memory_space<vmem>> -> memref<128xi32, #tpu.memory_space<vmem>>
        %dma_start3A_84 = arith.constant 0 : i32
        %dma_start3A_85 = tpu.memref_slice %arg5[%dma_start3A_84] : memref<10240xf32, #tpu.memory_space<vmem_shared>> -> memref<10240xf32, #tpu.memory_space<vmem_shared>>
        tpu.enqueue_indirect_dma source(%arg8 : memref<128xf32, #tpu.memory_space<vmem>>) target(%dma_start3A_85 : memref<10240xf32, #tpu.memory_space<vmem_shared>>) offsets(%dma_start3A_83 : memref<128xi32, #tpu.memory_space<vmem>>) semaphore(%arg10 : memref<!tpu.dma_semaphore, #tpu.memory_space<semaphore_mem>>) {add = true}
        %mul3A_86 = arith.constant 2 : i32
        %mul3A_87 = arith.muli %scan3A_70, %mul3A_86 : i32
        %add3A_88 = arith.constant 1 : i32
        %add3A_89 = arith.addi %mul3A_87, %add3A_88 : i32
        %sub3A_90 = arith.constant 2 : i32
        %sub3A_91 = arith.subi %add3A_89, %sub3A_90 : i32
        %dma_wait3A_92 = arith.constant 0 : i32
        %dma_wait3A_93 = tpu.memref_slice %arg7[%sub3A_91, %dma_wait3A_92] : memref<40x128xi32, #tpu.memory_space<vmem>> -> memref<1x128xi32, #tpu.memory_space<vmem>>
        %dma_wait3A_94 = tpu.memref_squeeze %dma_wait3A_93 : memref<1x128xi32, #tpu.memory_space<vmem>> -> memref<128xi32, #tpu.memory_space<vmem>>
        %dma_wait3A_95 = arith.constant 0 : i32
        %dma_wait3A_96 = tpu.memref_slice %arg5[%dma_wait3A_95] : memref<10240xf32, #tpu.memory_space<vmem_shared>> -> memref<10240xf32, #tpu.memory_space<vmem_shared>>
        tpu.wait_indirect_dma semaphore(%arg11 : memref<!tpu.dma_semaphore, #tpu.memory_space<semaphore_mem>>) src(%arg9 : memref<128xf32, #tpu.memory_space<vmem>>) dst(%dma_wait3A_96 : memref<10240xf32, #tpu.memory_space<vmem_shared>>)
        %dma_start3A_97 = arith.constant 0 : i32
        %dma_start3A_98 = tpu.memref_slice %arg7[%add3A_89, %dma_start3A_97] : memref<40x128xi32, #tpu.memory_space<vmem>> -> memref<1x128xi32, #tpu.memory_space<vmem>>
        %dma_start3A_99 = tpu.memref_squeeze %dma_start3A_98 : memref<1x128xi32, #tpu.memory_space<vmem>> -> memref<128xi32, #tpu.memory_space<vmem>>
        %dma_start3A_100 = arith.constant 0 : i32
        %dma_start3A_101 = tpu.memref_slice %arg5[%dma_start3A_100] : memref<10240xf32, #tpu.memory_space<vmem_shared>> -> memref<10240xf32, #tpu.memory_space<vmem_shared>>
        tpu.enqueue_indirect_dma source(%arg9 : memref<128xf32, #tpu.memory_space<vmem>>) target(%dma_start3A_101 : memref<10240xf32, #tpu.memory_space<vmem_shared>>) offsets(%dma_start3A_99 : memref<128xi32, #tpu.memory_space<vmem>>) semaphore(%arg11 : memref<!tpu.dma_semaphore, #tpu.memory_space<semaphore_mem>>) {add = true}
      }
      %scan3A_58 = arith.constant 19 : i32
      %dma_wait3A = arith.constant 38 : i32
      %dma_wait3A_59 = arith.constant 0 : i32
      %dma_wait3A_60 = tpu.memref_slice %arg7[%dma_wait3A, %dma_wait3A_59] : memref<40x128xi32, #tpu.memory_space<vmem>> -> memref<1x128xi32, #tpu.memory_space<vmem>>
      %dma_wait3A_61 = tpu.memref_squeeze %dma_wait3A_60 : memref<1x128xi32, #tpu.memory_space<vmem>> -> memref<128xi32, #tpu.memory_space<vmem>>
      %dma_wait3A_62 = arith.constant 0 : i32
      %dma_wait3A_63 = tpu.memref_slice %arg5[%dma_wait3A_62] : memref<10240xf32, #tpu.memory_space<vmem_shared>> -> memref<10240xf32, #tpu.memory_space<vmem_shared>>
      tpu.wait_indirect_dma semaphore(%arg10 : memref<!tpu.dma_semaphore, #tpu.memory_space<semaphore_mem>>) src(%arg8 : memref<128xf32, #tpu.memory_space<vmem>>) dst(%dma_wait3A_63 : memref<10240xf32, #tpu.memory_space<vmem_shared>>)
      %dma_wait3A_64 = arith.constant 39 : i32
      %dma_wait3A_65 = arith.constant 0 : i32
      %dma_wait3A_66 = tpu.memref_slice %arg7[%dma_wait3A_64, %dma_wait3A_65] : memref<40x128xi32, #tpu.memory_space<vmem>> -> memref<1x128xi32, #tpu.memory_space<vmem>>
      %dma_wait3A_67 = tpu.memref_squeeze %dma_wait3A_66 : memref<1x128xi32, #tpu.memory_space<vmem>> -> memref<128xi32, #tpu.memory_space<vmem>>
      %dma_wait3A_68 = arith.constant 0 : i32
      %dma_wait3A_69 = tpu.memref_slice %arg5[%dma_wait3A_68] : memref<10240xf32, #tpu.memory_space<vmem_shared>> -> memref<10240xf32, #tpu.memory_space<vmem_shared>>
      tpu.wait_indirect_dma semaphore(%arg11 : memref<!tpu.dma_semaphore, #tpu.memory_space<semaphore_mem>>) src(%arg9 : memref<128xf32, #tpu.memory_space<vmem>>) dst(%dma_wait3A_69 : memref<10240xf32, #tpu.memory_space<vmem_shared>>)
    }
    %scan3A_29 = arith.constant 2 : i32
    %barrier3A_30 = arith.constant 0 : index
    tpu.barrier barrier_id(%barrier3A_30)
    %eq3A = arith.constant 0 : i32
    %eq3A_31 = arith.cmpi eq, %arg0, %eq3A : i32
    %convert_element_type3A = arith.extui %eq3A_31 : i1 to i32
    %cond3A = arith.constant 0 : i32
    %cond3A_32 = arith.cmpi ne, %convert_element_type3A, %cond3A : i32
    scf.if %cond3A_32 {
      %mul3A_38 = arith.constant 640 : i32
      %mul3A_39 = arith.muli %arg1, %mul3A_38 : i32
      %mul3A_40 = arith.constant 640 : i32
      %mul3A_41 = arith.muli %arg1, %mul3A_40 : i32
      "tpu.region"() ({
        %run_scoped3A = tpu.sem_alloc : memref<!tpu.dma_semaphore, #tpu.memory_space<semaphore_mem>>
        %dma_start3A = tpu.memref_slice %arg3[%mul3A_41] : memref<10240xf32, #tpu.memory_space<hbm>> -> memref<640xf32, #tpu.memory_space<hbm>>
        %dma_start3A_42 = tpu.memref_slice %arg5[%mul3A_39] : memref<10240xf32, #tpu.memory_space<vmem_shared>> -> memref<640xf32, #tpu.memory_space<vmem_shared>>
        tpu.enqueue_dma source(%dma_start3A_42 : memref<640xf32, #tpu.memory_space<vmem_shared>>) target(%dma_start3A : memref<640xf32, #tpu.memory_space<hbm>>) target_semaphore(%run_scoped3A : memref<!tpu.dma_semaphore, #tpu.memory_space<semaphore_mem>>)
        %dma_wait3A = tpu.memref_slice %arg3[%mul3A_41] : memref<10240xf32, #tpu.memory_space<hbm>> -> memref<640xf32, #tpu.memory_space<hbm>>
        %dma_wait3A_43 = tpu.memref_slice %arg5[%mul3A_39] : memref<10240xf32, #tpu.memory_space<vmem_shared>> -> memref<640xf32, #tpu.memory_space<vmem_shared>>
        tpu.wait_dma2 semaphore(%run_scoped3A : memref<!tpu.dma_semaphore, #tpu.memory_space<semaphore_mem>>) src(%dma_wait3A_43 : memref<640xf32, #tpu.memory_space<vmem_shared>>) dst(%dma_wait3A : memref<640xf32, #tpu.memory_space<hbm>>)
        tpu.yield
      }) : () -> ()
    } else {
    }
    %eq3A_33 = arith.constant 1 : i32
    %eq3A_34 = arith.cmpi eq, %arg0, %eq3A_33 : i32
    %convert_element_type3A_35 = arith.extui %eq3A_34 : i1 to i32
    %cond3A_36 = arith.constant 0 : i32
    %cond3A_37 = arith.cmpi ne, %convert_element_type3A_35, %cond3A_36 : i32
    scf.if %cond3A_37 {
      %mul3A_38 = arith.constant 640 : i32
      %mul3A_39 = arith.muli %arg1, %mul3A_38 : i32
      %mul3A_40 = arith.constant 640 : i32
      %mul3A_41 = arith.muli %arg1, %mul3A_40 : i32
      "tpu.region"() ({
        %run_scoped3A = tpu.sem_alloc : memref<!tpu.dma_semaphore, #tpu.memory_space<semaphore_mem>>
        %dma_start3A = tpu.memref_slice %arg4[%mul3A_41] : memref<10240xf32, #tpu.memory_space<hbm>> -> memref<640xf32, #tpu.memory_space<hbm>>
        %dma_start3A_42 = tpu.memref_slice %arg5[%mul3A_39] : memref<10240xf32, #tpu.memory_space<vmem_shared>> -> memref<640xf32, #tpu.memory_space<vmem_shared>>
        tpu.enqueue_dma source(%dma_start3A_42 : memref<640xf32, #tpu.memory_space<vmem_shared>>) target(%dma_start3A : memref<640xf32, #tpu.memory_space<hbm>>) target_semaphore(%run_scoped3A : memref<!tpu.dma_semaphore, #tpu.memory_space<semaphore_mem>>)
        %dma_wait3A = tpu.memref_slice %arg4[%mul3A_41] : memref<10240xf32, #tpu.memory_space<hbm>> -> memref<640xf32, #tpu.memory_space<hbm>>
        %dma_wait3A_43 = tpu.memref_slice %arg5[%mul3A_39] : memref<10240xf32, #tpu.memory_space<vmem_shared>> -> memref<640xf32, #tpu.memory_space<vmem_shared>>
        tpu.wait_dma2 semaphore(%run_scoped3A : memref<!tpu.dma_semaphore, #tpu.memory_space<semaphore_mem>>) src(%dma_wait3A_43 : memref<640xf32, #tpu.memory_space<vmem_shared>>) dst(%dma_wait3A : memref<640xf32, #tpu.memory_space<hbm>>)
        tpu.yield
      }) : () -> ()
    } else {
    }
    return
  }
}

#map = affine_map<(d0, d1) -> (0)>
#map1 = affine_map<(d0, d1) -> (0, 0)>
module attributes {stable_mosaic.version = 14 : i64} {
  func.func @prop(%arg0: i32, %arg1: i32, %arg2: memref<10000xf32, #tpu.memory_space<hbm>>, %arg3: memref<2560x128xi32, #tpu.memory_space<hbm>>, %arg4: memref<2560x128xi32, #tpu.memory_space<hbm>>, %arg5: memref<10240xf32, #tpu.memory_space<hbm>>, %arg6: memref<10240xf32, #tpu.memory_space<hbm>>, %arg7: memref<10240xf32, #tpu.memory_space<vmem_shared>>, %arg8: memref<640xf32, #tpu.memory_space<vmem>>, %arg9: memref<40x128xi32, #tpu.memory_space<vmem>>, %arg10: memref<40x128xi32, #tpu.memory_space<vmem>>, %arg11: memref<128xf32, #tpu.memory_space<vmem>>, %arg12: memref<128xf32, #tpu.memory_space<vmem>>, %arg13: memref<!tpu.dma_semaphore, #tpu.memory_space<semaphore_mem>>, %arg14: memref<!tpu.dma_semaphore, #tpu.memory_space<semaphore_mem>>, %arg15: memref<!tpu.dma_semaphore, #tpu.memory_space<semaphore_mem>>, %arg16: memref<!tpu.dma_semaphore, #tpu.memory_space<semaphore_mem>>) attributes {dimension_semantics = [#tpu.dimension_semantics<core_parallel>, #tpu.dimension_semantics<subcore_parallel>], iteration_bounds = array<i64: 2, 16>, scalar_prefetch = 0 : i64, scratch_operands = 10 : i64, tpu.core_type = #tpu.core_type<sc_vector_subcore>, window_params = [{transform_indices = #map}, {transform_indices = #map1}, {transform_indices = #map1}, {transform_indices = #map}, {transform_indices = #map}]} {
    %scan3A = arith.constant 0 : i32
    %scan3A_0 = arith.constant 0 : i32
    %scan3A_1 = arith.constant 40 : i32
    %scan3A_2 = arith.addi %scan3A_0, %scan3A_1 : i32
    %scan3A_3 = arith.constant 1 : i32
    scf.for %scan3A_26 = %scan3A_0 to %scan3A_2 step %scan3A_3  : i32 {
      %broadcast_in_dim3A = arith.constant 0.000000e+00 : f32
      %broadcast_in_dim3A_27 = vector.broadcast %broadcast_in_dim3A : f32 to vector<16xf32>
      %mul3A_28 = arith.constant 16 : i32
      %mul3A_29 = arith.muli %scan3A_26, %mul3A_28 : i32
      %swap3A = arith.index_cast %mul3A_29 : i32 to index
      %swap3A_30 = tpu.vector_load %arg8[%swap3A] {strides = array<i32>} : memref<640xf32, #tpu.memory_space<vmem>>, vector<16xf32>,
      %swap3A_31 = vector.shape_cast %swap3A_30 : vector<16xf32> to vector<16xf32>
      %swap3A_32 = vector.shape_cast %broadcast_in_dim3A_27 : vector<16xf32> to vector<16xf32>
      tpu.vector_store %arg8[%swap3A], %swap3A_32 {strides = array<i32>} : memref<640xf32, #tpu.memory_space<vmem>>, vector<16xf32>,
    }
    %scan3A_4 = arith.constant 40 : i32
    %mul3A = arith.constant 640 : i32
    %mul3A_5 = arith.muli %arg1, %mul3A : i32
    "tpu.region"() ({
      %run_scoped3A = tpu.sem_alloc : memref<!tpu.dma_semaphore, #tpu.memory_space<semaphore_mem>>
      %dma_start3A = tpu.memref_slice %arg7[%mul3A_5] : memref<10240xf32, #tpu.memory_space<vmem_shared>> -> memref<640xf32, #tpu.memory_space<vmem_shared>>
      %dma_start3A_26 = tpu.memref_slice %arg7[%mul3A_5] : memref<10240xf32, #tpu.memory_space<vmem_shared>> -> memref<640xf32, #tpu.memory_space<vmem_shared>>
      tpu.enqueue_dma source(%arg8 : memref<640xf32, #tpu.memory_space<vmem>>) target(%dma_start3A_26 : memref<640xf32, #tpu.memory_space<vmem_shared>>) target_semaphore(%run_scoped3A : memref<!tpu.dma_semaphore, #tpu.memory_space<semaphore_mem>>)
      %dma_wait3A = tpu.memref_slice %arg7[%mul3A_5] : memref<10240xf32, #tpu.memory_space<vmem_shared>> -> memref<640xf32, #tpu.memory_space<vmem_shared>>
      %dma_wait3A_27 = tpu.memref_slice %arg7[%mul3A_5] : memref<10240xf32, #tpu.memory_space<vmem_shared>> -> memref<640xf32, #tpu.memory_space<vmem_shared>>
      tpu.wait_dma2 semaphore(%run_scoped3A : memref<!tpu.dma_semaphore, #tpu.memory_space<semaphore_mem>>) src(%arg8 : memref<640xf32, #tpu.memory_space<vmem>>) dst(%dma_wait3A_27 : memref<640xf32, #tpu.memory_space<vmem_shared>>)
      tpu.yield
    }) : () -> ()
    %barrier3A = arith.constant 0 : index
    tpu.barrier barrier_id(%barrier3A)
    %mul3A_6 = arith.constant 16 : i32
    %mul3A_7 = arith.muli %arg0, %mul3A_6 : i32
    %mul3A_8 = arith.constant 80 : i32
    %mul3A_9 = arith.muli %mul3A_7, %mul3A_8 : i32
    %mul3A_10 = arith.constant 80 : i32
    %mul3A_11 = arith.muli %arg1, %mul3A_10 : i32
    %add3A = arith.addi %mul3A_9, %mul3A_11 : i32
    %scan3A_12 = arith.constant 0 : i32
    %scan3A_13 = arith.constant 0 : i32
    %scan3A_14 = arith.constant 2 : i32
    %scan3A_15 = arith.addi %scan3A_13, %scan3A_14 : i32
    %scan3A_16 = arith.constant 1 : i32
    scf.for %scan3A_26 = %scan3A_13 to %scan3A_15 step %scan3A_16  : i32 {
      %mul3A_27 = arith.constant 40 : i32
      %mul3A_28 = arith.muli %scan3A_26, %mul3A_27 : i32
      %add3A_29 = arith.addi %add3A, %mul3A_28 : i32
      "tpu.region"() ({
        %run_scoped3A_59 = tpu.sem_alloc : memref<!tpu.dma_semaphore, #tpu.memory_space<semaphore_mem>>
        %dma_start3A_60 = arith.constant 0 : i32
        %dma_start3A_61 = tpu.memref_slice %arg3[%add3A_29, %dma_start3A_60] : memref<2560x128xi32, #tpu.memory_space<hbm>> -> memref<40x128xi32, #tpu.memory_space<hbm>>
        %dma_start3A_62 = arith.constant 0 : i32
        %dma_start3A_63 = tpu.memref_slice %arg3[%add3A_29, %dma_start3A_62] : memref<2560x128xi32, #tpu.memory_space<hbm>> -> memref<40x128xi32, #tpu.memory_space<hbm>>
        tpu.enqueue_dma source(%dma_start3A_63 : memref<40x128xi32, #tpu.memory_space<hbm>>) target(%arg9 : memref<40x128xi32, #tpu.memory_space<vmem>>) target_semaphore(%run_scoped3A_59 : memref<!tpu.dma_semaphore, #tpu.memory_space<semaphore_mem>>)
        %dma_wait3A_64 = arith.constant 0 : i32
        %dma_wait3A_65 = tpu.memref_slice %arg3[%add3A_29, %dma_wait3A_64] : memref<2560x128xi32, #tpu.memory_space<hbm>> -> memref<40x128xi32, #tpu.memory_space<hbm>>
        %dma_wait3A_66 = arith.constant 0 : i32
        %dma_wait3A_67 = tpu.memref_slice %arg3[%add3A_29, %dma_wait3A_66] : memref<2560x128xi32, #tpu.memory_space<hbm>> -> memref<40x128xi32, #tpu.memory_space<hbm>>
        tpu.wait_dma2 semaphore(%run_scoped3A_59 : memref<!tpu.dma_semaphore, #tpu.memory_space<semaphore_mem>>) src(%dma_wait3A_67 : memref<40x128xi32, #tpu.memory_space<hbm>>) dst(%arg9 : memref<40x128xi32, #tpu.memory_space<vmem>>)
        tpu.yield
      }) : () -> ()
      "tpu.region"() ({
        %run_scoped3A_59 = tpu.sem_alloc : memref<!tpu.dma_semaphore, #tpu.memory_space<semaphore_mem>>
        %dma_start3A_60 = arith.constant 0 : i32
        %dma_start3A_61 = tpu.memref_slice %arg4[%add3A_29, %dma_start3A_60] : memref<2560x128xi32, #tpu.memory_space<hbm>> -> memref<40x128xi32, #tpu.memory_space<hbm>>
        %dma_start3A_62 = arith.constant 0 : i32
        %dma_start3A_63 = tpu.memref_slice %arg4[%add3A_29, %dma_start3A_62] : memref<2560x128xi32, #tpu.memory_space<hbm>> -> memref<40x128xi32, #tpu.memory_space<hbm>>
        tpu.enqueue_dma source(%dma_start3A_63 : memref<40x128xi32, #tpu.memory_space<hbm>>) target(%arg10 : memref<40x128xi32, #tpu.memory_space<vmem>>) target_semaphore(%run_scoped3A_59 : memref<!tpu.dma_semaphore, #tpu.memory_space<semaphore_mem>>)
        %dma_wait3A_64 = arith.constant 0 : i32
        %dma_wait3A_65 = tpu.memref_slice %arg4[%add3A_29, %dma_wait3A_64] : memref<2560x128xi32, #tpu.memory_space<hbm>> -> memref<40x128xi32, #tpu.memory_space<hbm>>
        %dma_wait3A_66 = arith.constant 0 : i32
        %dma_wait3A_67 = tpu.memref_slice %arg4[%add3A_29, %dma_wait3A_66] : memref<2560x128xi32, #tpu.memory_space<hbm>> -> memref<40x128xi32, #tpu.memory_space<hbm>>
        tpu.wait_dma2 semaphore(%run_scoped3A_59 : memref<!tpu.dma_semaphore, #tpu.memory_space<semaphore_mem>>) src(%dma_wait3A_67 : memref<40x128xi32, #tpu.memory_space<hbm>>) dst(%arg10 : memref<40x128xi32, #tpu.memory_space<vmem>>)
        tpu.yield
      }) : () -> ()
      %dma_start3A = arith.constant 0 : i32
      %dma_start3A_30 = arith.constant 0 : i32
      %dma_start3A_31 = tpu.memref_slice %arg9[%dma_start3A, %dma_start3A_30] : memref<40x128xi32, #tpu.memory_space<vmem>> -> memref<1x128xi32, #tpu.memory_space<vmem>>
      %dma_start3A_32 = tpu.memref_squeeze %dma_start3A_31 : memref<1x128xi32, #tpu.memory_space<vmem>> -> memref<128xi32, #tpu.memory_space<vmem>>
      %dma_start3A_33 = arith.constant 0 : i32
      %dma_start3A_34 = tpu.memref_slice %arg2[%dma_start3A_33] : memref<10000xf32, #tpu.memory_space<hbm>> -> memref<10000xf32, #tpu.memory_space<hbm>>
      tpu.enqueue_indirect_dma source(%dma_start3A_34 : memref<10000xf32, #tpu.memory_space<hbm>>) target(%arg11 : memref<128xf32, #tpu.memory_space<vmem>>) offsets(%dma_start3A_32 : memref<128xi32, #tpu.memory_space<vmem>>) semaphore(%arg13 : memref<!tpu.dma_semaphore, #tpu.memory_space<semaphore_mem>>)
      %dma_start3A_35 = arith.constant 1 : i32
      %dma_start3A_36 = arith.constant 0 : i32
      %dma_start3A_37 = tpu.memref_slice %arg9[%dma_start3A_35, %dma_start3A_36] : memref<40x128xi32, #tpu.memory_space<vmem>> -> memref<1x128xi32, #tpu.memory_space<vmem>>
      %dma_start3A_38 = tpu.memref_squeeze %dma_start3A_37 : memref<1x128xi32, #tpu.memory_space<vmem>> -> memref<128xi32, #tpu.memory_space<vmem>>
      %dma_start3A_39 = arith.constant 0 : i32
      %dma_start3A_40 = tpu.memref_slice %arg2[%dma_start3A_39] : memref<10000xf32, #tpu.memory_space<hbm>> -> memref<10000xf32, #tpu.memory_space<hbm>>
      tpu.enqueue_indirect_dma source(%dma_start3A_40 : memref<10000xf32, #tpu.memory_space<hbm>>) target(%arg12 : memref<128xf32, #tpu.memory_space<vmem>>) offsets(%dma_start3A_38 : memref<128xi32, #tpu.memory_space<vmem>>) semaphore(%arg14 : memref<!tpu.dma_semaphore, #tpu.memory_space<semaphore_mem>>)
      %scan3A_41 = arith.constant 0 : i32
      %scan3A_42 = arith.constant 0 : i32
      %scan3A_43 = arith.constant 19 : i32
      %scan3A_44 = arith.addi %scan3A_42, %scan3A_43 : i32
      %scan3A_45 = arith.constant 1 : i32
      scf.for %scan3A_59 = %scan3A_42 to %scan3A_44 step %scan3A_45  : i32 {
        %mul3A_60 = arith.constant 2 : i32
        %mul3A_61 = arith.muli %scan3A_59, %mul3A_60 : i32
        %add3A_62 = arith.constant 0 : i32
        %add3A_63 = arith.addi %mul3A_61, %add3A_62 : i32
        %dma_wait3A_64 = arith.constant 0 : i32
        %dma_wait3A_65 = tpu.memref_slice %arg9[%add3A_63, %dma_wait3A_64] : memref<40x128xi32, #tpu.memory_space<vmem>> -> memref<1x128xi32, #tpu.memory_space<vmem>>
        %dma_wait3A_66 = tpu.memref_squeeze %dma_wait3A_65 : memref<1x128xi32, #tpu.memory_space<vmem>> -> memref<128xi32, #tpu.memory_space<vmem>>
        %dma_wait3A_67 = arith.constant 0 : i32
        %dma_wait3A_68 = tpu.memref_slice %arg2[%dma_wait3A_67] : memref<10000xf32, #tpu.memory_space<hbm>> -> memref<10000xf32, #tpu.memory_space<hbm>>
        tpu.wait_indirect_dma semaphore(%arg13 : memref<!tpu.dma_semaphore, #tpu.memory_space<semaphore_mem>>) src(%dma_wait3A_68 : memref<10000xf32, #tpu.memory_space<hbm>>) dst(%arg11 : memref<128xf32, #tpu.memory_space<vmem>>)
        "tpu.region"() ({
          %run_scoped3A_92 = tpu.sem_alloc : memref<!tpu.dma_semaphore, #tpu.memory_space<semaphore_mem>>
          %dma_start3A_93 = arith.constant 0 : i32
          %dma_start3A_94 = tpu.memref_slice %arg10[%add3A_63, %dma_start3A_93] : memref<40x128xi32, #tpu.memory_space<vmem>> -> memref<1x128xi32, #tpu.memory_space<vmem>>
          %dma_start3A_95 = tpu.memref_squeeze %dma_start3A_94 : memref<1x128xi32, #tpu.memory_space<vmem>> -> memref<128xi32, #tpu.memory_space<vmem>>
          %dma_start3A_96 = arith.constant 0 : i32
          %dma_start3A_97 = tpu.memref_slice %arg7[%dma_start3A_96] : memref<10240xf32, #tpu.memory_space<vmem_shared>> -> memref<10240xf32, #tpu.memory_space<vmem_shared>>
          tpu.enqueue_indirect_dma source(%arg11 : memref<128xf32, #tpu.memory_space<vmem>>) target(%dma_start3A_97 : memref<10240xf32, #tpu.memory_space<vmem_shared>>) offsets(%dma_start3A_95 : memref<128xi32, #tpu.memory_space<vmem>>) semaphore(%run_scoped3A_92 : memref<!tpu.dma_semaphore, #tpu.memory_space<semaphore_mem>>) {add = true}
          %dma_wait3A_98 = arith.constant 0 : i32
          %dma_wait3A_99 = tpu.memref_slice %arg10[%add3A_63, %dma_wait3A_98] : memref<40x128xi32, #tpu.memory_space<vmem>> -> memref<1x128xi32, #tpu.memory_space<vmem>>
          %dma_wait3A_100 = tpu.memref_squeeze %dma_wait3A_99 : memref<1x128xi32, #tpu.memory_space<vmem>> -> memref<128xi32, #tpu.memory_space<vmem>>
          %dma_wait3A_101 = arith.constant 0 : i32
          %dma_wait3A_102 = tpu.memref_slice %arg7[%dma_wait3A_101] : memref<10240xf32, #tpu.memory_space<vmem_shared>> -> memref<10240xf32, #tpu.memory_space<vmem_shared>>
          tpu.wait_indirect_dma semaphore(%run_scoped3A_92 : memref<!tpu.dma_semaphore, #tpu.memory_space<semaphore_mem>>) src(%arg11 : memref<128xf32, #tpu.memory_space<vmem>>) dst(%dma_wait3A_102 : memref<10240xf32, #tpu.memory_space<vmem_shared>>)
          tpu.yield
        }) : () -> ()
        %add3A_69 = arith.constant 2 : i32
        %add3A_70 = arith.addi %add3A_63, %add3A_69 : i32
        %dma_start3A_71 = arith.constant 0 : i32
        %dma_start3A_72 = tpu.memref_slice %arg9[%add3A_70, %dma_start3A_71] : memref<40x128xi32, #tpu.memory_space<vmem>> -> memref<1x128xi32, #tpu.memory_space<vmem>>
        %dma_start3A_73 = tpu.memref_squeeze %dma_start3A_72 : memref<1x128xi32, #tpu.memory_space<vmem>> -> memref<128xi32, #tpu.memory_space<vmem>>
        %dma_start3A_74 = arith.constant 0 : i32
        %dma_start3A_75 = tpu.memref_slice %arg2[%dma_start3A_74] : memref<10000xf32, #tpu.memory_space<hbm>> -> memref<10000xf32, #tpu.memory_space<hbm>>
        tpu.enqueue_indirect_dma source(%dma_start3A_75 : memref<10000xf32, #tpu.memory_space<hbm>>) target(%arg11 : memref<128xf32, #tpu.memory_space<vmem>>) offsets(%dma_start3A_73 : memref<128xi32, #tpu.memory_space<vmem>>) semaphore(%arg13 : memref<!tpu.dma_semaphore, #tpu.memory_space<semaphore_mem>>)
        %mul3A_76 = arith.constant 2 : i32
        %mul3A_77 = arith.muli %scan3A_59, %mul3A_76 : i32
        %add3A_78 = arith.constant 1 : i32
        %add3A_79 = arith.addi %mul3A_77, %add3A_78 : i32
        %dma_wait3A_80 = arith.constant 0 : i32
        %dma_wait3A_81 = tpu.memref_slice %arg9[%add3A_79, %dma_wait3A_80] : memref<40x128xi32, #tpu.memory_space<vmem>> -> memref<1x128xi32, #tpu.memory_space<vmem>>
        %dma_wait3A_82 = tpu.memref_squeeze %dma_wait3A_81 : memref<1x128xi32, #tpu.memory_space<vmem>> -> memref<128xi32, #tpu.memory_space<vmem>>
        %dma_wait3A_83 = arith.constant 0 : i32
        %dma_wait3A_84 = tpu.memref_slice %arg2[%dma_wait3A_83] : memref<10000xf32, #tpu.memory_space<hbm>> -> memref<10000xf32, #tpu.memory_space<hbm>>
        tpu.wait_indirect_dma semaphore(%arg14 : memref<!tpu.dma_semaphore, #tpu.memory_space<semaphore_mem>>) src(%dma_wait3A_84 : memref<10000xf32, #tpu.memory_space<hbm>>) dst(%arg12 : memref<128xf32, #tpu.memory_space<vmem>>)
        "tpu.region"() ({
          %run_scoped3A_92 = tpu.sem_alloc : memref<!tpu.dma_semaphore, #tpu.memory_space<semaphore_mem>>
          %dma_start3A_93 = arith.constant 0 : i32
          %dma_start3A_94 = tpu.memref_slice %arg10[%add3A_79, %dma_start3A_93] : memref<40x128xi32, #tpu.memory_space<vmem>> -> memref<1x128xi32, #tpu.memory_space<vmem>>
          %dma_start3A_95 = tpu.memref_squeeze %dma_start3A_94 : memref<1x128xi32, #tpu.memory_space<vmem>> -> memref<128xi32, #tpu.memory_space<vmem>>
          %dma_start3A_96 = arith.constant 0 : i32
          %dma_start3A_97 = tpu.memref_slice %arg7[%dma_start3A_96] : memref<10240xf32, #tpu.memory_space<vmem_shared>> -> memref<10240xf32, #tpu.memory_space<vmem_shared>>
          tpu.enqueue_indirect_dma source(%arg12 : memref<128xf32, #tpu.memory_space<vmem>>) target(%dma_start3A_97 : memref<10240xf32, #tpu.memory_space<vmem_shared>>) offsets(%dma_start3A_95 : memref<128xi32, #tpu.memory_space<vmem>>) semaphore(%run_scoped3A_92 : memref<!tpu.dma_semaphore, #tpu.memory_space<semaphore_mem>>) {add = true}
          %dma_wait3A_98 = arith.constant 0 : i32
          %dma_wait3A_99 = tpu.memref_slice %arg10[%add3A_79, %dma_wait3A_98] : memref<40x128xi32, #tpu.memory_space<vmem>> -> memref<1x128xi32, #tpu.memory_space<vmem>>
          %dma_wait3A_100 = tpu.memref_squeeze %dma_wait3A_99 : memref<1x128xi32, #tpu.memory_space<vmem>> -> memref<128xi32, #tpu.memory_space<vmem>>
          %dma_wait3A_101 = arith.constant 0 : i32
          %dma_wait3A_102 = tpu.memref_slice %arg7[%dma_wait3A_101] : memref<10240xf32, #tpu.memory_space<vmem_shared>> -> memref<10240xf32, #tpu.memory_space<vmem_shared>>
          tpu.wait_indirect_dma semaphore(%run_scoped3A_92 : memref<!tpu.dma_semaphore, #tpu.memory_space<semaphore_mem>>) src(%arg12 : memref<128xf32, #tpu.memory_space<vmem>>) dst(%dma_wait3A_102 : memref<10240xf32, #tpu.memory_space<vmem_shared>>)
          tpu.yield
        }) : () -> ()
        %add3A_85 = arith.constant 2 : i32
        %add3A_86 = arith.addi %add3A_79, %add3A_85 : i32
        %dma_start3A_87 = arith.constant 0 : i32
        %dma_start3A_88 = tpu.memref_slice %arg9[%add3A_86, %dma_start3A_87] : memref<40x128xi32, #tpu.memory_space<vmem>> -> memref<1x128xi32, #tpu.memory_space<vmem>>
        %dma_start3A_89 = tpu.memref_squeeze %dma_start3A_88 : memref<1x128xi32, #tpu.memory_space<vmem>> -> memref<128xi32, #tpu.memory_space<vmem>>
        %dma_start3A_90 = arith.constant 0 : i32
        %dma_start3A_91 = tpu.memref_slice %arg2[%dma_start3A_90] : memref<10000xf32, #tpu.memory_space<hbm>> -> memref<10000xf32, #tpu.memory_space<hbm>>
        tpu.enqueue_indirect_dma source(%dma_start3A_91 : memref<10000xf32, #tpu.memory_space<hbm>>) target(%arg12 : memref<128xf32, #tpu.memory_space<vmem>>) offsets(%dma_start3A_89 : memref<128xi32, #tpu.memory_space<vmem>>) semaphore(%arg14 : memref<!tpu.dma_semaphore, #tpu.memory_space<semaphore_mem>>)
      }
      %scan3A_46 = arith.constant 19 : i32
      %dma_wait3A = arith.constant 38 : i32
      %dma_wait3A_47 = arith.constant 0 : i32
      %dma_wait3A_48 = tpu.memref_slice %arg9[%dma_wait3A, %dma_wait3A_47] : memref<40x128xi32, #tpu.memory_space<vmem>> -> memref<1x128xi32, #tpu.memory_space<vmem>>
      %dma_wait3A_49 = tpu.memref_squeeze %dma_wait3A_48 : memref<1x128xi32, #tpu.memory_space<vmem>> -> memref<128xi32, #tpu.memory_space<vmem>>
      %dma_wait3A_50 = arith.constant 0 : i32
      %dma_wait3A_51 = tpu.memref_slice %arg2[%dma_wait3A_50] : memref<10000xf32, #tpu.memory_space<hbm>> -> memref<10000xf32, #tpu.memory_space<hbm>>
      tpu.wait_indirect_dma semaphore(%arg13 : memref<!tpu.dma_semaphore, #tpu.memory_space<semaphore_mem>>) src(%dma_wait3A_51 : memref<10000xf32, #tpu.memory_space<hbm>>) dst(%arg11 : memref<128xf32, #tpu.memory_space<vmem>>)
      %run_scoped3A = arith.constant 38 : i32
      "tpu.region"() ({
        %run_scoped3A_59 = tpu.sem_alloc : memref<!tpu.dma_semaphore, #tpu.memory_space<semaphore_mem>>
        %dma_start3A_60 = arith.constant 0 : i32
        %dma_start3A_61 = tpu.memref_slice %arg10[%run_scoped3A, %dma_start3A_60] : memref<40x128xi32, #tpu.memory_space<vmem>> -> memref<1x128xi32, #tpu.memory_space<vmem>>
        %dma_start3A_62 = tpu.memref_squeeze %dma_start3A_61 : memref<1x128xi32, #tpu.memory_space<vmem>> -> memref<128xi32, #tpu.memory_space<vmem>>
        %dma_start3A_63 = arith.constant 0 : i32
        %dma_start3A_64 = tpu.memref_slice %arg7[%dma_start3A_63] : memref<10240xf32, #tpu.memory_space<vmem_shared>> -> memref<10240xf32, #tpu.memory_space<vmem_shared>>
        tpu.enqueue_indirect_dma source(%arg11 : memref<128xf32, #tpu.memory_space<vmem>>) target(%dma_start3A_64 : memref<10240xf32, #tpu.memory_space<vmem_shared>>) offsets(%dma_start3A_62 : memref<128xi32, #tpu.memory_space<vmem>>) semaphore(%run_scoped3A_59 : memref<!tpu.dma_semaphore, #tpu.memory_space<semaphore_mem>>) {add = true}
        %dma_wait3A_65 = arith.constant 0 : i32
        %dma_wait3A_66 = tpu.memref_slice %arg10[%run_scoped3A, %dma_wait3A_65] : memref<40x128xi32, #tpu.memory_space<vmem>> -> memref<1x128xi32, #tpu.memory_space<vmem>>
        %dma_wait3A_67 = tpu.memref_squeeze %dma_wait3A_66 : memref<1x128xi32, #tpu.memory_space<vmem>> -> memref<128xi32, #tpu.memory_space<vmem>>
        %dma_wait3A_68 = arith.constant 0 : i32
        %dma_wait3A_69 = tpu.memref_slice %arg7[%dma_wait3A_68] : memref<10240xf32, #tpu.memory_space<vmem_shared>> -> memref<10240xf32, #tpu.memory_space<vmem_shared>>
        tpu.wait_indirect_dma semaphore(%run_scoped3A_59 : memref<!tpu.dma_semaphore, #tpu.memory_space<semaphore_mem>>) src(%arg11 : memref<128xf32, #tpu.memory_space<vmem>>) dst(%dma_wait3A_69 : memref<10240xf32, #tpu.memory_space<vmem_shared>>)
        tpu.yield
      }) : () -> ()
      %dma_wait3A_52 = arith.constant 39 : i32
      %dma_wait3A_53 = arith.constant 0 : i32
      %dma_wait3A_54 = tpu.memref_slice %arg9[%dma_wait3A_52, %dma_wait3A_53] : memref<40x128xi32, #tpu.memory_space<vmem>> -> memref<1x128xi32, #tpu.memory_space<vmem>>
      %dma_wait3A_55 = tpu.memref_squeeze %dma_wait3A_54 : memref<1x128xi32, #tpu.memory_space<vmem>> -> memref<128xi32, #tpu.memory_space<vmem>>
      %dma_wait3A_56 = arith.constant 0 : i32
      %dma_wait3A_57 = tpu.memref_slice %arg2[%dma_wait3A_56] : memref<10000xf32, #tpu.memory_space<hbm>> -> memref<10000xf32, #tpu.memory_space<hbm>>
      tpu.wait_indirect_dma semaphore(%arg14 : memref<!tpu.dma_semaphore, #tpu.memory_space<semaphore_mem>>) src(%dma_wait3A_57 : memref<10000xf32, #tpu.memory_space<hbm>>) dst(%arg12 : memref<128xf32, #tpu.memory_space<vmem>>)
      %run_scoped3A_58 = arith.constant 39 : i32
      "tpu.region"() ({
        %run_scoped3A_59 = tpu.sem_alloc : memref<!tpu.dma_semaphore, #tpu.memory_space<semaphore_mem>>
        %dma_start3A_60 = arith.constant 0 : i32
        %dma_start3A_61 = tpu.memref_slice %arg10[%run_scoped3A_58, %dma_start3A_60] : memref<40x128xi32, #tpu.memory_space<vmem>> -> memref<1x128xi32, #tpu.memory_space<vmem>>
        %dma_start3A_62 = tpu.memref_squeeze %dma_start3A_61 : memref<1x128xi32, #tpu.memory_space<vmem>> -> memref<128xi32, #tpu.memory_space<vmem>>
        %dma_start3A_63 = arith.constant 0 : i32
        %dma_start3A_64 = tpu.memref_slice %arg7[%dma_start3A_63] : memref<10240xf32, #tpu.memory_space<vmem_shared>> -> memref<10240xf32, #tpu.memory_space<vmem_shared>>
        tpu.enqueue_indirect_dma source(%arg12 : memref<128xf32, #tpu.memory_space<vmem>>) target(%dma_start3A_64 : memref<10240xf32, #tpu.memory_space<vmem_shared>>) offsets(%dma_start3A_62 : memref<128xi32, #tpu.memory_space<vmem>>) semaphore(%run_scoped3A_59 : memref<!tpu.dma_semaphore, #tpu.memory_space<semaphore_mem>>) {add = true}
        %dma_wait3A_65 = arith.constant 0 : i32
        %dma_wait3A_66 = tpu.memref_slice %arg10[%run_scoped3A_58, %dma_wait3A_65] : memref<40x128xi32, #tpu.memory_space<vmem>> -> memref<1x128xi32, #tpu.memory_space<vmem>>
        %dma_wait3A_67 = tpu.memref_squeeze %dma_wait3A_66 : memref<1x128xi32, #tpu.memory_space<vmem>> -> memref<128xi32, #tpu.memory_space<vmem>>
        %dma_wait3A_68 = arith.constant 0 : i32
        %dma_wait3A_69 = tpu.memref_slice %arg7[%dma_wait3A_68] : memref<10240xf32, #tpu.memory_space<vmem_shared>> -> memref<10240xf32, #tpu.memory_space<vmem_shared>>
        tpu.wait_indirect_dma semaphore(%run_scoped3A_59 : memref<!tpu.dma_semaphore, #tpu.memory_space<semaphore_mem>>) src(%arg12 : memref<128xf32, #tpu.memory_space<vmem>>) dst(%dma_wait3A_69 : memref<10240xf32, #tpu.memory_space<vmem_shared>>)
        tpu.yield
      }) : () -> ()
    }
    %scan3A_17 = arith.constant 2 : i32
    %barrier3A_18 = arith.constant 0 : index
    tpu.barrier barrier_id(%barrier3A_18)
    %eq3A = arith.constant 0 : i32
    %eq3A_19 = arith.cmpi eq, %arg0, %eq3A : i32
    %convert_element_type3A = arith.extui %eq3A_19 : i1 to i32
    %cond3A = arith.constant 0 : i32
    %cond3A_20 = arith.cmpi ne, %convert_element_type3A, %cond3A : i32
    scf.if %cond3A_20 {
      %mul3A_26 = arith.constant 640 : i32
      %mul3A_27 = arith.muli %arg1, %mul3A_26 : i32
      %mul3A_28 = arith.constant 640 : i32
      %mul3A_29 = arith.muli %arg1, %mul3A_28 : i32
      "tpu.region"() ({
        %run_scoped3A = tpu.sem_alloc : memref<!tpu.dma_semaphore, #tpu.memory_space<semaphore_mem>>
        %dma_start3A = tpu.memref_slice %arg5[%mul3A_29] : memref<10240xf32, #tpu.memory_space<hbm>> -> memref<640xf32, #tpu.memory_space<hbm>>
        %dma_start3A_30 = tpu.memref_slice %arg7[%mul3A_27] : memref<10240xf32, #tpu.memory_space<vmem_shared>> -> memref<640xf32, #tpu.memory_space<vmem_shared>>
        tpu.enqueue_dma source(%dma_start3A_30 : memref<640xf32, #tpu.memory_space<vmem_shared>>) target(%dma_start3A : memref<640xf32, #tpu.memory_space<hbm>>) target_semaphore(%run_scoped3A : memref<!tpu.dma_semaphore, #tpu.memory_space<semaphore_mem>>)
        %dma_wait3A = tpu.memref_slice %arg5[%mul3A_29] : memref<10240xf32, #tpu.memory_space<hbm>> -> memref<640xf32, #tpu.memory_space<hbm>>
        %dma_wait3A_31 = tpu.memref_slice %arg7[%mul3A_27] : memref<10240xf32, #tpu.memory_space<vmem_shared>> -> memref<640xf32, #tpu.memory_space<vmem_shared>>
        tpu.wait_dma2 semaphore(%run_scoped3A : memref<!tpu.dma_semaphore, #tpu.memory_space<semaphore_mem>>) src(%dma_wait3A_31 : memref<640xf32, #tpu.memory_space<vmem_shared>>) dst(%dma_wait3A : memref<640xf32, #tpu.memory_space<hbm>>)
        tpu.yield
      }) : () -> ()
    } else {
    }
    %eq3A_21 = arith.constant 1 : i32
    %eq3A_22 = arith.cmpi eq, %arg0, %eq3A_21 : i32
    %convert_element_type3A_23 = arith.extui %eq3A_22 : i1 to i32
    %cond3A_24 = arith.constant 0 : i32
    %cond3A_25 = arith.cmpi ne, %convert_element_type3A_23, %cond3A_24 : i32
    scf.if %cond3A_25 {
      %mul3A_26 = arith.constant 640 : i32
      %mul3A_27 = arith.muli %arg1, %mul3A_26 : i32
      %mul3A_28 = arith.constant 640 : i32
      %mul3A_29 = arith.muli %arg1, %mul3A_28 : i32
      "tpu.region"() ({
        %run_scoped3A = tpu.sem_alloc : memref<!tpu.dma_semaphore, #tpu.memory_space<semaphore_mem>>
        %dma_start3A = tpu.memref_slice %arg6[%mul3A_29] : memref<10240xf32, #tpu.memory_space<hbm>> -> memref<640xf32, #tpu.memory_space<hbm>>
        %dma_start3A_30 = tpu.memref_slice %arg7[%mul3A_27] : memref<10240xf32, #tpu.memory_space<vmem_shared>> -> memref<640xf32, #tpu.memory_space<vmem_shared>>
        tpu.enqueue_dma source(%dma_start3A_30 : memref<640xf32, #tpu.memory_space<vmem_shared>>) target(%dma_start3A : memref<640xf32, #tpu.memory_space<hbm>>) target_semaphore(%run_scoped3A : memref<!tpu.dma_semaphore, #tpu.memory_space<semaphore_mem>>)
        %dma_wait3A = tpu.memref_slice %arg6[%mul3A_29] : memref<10240xf32, #tpu.memory_space<hbm>> -> memref<640xf32, #tpu.memory_space<hbm>>
        %dma_wait3A_31 = tpu.memref_slice %arg7[%mul3A_27] : memref<10240xf32, #tpu.memory_space<vmem_shared>> -> memref<640xf32, #tpu.memory_space<vmem_shared>>
        tpu.wait_dma2 semaphore(%run_scoped3A : memref<!tpu.dma_semaphore, #tpu.memory_space<semaphore_mem>>) src(%dma_wait3A_31 : memref<640xf32, #tpu.memory_space<vmem_shared>>) dst(%dma_wait3A : memref<640xf32, #tpu.memory_space<hbm>>)
        tpu.yield
      }) : () -> ()
    } else {
    }
    return
  }
}

module attributes {stable_mosaic.version = 14 : i64} {
  func.func @_tca_body(%arg0: i32, %arg1: memref<2000x1xf32, #tpu.memory_space<vmem>>, %arg2: memref<2000x1xf32, #tpu.memory_space<vmem>>, %arg3: memref<2000x128xf32, #tpu.memory_space<vmem>>, %arg4: memref<2000x1xf32, #tpu.memory_space<vmem>>, %arg5: memref<2000x128xf32, #tpu.memory_space<vmem>>) attributes {dimension_semantics = [#tpu.dimension_semantics<arbitrary>], iteration_bounds = array<i64: 5>, scalar_prefetch = 0 : i64, scratch_operands = 0 : i64, tpu.core_type = #tpu.core_type<tc>, window_params = [{transform_indices = @transform_0, window_bounds = array<i64: 2000, 1>}, {transform_indices = @transform_1, window_bounds = array<i64: 2000, 1>}, {transform_indices = @transform_2, window_bounds = array<i64: 2000, 128>}, {transform_indices = @transform_3, window_bounds = array<i64: 2000, 1>}, {transform_indices = @transform_4, window_bounds = array<i64: 2000, 128>}]} {
    %get3A = arith.constant 0 : index
    %get3A_0 = arith.constant 0 : index
    %get3A_1 = vector.load %arg1[%get3A, %get3A_0] : memref<2000x1xf32, #tpu.memory_space<vmem>>, vector<2000x1xf32>
    %get3A_2 = arith.constant 0 : index
    %get3A_3 = arith.constant 0 : index
    %get3A_4 = vector.load %arg2[%get3A_2, %get3A_3] : memref<2000x1xf32, #tpu.memory_space<vmem>>, vector<2000x1xf32>
    %add3A = arith.addf %get3A_1, %get3A_4 : vector<2000x1xf32>
    %add3A_5 = arith.constant 1.000000e+00 : f32
    %add3A_6 = vector.broadcast %add3A_5 : f32 to vector<2000x1xf32>
    %add3A_7 = arith.addf %add3A, %add3A_6 : vector<2000x1xf32>
    %rsqrt3A = math.rsqrt %add3A_7 : vector<2000x1xf32>
    %swap3A = arith.constant 0 : index
    %swap3A_8 = arith.constant 0 : index
    %swap3A_9 = vector.load %arg4[%swap3A, %swap3A_8] : memref<2000x1xf32, #tpu.memory_space<vmem>>, vector<2000x1xf32>
    tpu.vector_store %arg4[%swap3A, %swap3A_8], %rsqrt3A {strides = array<i32>} : memref<2000x1xf32, #tpu.memory_space<vmem>>, vector<2000x1xf32>,
    %get3A_10 = arith.constant 0 : index
    %get3A_11 = arith.constant 0 : index
    %get3A_12 = vector.load %arg3[%get3A_10, %get3A_11] : memref<2000x128xf32, #tpu.memory_space<vmem>>, vector<2000x128xf32>
    %mul3A = vector.broadcast %rsqrt3A : vector<2000x1xf32> to vector<2000x128xf32>
    %mul3A_13 = arith.mulf %get3A_12, %mul3A : vector<2000x128xf32>
    %swap3A_14 = arith.constant 0 : index
    %swap3A_15 = arith.constant 0 : index
    %swap3A_16 = vector.load %arg5[%swap3A_14, %swap3A_15] : memref<2000x128xf32, #tpu.memory_space<vmem>>, vector<2000x128xf32>
    tpu.vector_store %arg5[%swap3A_14, %swap3A_15], %mul3A_13 {strides = array<i32>} : memref<2000x128xf32, #tpu.memory_space<vmem>>, vector<2000x128xf32>,
    return
  }
  func.func @transform_0(%arg0: i32) -> (i32, i32) {
    %c0_i32 = arith.constant 0 : i32
    %c0_i32_0 = arith.constant 0 : i32
    return %arg0, %c0_i32 : i32, i32
  }
  func.func @transform_1(%arg0: i32) -> (i32, i32) {
    %c0_i32 = arith.constant 0 : i32
    %c0_i32_0 = arith.constant 0 : i32
    return %arg0, %c0_i32 : i32, i32
  }
  func.func @transform_2(%arg0: i32) -> (i32, i32) {
    %c0_i32 = arith.constant 0 : i32
    %c0_i32_0 = arith.constant 0 : i32
    return %arg0, %c0_i32 : i32, i32
  }
  func.func @transform_3(%arg0: i32) -> (i32, i32) {
    %c0_i32 = arith.constant 0 : i32
    %c0_i32_0 = arith.constant 0 : i32
    return %arg0, %c0_i32 : i32, i32
  }
  func.func @transform_4(%arg0: i32) -> (i32, i32) {
    %c0_i32 = arith.constant 0 : i32
    %c0_i32_0 = arith.constant 0 : i32
    return %arg0, %c0_i32 : i32, i32
  }
}

module attributes {stable_mosaic.version = 14 : i64} {
  func.func @_tcb_body(%arg0: i32, %arg1: memref<1000x128xf32, #tpu.memory_space<vmem>>, %arg2: memref<1000x128xf32, #tpu.memory_space<vmem>>, %arg3: memref<1000x128xf32, #tpu.memory_space<vmem>>, %arg4: memref<1000x1xf32, #tpu.memory_space<vmem>>, %arg5: memref<128x256xf32, #tpu.memory_space<vmem>>, %arg6: memref<1x256xf32, #tpu.memory_space<vmem>>, %arg7: memref<1000x128xf32, #tpu.memory_space<vmem>>, %arg8: memref<1000x128xf32, #tpu.memory_space<vmem>>) attributes {dimension_semantics = [#tpu.dimension_semantics<arbitrary>], iteration_bounds = array<i64: 10>, scalar_prefetch = 0 : i64, scratch_operands = 0 : i64, tpu.core_type = #tpu.core_type<tc>, window_params = [{transform_indices = @transform_0, window_bounds = array<i64: 1000, 128>}, {transform_indices = @transform_1, window_bounds = array<i64: 1000, 128>}, {transform_indices = @transform_2, window_bounds = array<i64: 1000, 128>}, {transform_indices = @transform_3, window_bounds = array<i64: 1000, 1>}, {pipeline_mode = #tpu.pipeline_mode<synchronous>, transform_indices = @transform_4, window_bounds = array<i64: 128, 256>}, {pipeline_mode = #tpu.pipeline_mode<synchronous>, transform_indices = @transform_5, window_bounds = array<i64: 1, 256>}, {transform_indices = @transform_6, window_bounds = array<i64: 1000, 128>}, {transform_indices = @transform_7, window_bounds = array<i64: 1000, 128>}]} {
    %get3A = arith.constant 0 : index
    %get3A_0 = arith.constant 0 : index
    %get3A_1 = vector.load %arg4[%get3A, %get3A_0] : memref<1000x1xf32, #tpu.memory_space<vmem>>, vector<1000x1xf32>
    %get3A_2 = arith.constant 0 : index
    %get3A_3 = arith.constant 0 : index
    %get3A_4 = vector.load %arg1[%get3A_2, %get3A_3] : memref<1000x128xf32, #tpu.memory_space<vmem>>, vector<1000x128xf32>
    %get3A_5 = arith.constant 0 : index
    %get3A_6 = arith.constant 0 : index
    %get3A_7 = vector.load %arg2[%get3A_5, %get3A_6] : memref<1000x128xf32, #tpu.memory_space<vmem>>, vector<1000x128xf32>
    %add3A = arith.addf %get3A_4, %get3A_7 : vector<1000x128xf32>
    %get3A_8 = arith.constant 0 : index
    %get3A_9 = arith.constant 0 : index
    %get3A_10 = vector.load %arg3[%get3A_8, %get3A_9] : memref<1000x128xf32, #tpu.memory_space<vmem>>, vector<1000x128xf32>
    %add3A_11 = arith.addf %add3A, %get3A_10 : vector<1000x128xf32>
    %mul3A = vector.broadcast %get3A_1 : vector<1000x1xf32> to vector<1000x128xf32>
    %mul3A_12 = arith.mulf %add3A_11, %mul3A : vector<1000x128xf32>
    %get3A_13 = arith.constant 0 : index
    %get3A_14 = arith.constant 0 : index
    %get3A_15 = vector.load %arg5[%get3A_13, %get3A_14] : memref<128x256xf32, #tpu.memory_space<vmem>>, vector<128x256xf32>
    %dot_general3A = arith.constant dense<0.000000e+00> : vector<1000x256xf32>
    %dot_general3A_16 = tpu.matmul %mul3A_12, %get3A_15, %dot_general3A {dimension_numbers = #tpu.dot_dimension_numbers<[1], [0], [0], [1], [0, 0, 1, 1], [], []>, transpose_lhs_hint = false} : vector<1000x128xf32>, vector<128x256xf32>, vector<1000x256xf32> -> vector<1000x256xf32>
    %get3A_17 = arith.constant 0 : index
    %get3A_18 = arith.constant 0 : index
    %get3A_19 = vector.load %arg6[%get3A_17, %get3A_18] : memref<1x256xf32, #tpu.memory_space<vmem>>, vector<1x256xf32>
    %add3A_20 = vector.broadcast %get3A_19 : vector<1x256xf32> to vector<1000x256xf32>
    %add3A_21 = arith.addf %dot_general3A_16, %add3A_20 : vector<1000x256xf32>
    %max3A = arith.constant 0.000000e+00 : f32
    %max3A_22 = vector.broadcast %max3A : f32 to vector<1000x256xf32>
    %max3A_23 = arith.maximumf %add3A_21, %max3A_22 : vector<1000x256xf32>
    %mul3A_24 = vector.broadcast %get3A_1 : vector<1000x1xf32> to vector<1000x256xf32>
    %mul3A_25 = arith.mulf %max3A_23, %mul3A_24 : vector<1000x256xf32>
    %slice3A = vector.extract_strided_slice %mul3A_25 {offsets = [0, 0], sizes = [1000, 128], strides = [1, 1]} : vector<1000x256xf32> to vector<1000x128xf32>
    %swap3A = arith.constant 0 : index
    %swap3A_26 = arith.constant 0 : index
    %swap3A_27 = vector.load %arg7[%swap3A, %swap3A_26] : memref<1000x128xf32, #tpu.memory_space<vmem>>, vector<1000x128xf32>
    tpu.vector_store %arg7[%swap3A, %swap3A_26], %slice3A {strides = array<i32>} : memref<1000x128xf32, #tpu.memory_space<vmem>>, vector<1000x128xf32>,
    %slice3A_28 = vector.extract_strided_slice %mul3A_25 {offsets = [0, 128], sizes = [1000, 128], strides = [1, 1]} : vector<1000x256xf32> to vector<1000x128xf32>
    %swap3A_29 = arith.constant 0 : index
    %swap3A_30 = arith.constant 0 : index
    %swap3A_31 = vector.load %arg8[%swap3A_29, %swap3A_30] : memref<1000x128xf32, #tpu.memory_space<vmem>>, vector<1000x128xf32>
    tpu.vector_store %arg8[%swap3A_29, %swap3A_30], %slice3A_28 {strides = array<i32>} : memref<1000x128xf32, #tpu.memory_space<vmem>>, vector<1000x128xf32>,
    return
  }
  func.func @transform_0(%arg0: i32) -> (i32, i32) {
    %c0_i32 = arith.constant 0 : i32
    %c0_i32_0 = arith.constant 0 : i32
    return %arg0, %c0_i32 : i32, i32
  }
  func.func @transform_1(%arg0: i32) -> (i32, i32) {
    %c0_i32 = arith.constant 0 : i32
    %c0_i32_0 = arith.constant 0 : i32
    return %arg0, %c0_i32 : i32, i32
  }
  func.func @transform_2(%arg0: i32) -> (i32, i32) {
    %c0_i32 = arith.constant 0 : i32
    %c0_i32_0 = arith.constant 0 : i32
    return %arg0, %c0_i32 : i32, i32
  }
  func.func @transform_3(%arg0: i32) -> (i32, i32) {
    %c0_i32 = arith.constant 0 : i32
    %c0_i32_0 = arith.constant 0 : i32
    return %arg0, %c0_i32 : i32, i32
  }
  func.func @transform_4(%arg0: i32) -> (i32, i32) {
    %c0_i32 = arith.constant 0 : i32
    %c0_i32_0 = arith.constant 0 : i32
    %c0_i32_1 = arith.constant 0 : i32
    return %c0_i32, %c0_i32_0 : i32, i32
  }
  func.func @transform_5(%arg0: i32) -> (i32, i32) {
    %c0_i32 = arith.constant 0 : i32
    %c0_i32_0 = arith.constant 0 : i32
    %c0_i32_1 = arith.constant 0 : i32
    return %c0_i32, %c0_i32_0 : i32, i32
  }
  func.func @transform_6(%arg0: i32) -> (i32, i32) {
    %c0_i32 = arith.constant 0 : i32
    %c0_i32_0 = arith.constant 0 : i32
    return %arg0, %c0_i32 : i32, i32
  }
  func.func @transform_7(%arg0: i32) -> (i32, i32) {
    %c0_i32 = arith.constant 0 : i32
    %c0_i32_0 = arith.constant 0 : i32
    return %arg0, %c0_i32 : i32, i32
  }
}

module attributes {stable_mosaic.version = 14 : i64} {
  func.func @_tcc_body(%arg0: i32, %arg1: memref<1000x128xf32, #tpu.memory_space<vmem>>, %arg2: memref<1000x128xf32, #tpu.memory_space<vmem>>, %arg3: memref<1000x128xf32, #tpu.memory_space<vmem>>, %arg4: memref<1000x128xf32, #tpu.memory_space<vmem>>, %arg5: memref<1000x1xf32, #tpu.memory_space<vmem>>, %arg6: memref<256x512xf32, #tpu.memory_space<vmem>>, %arg7: memref<1x512xf32, #tpu.memory_space<vmem>>, %arg8: memref<512x1xf32, #tpu.memory_space<vmem>>, %arg9: memref<1000x1xf32, #tpu.memory_space<vmem>>) attributes {dimension_semantics = [#tpu.dimension_semantics<arbitrary>], iteration_bounds = array<i64: 10>, scalar_prefetch = 0 : i64, scratch_operands = 0 : i64, tpu.core_type = #tpu.core_type<tc>, window_params = [{transform_indices = @transform_0, window_bounds = array<i64: 1000, 128>}, {transform_indices = @transform_1, window_bounds = array<i64: 1000, 128>}, {transform_indices = @transform_2, window_bounds = array<i64: 1000, 128>}, {transform_indices = @transform_3, window_bounds = array<i64: 1000, 128>}, {transform_indices = @transform_4, window_bounds = array<i64: 1000, 1>}, {pipeline_mode = #tpu.pipeline_mode<synchronous>, transform_indices = @transform_5, window_bounds = array<i64: 256, 512>}, {pipeline_mode = #tpu.pipeline_mode<synchronous>, transform_indices = @transform_6, window_bounds = array<i64: 1, 512>}, {pipeline_mode = #tpu.pipeline_mode<synchronous>, transform_indices = @transform_7, window_bounds = array<i64: 512, 1>}, {transform_indices = @transform_8, window_bounds = array<i64: 1000, 1>}]} {
    %get3A = arith.constant 0 : index
    %get3A_0 = arith.constant 0 : index
    %get3A_1 = vector.load %arg5[%get3A, %get3A_0] : memref<1000x1xf32, #tpu.memory_space<vmem>>, vector<1000x1xf32>
    %get3A_2 = arith.constant 0 : index
    %get3A_3 = arith.constant 0 : index
    %get3A_4 = vector.load %arg1[%get3A_2, %get3A_3] : memref<1000x128xf32, #tpu.memory_space<vmem>>, vector<1000x128xf32>
    %get3A_5 = arith.constant 0 : index
    %get3A_6 = arith.constant 0 : index
    %get3A_7 = vector.load %arg3[%get3A_5, %get3A_6] : memref<1000x128xf32, #tpu.memory_space<vmem>>, vector<1000x128xf32>
    %add3A = arith.addf %get3A_4, %get3A_7 : vector<1000x128xf32>
    %mul3A = vector.broadcast %get3A_1 : vector<1000x1xf32> to vector<1000x128xf32>
    %mul3A_8 = arith.mulf %add3A, %mul3A : vector<1000x128xf32>
    %get3A_9 = arith.constant 0 : index
    %get3A_10 = arith.constant 0 : index
    %get3A_11 = vector.load %arg2[%get3A_9, %get3A_10] : memref<1000x128xf32, #tpu.memory_space<vmem>>, vector<1000x128xf32>
    %get3A_12 = arith.constant 0 : index
    %get3A_13 = arith.constant 0 : index
    %get3A_14 = vector.load %arg4[%get3A_12, %get3A_13] : memref<1000x128xf32, #tpu.memory_space<vmem>>, vector<1000x128xf32>
    %add3A_15 = arith.addf %get3A_11, %get3A_14 : vector<1000x128xf32>
    %mul3A_16 = vector.broadcast %get3A_1 : vector<1000x1xf32> to vector<1000x128xf32>
    %mul3A_17 = arith.mulf %add3A_15, %mul3A_16 : vector<1000x128xf32>
    %concatenate3A = tpu.concatenate %mul3A_8, %mul3A_17 in 1 : vector<1000x128xf32>, vector<1000x128xf32> -> vector<1000x256xf32>
    %get3A_18 = arith.constant 0 : index
    %get3A_19 = arith.constant 0 : index
    %get3A_20 = vector.load %arg6[%get3A_18, %get3A_19] : memref<256x512xf32, #tpu.memory_space<vmem>>, vector<256x512xf32>
    %dot_general3A = arith.constant dense<0.000000e+00> : vector<1000x512xf32>
    %dot_general3A_21 = tpu.matmul %concatenate3A, %get3A_20, %dot_general3A {dimension_numbers = #tpu.dot_dimension_numbers<[1], [0], [0], [1], [0, 0, 1, 1], [], []>, transpose_lhs_hint = false} : vector<1000x256xf32>, vector<256x512xf32>, vector<1000x512xf32> -> vector<1000x512xf32>
    %get3A_22 = arith.constant 0 : index
    %get3A_23 = arith.constant 0 : index
    %get3A_24 = vector.load %arg7[%get3A_22, %get3A_23] : memref<1x512xf32, #tpu.memory_space<vmem>>, vector<1x512xf32>
    %add3A_25 = vector.broadcast %get3A_24 : vector<1x512xf32> to vector<1000x512xf32>
    %add3A_26 = arith.addf %dot_general3A_21, %add3A_25 : vector<1000x512xf32>
    %max3A = arith.constant 0.000000e+00 : f32
    %max3A_27 = vector.broadcast %max3A : f32 to vector<1000x512xf32>
    %max3A_28 = arith.maximumf %add3A_26, %max3A_27 : vector<1000x512xf32>
    %get3A_29 = arith.constant 0 : index
    %get3A_30 = arith.constant 0 : index
    %get3A_31 = vector.load %arg8[%get3A_29, %get3A_30] : memref<512x1xf32, #tpu.memory_space<vmem>>, vector<512x1xf32>
    %dot_general3A_32 = arith.constant dense<0.000000e+00> : vector<1000x1xf32>
    %dot_general3A_33 = tpu.matmul %max3A_28, %get3A_31, %dot_general3A_32 {dimension_numbers = #tpu.dot_dimension_numbers<[1], [0], [0], [1], [0, 0, 1, 1], [], []>, transpose_lhs_hint = false} : vector<1000x512xf32>, vector<512x1xf32>, vector<1000x1xf32> -> vector<1000x1xf32>
    %mul3A_34 = arith.mulf %dot_general3A_33, %get3A_1 : vector<1000x1xf32>
    %swap3A = arith.constant 0 : index
    %swap3A_35 = arith.constant 0 : index
    %swap3A_36 = vector.load %arg9[%swap3A, %swap3A_35] : memref<1000x1xf32, #tpu.memory_space<vmem>>, vector<1000x1xf32>
    tpu.vector_store %arg9[%swap3A, %swap3A_35], %mul3A_34 {strides = array<i32>} : memref<1000x1xf32, #tpu.memory_space<vmem>>, vector<1000x1xf32>,
    return
  }
  func.func @transform_0(%arg0: i32) -> (i32, i32) {
    %c0_i32 = arith.constant 0 : i32
    %c0_i32_0 = arith.constant 0 : i32
    return %arg0, %c0_i32 : i32, i32
  }
  func.func @transform_1(%arg0: i32) -> (i32, i32) {
    %c0_i32 = arith.constant 0 : i32
    %c0_i32_0 = arith.constant 0 : i32
    return %arg0, %c0_i32 : i32, i32
  }
  func.func @transform_2(%arg0: i32) -> (i32, i32) {
    %c0_i32 = arith.constant 0 : i32
    %c0_i32_0 = arith.constant 0 : i32
    return %arg0, %c0_i32 : i32, i32
  }
  func.func @transform_3(%arg0: i32) -> (i32, i32) {
    %c0_i32 = arith.constant 0 : i32
    %c0_i32_0 = arith.constant 0 : i32
    return %arg0, %c0_i32 : i32, i32
  }
  func.func @transform_4(%arg0: i32) -> (i32, i32) {
    %c0_i32 = arith.constant 0 : i32
    %c0_i32_0 = arith.constant 0 : i32
    return %arg0, %c0_i32 : i32, i32
  }
  func.func @transform_5(%arg0: i32) -> (i32, i32) {
    %c0_i32 = arith.constant 0 : i32
    %c0_i32_0 = arith.constant 0 : i32
    %c0_i32_1 = arith.constant 0 : i32
    return %c0_i32, %c0_i32_0 : i32, i32
  }
  func.func @transform_6(%arg0: i32) -> (i32, i32) {
    %c0_i32 = arith.constant 0 : i32
    %c0_i32_0 = arith.constant 0 : i32
    %c0_i32_1 = arith.constant 0 : i32
    return %c0_i32, %c0_i32_0 : i32, i32
  }
  func.func @transform_7(%arg0: i32) -> (i32, i32) {
    %c0_i32 = arith.constant 0 : i32
    %c0_i32_0 = arith.constant 0 : i32
    %c0_i32_1 = arith.constant 0 : i32
    return %c0_i32, %c0_i32_0 : i32, i32
  }
  func.func @transform_8(%arg0: i32) -> (i32, i32) {
    %c0_i32 = arith.constant 0 : i32
    %c0_i32_0 = arith.constant 0 : i32
    return %arg0, %c0_i32 : i32, i32
  }
}

module attributes {stable_mosaic.version = 14 : i64} {
  func.func @_tcd_body(%arg0: i32, %arg1: memref<2000x1xf32, #tpu.memory_space<vmem>>, %arg2: memref<2000x1xf32, #tpu.memory_space<vmem>>, %arg3: memref<2000x1xf32, #tpu.memory_space<vmem>>, %arg4: memref<2000x1xf32, #tpu.memory_space<vmem>>, %arg5: memref<1x1xf32, #tpu.memory_space<vmem>>, %arg6: memref<2000x1xf32, #tpu.memory_space<vmem>>) attributes {dimension_semantics = [#tpu.dimension_semantics<arbitrary>], iteration_bounds = array<i64: 5>, scalar_prefetch = 0 : i64, scratch_operands = 0 : i64, tpu.core_type = #tpu.core_type<tc>, window_params = [{transform_indices = @transform_0, window_bounds = array<i64: 2000, 1>}, {transform_indices = @transform_1, window_bounds = array<i64: 2000, 1>}, {transform_indices = @transform_2, window_bounds = array<i64: 2000, 1>}, {transform_indices = @transform_3, window_bounds = array<i64: 2000, 1>}, {pipeline_mode = #tpu.pipeline_mode<synchronous>, transform_indices = @transform_4, window_bounds = array<i64: 1, 1>}, {transform_indices = @transform_5, window_bounds = array<i64: 2000, 1>}]} {
    %get3A = arith.constant 0 : index
    %get3A_0 = arith.constant 0 : index
    %get3A_1 = vector.load %arg1[%get3A, %get3A_0] : memref<2000x1xf32, #tpu.memory_space<vmem>>, vector<2000x1xf32>
    %get3A_2 = arith.constant 0 : index
    %get3A_3 = arith.constant 0 : index
    %get3A_4 = vector.load %arg2[%get3A_2, %get3A_3] : memref<2000x1xf32, #tpu.memory_space<vmem>>, vector<2000x1xf32>
    %add3A = arith.addf %get3A_1, %get3A_4 : vector<2000x1xf32>
    %get3A_5 = arith.constant 0 : index
    %get3A_6 = arith.constant 0 : index
    %get3A_7 = vector.load %arg3[%get3A_5, %get3A_6] : memref<2000x1xf32, #tpu.memory_space<vmem>>, vector<2000x1xf32>
    %add3A_8 = arith.addf %add3A, %get3A_7 : vector<2000x1xf32>
    %get3A_9 = arith.constant 0 : index
    %get3A_10 = arith.constant 0 : index
    %get3A_11 = vector.load %arg4[%get3A_9, %get3A_10] : memref<2000x1xf32, #tpu.memory_space<vmem>>, vector<2000x1xf32>
    %mul3A = arith.mulf %add3A_8, %get3A_11 : vector<2000x1xf32>
    %get3A_12 = arith.constant 0 : index
    %get3A_13 = arith.constant 0 : index
    %get3A_14 = vector.load %arg5[%get3A_12, %get3A_13] : memref<1x1xf32, #tpu.memory_space<vmem>>, vector<1x1xf32>
    %add3A_15 = vector.broadcast %get3A_14 : vector<1x1xf32> to vector<2000x1xf32>
    %add3A_16 = arith.addf %mul3A, %add3A_15 : vector<2000x1xf32>
    %neg3A = arith.constant 0.000000e+00 : f32
    %neg3A_17 = vector.broadcast %neg3A : f32 to vector<2000x1xf32>
    %neg3A_18 = arith.subf %neg3A_17, %add3A_16 : vector<2000x1xf32>
    %exp3A = math.exp %neg3A_18 : vector<2000x1xf32>
    %add3A_19 = arith.constant 1.000000e+00 : f32
    %add3A_20 = vector.broadcast %add3A_19 : f32 to vector<2000x1xf32>
    %add3A_21 = arith.addf %add3A_20, %exp3A : vector<2000x1xf32>
    %div3A = arith.constant 1.000000e+00 : f32
    %div3A_22 = vector.broadcast %div3A : f32 to vector<2000x1xf32>
    %div3A_23 = arith.divf %div3A_22, %add3A_21 : vector<2000x1xf32>
    %swap3A = arith.constant 0 : index
    %swap3A_24 = arith.constant 0 : index
    %swap3A_25 = vector.load %arg6[%swap3A, %swap3A_24] : memref<2000x1xf32, #tpu.memory_space<vmem>>, vector<2000x1xf32>
    tpu.vector_store %arg6[%swap3A, %swap3A_24], %div3A_23 {strides = array<i32>} : memref<2000x1xf32, #tpu.memory_space<vmem>>, vector<2000x1xf32>,
    return
  }
  func.func @transform_0(%arg0: i32) -> (i32, i32) {
    %c0_i32 = arith.constant 0 : i32
    %c0_i32_0 = arith.constant 0 : i32
    return %arg0, %c0_i32 : i32, i32
  }
  func.func @transform_1(%arg0: i32) -> (i32, i32) {
    %c0_i32 = arith.constant 0 : i32
    %c0_i32_0 = arith.constant 0 : i32
    return %arg0, %c0_i32 : i32, i32
  }
  func.func @transform_2(%arg0: i32) -> (i32, i32) {
    %c0_i32 = arith.constant 0 : i32
    %c0_i32_0 = arith.constant 0 : i32
    return %arg0, %c0_i32 : i32, i32
  }
  func.func @transform_3(%arg0: i32) -> (i32, i32) {
    %c0_i32 = arith.constant 0 : i32
    %c0_i32_0 = arith.constant 0 : i32
    return %arg0, %c0_i32 : i32, i32
  }
  func.func @transform_4(%arg0: i32) -> (i32, i32) {
    %c0_i32 = arith.constant 0 : i32
    %c0_i32_0 = arith.constant 0 : i32
    %c0_i32_1 = arith.constant 0 : i32
    return %c0_i32, %c0_i32_0 : i32, i32
  }
  func.func @transform_5(%arg0: i32) -> (i32, i32) {
    %c0_i32 = arith.constant 0 : i32
    %c0_i32_0 = arith.constant 0 : i32
    return %arg0, %c0_i32 : i32, i32
  }
}

</mosaic_0001>

<sc_bundles>
// kernel: kernel.10.cloned.1.call-start
scs
__scs_entry_jumppad:
0x0: {  	(pc) =	sbr.rel $0x88, $3  }
0x1: {  	(tag) =	ssettag $0x0;
	lr =	simm.s32 $0x1  }
0x2: {  	[smem:$0x3F99] =	sst lr;
	_ =	strace $0xD0000000  }
0x3: {  	_ = 	snop  }
0x4: {  	_ = 	snop  }
0x5: {  	_ = 	snop  }
0x6: {  	_ = 	snop  }
0x7: {  	_ = 	snop  }
__scs_overlays_trampoline_lowered:
0x8: {  	[smem:$0x3FA8] =	sst s0  }
0x9: {  	[smem:$0x3FA9] =	sst s1  }
0xa: {  	[smem:$0x3FAA] =	sst s2  }
0xb: {  	[smem:$0x3FAB] =	sst s3  }
0xc: {  	[smem:$0x3FAC] =	sst s4  }
0xd: {  	[smem:$0x3FAD] =	sst s5  }
0xe: {  	[smem:$0x3FAE] =	sst s6  }
0xf: {  	[smem:$0x3FAF] =	sst s7  }
0x10: {  	[smem:$0x3FB0] =	sst s8  }
0x11: {  	[smem:$0x3FB1] =	sst s9;
	s0 =	simm.s32 @!p0 $0x0  }
0x12: {  	s1 =	sld [smem:$0x3F97];
	s0 =	simm.s32 @p0 $0x1  }
0x13: {  	[smem:$0x3FB2] =	sst s0;
	s0 =	simm.s32 @!p1 $0x0  }
0x14: {  	s2 =	sld [smem:$0x3F96];
	s0 =	simm.s32 @p1 $0x1  }
0x15: {  	[smem:$0x3FB3] =	sst s0;
	s0 =	simm.s32 @!p2 $0x0  }
0x16: {  	s3 =	sld [smem:$0x3FDB];
	s0 =	simm.s32 @p2 $0x1  }
0x17: {  	s4 =	simm.s32 $0x1BF5;
	[smem:$0x3FB5] =	sst s0  }
0x18: {  	s0 =	sld [smem:$0x3F98];
	_ =	swait.ge [sflag:s4], $0x0  }
0x19: {  	s7 =	sld [smem:$0x3F99]  }
0x1a: {  	s8 =	sadd.s32 $0xFFFFE003, lr  }
0x1b: {  	s9 =	sadd.s32 $0xFFFFFEF7, lr;
	s5 =	simm.s32 $0xFFFFFFFF;
	p2 =	slt.u32 s8, $0xFFFFF086  }
0x1c: {  	p1 =	slt.u32 s9, $0xF7A;
	s5 =	simm.s32 @!p2 $0x0  }
0x1d: {  	s5 =	simm.s32 @p1 $0x1;
	p0 =	seq.s32 s7, s2  }
0x1e: {  	s7 =	smul.u32 @!p0 $0xF7A, s2;
	p2 =	seq.s32 @!p0 s5, $0x0  }
0x1f: {  	s9 =	smul.u32 $0xF7A, s1;
	s8 =	simm.s32 @!p0 $0x1BF5;
	p2 =	por !p2, p0  }
0x20: {  	[sflag:s8] =	ssyncset.s32 @!p0 $0xFFFFF086;
	s6 =	sadd.s32 @!p0 s3, s7;
	s7 =	simm.s32 @!p0 $0x108  }
0x21: {  	s3 =	sadd.s32 s3, s9;
	s6 =	sadd.s32 @!p0 $0x88, s6;
	s7 =	simm.s32 @p2 $0x1082  }
0x22: {  	[simem:s7], [sflag:s8] =	dma.local @!p0 [hbm:s6], $0xF7A  }
0x23: {  	s9 =	sor.u32 $0xD0000000, s2;
	s6 =	simm.s32 $0x108;
	_ =	swait.ge @!p0 [sflag:s8], $0x0  }
0x24: {  	s3 =	sadd.s32 $0x88, s3;
	s6 =	simm.s32 @!p1 $0x1082;
	[sflag:s4] =	ssyncset.s32 $0xFFFFF086  }
0x25: {  	[simem:s6], [sflag:s4] =	dma.local [hbm:s3], $0xF7A  }
0x26: {  	[smem:$0x3F99] =	sst s1;
	(tag) =	ssettag s2;
	_ =	strace s9  }
0x27: {  	s1 =	sld [smem:$0x3FA9]  }
0x28: {  	s2 =	sld [smem:$0x3FAA]  }
0x29: {  	s4 =	sld [smem:$0x3FAC]  }
0x2a: {  	p0 =	seq.s32 s5, $0x0;
	s5 =	sld [smem:$0x3FAD]  }
0x2b: {  	s6 =	sld [smem:$0x3FAE]  }
0x2c: {  	s7 =	sld [smem:$0x3FAF]  }
0x2d: {  	s3 =	simm.s32 $0x108;
	s8 =	sld [smem:$0x3FB0]  }
0x2e: {  	s3 =	simm.s32 @!p0 $0x1082;
	s9 =	sld [smem:$0x3FB1]  }
0x2f: {  	lr =	sadd.s32 s0, s3;
	s0 =	sld [smem:$0x3FA8]  }
0x30: {  	s3 =	sld [smem:$0x3FAB]  }
0x31: {  	[smem:$0x3FB4] =	sst s10  }
0x32: {  	s10 =	sld [smem:$0x3FB2];
	_ =	sdelay $0x3  }
0x33: {  	p0 =	seq.s32 s10, $0x1;
	s10 =	sld [smem:$0x3FB4];
	_ =	sdelay $0x3  }
0x34: {  	[smem:$0x3FB4] =	sst s10  }
0x35: {  	s10 =	sld [smem:$0x3FB3];
	_ =	sdelay $0x3  }
0x36: {  	p1 =	seq.s32 s10, $0x1;
	s10 =	sld [smem:$0x3FB4];
	_ =	sdelay $0x3  }
0x37: {  	[smem:$0x3FB4] =	sst s10  }
0x38: {  	s10 =	sld [smem:$0x3FB5]  }
0x39: {  	_ = 	snop;
	(pc) =	sbr.ind lr, $3  }
0x3a: {  	_ = 	snop  }
0x3b: {  	_ = 	snop  }
0x3c: {  	p2 =	seq.s32 s10, $0x1;
	s10 =	sld [smem:$0x3FB4]  }
0x3d: {  	_ =	shalt  }
0x3e: {  	_ =	shalt  }
0x3f: {  	_ =	shalt  }
0x40: {  	_ =	shalt  }
0x41: {  	_ =	shalt  }
0x42: {  	_ =	shalt  }
0x43: {  	_ =	shalt  }
0x44: {  	_ =	shalt  }
0x45: {  	_ =	shalt  }
0x46: {  	_ =	shalt  }
0x47: {  	_ =	shalt  }
0x48: {  	_ =	shalt  }
0x49: {  	_ =	shalt  }
0x4a: {  	_ =	shalt  }
0x4b: {  	_ =	shalt  }
0x4c: {  	_ =	shalt  }
0x4d: {  	_ =	shalt  }
0x4e: {  	_ =	shalt  }
0x4f: {  	_ =	shalt  }
0x50: {  	_ =	shalt  }
0x51: {  	_ =	shalt  }
0x52: {  	_ =	shalt  }
0x53: {  	_ =	shalt  }
0x54: {  	_ =	shalt  }
0x55: {  	_ =	shalt  }
0x56: {  	_ =	shalt  }
0x57: {  	_ =	shalt  }
0x58: {  	_ =	shalt  }
0x59: {  	_ =	shalt  }
0x5a: {  	_ =	shalt  }
0x5b: {  	_ =	shalt  }
0x5c: {  	_ =	shalt  }
0x5d: {  	_ =	shalt  }
0x5e: {  	_ =	shalt  }
0x5f: {  	_ =	shalt  }
0x60: {  	_ =	shalt  }
0x61: {  	_ =	shalt  }
0x62: {  	_ =	shalt  }
0x63: {  	_ =	shalt  }
0x64: {  	_ =	shalt  }
0x65: {  	_ =	shalt  }
0x66: {  	_ =	shalt  }
0x67: {  	_ =	shalt  }
0x68: {  	_ =	shalt  }
0x69: {  	_ =	shalt  }
0x6a: {  	_ =	shalt  }
0x6b: {  	_ =	shalt  }
0x6c: {  	_ =	shalt  }
0x6d: {  	_ =	shalt  }
0x6e: {  	_ =	shalt  }
0x6f: {  	_ =	shalt  }
0x70: {  	_ =	shalt  }
0x71: {  	_ =	shalt  }
0x72: {  	_ =	shalt  }
0x73: {  	_ =	shalt  }
0x74: {  	_ =	shalt  }
0x75: {  	_ =	shalt  }
0x76: {  	_ =	shalt  }
0x77: {  	_ =	shalt  }
0x78: {  	_ =	shalt  }
0x79: {  	_ =	shalt  }
0x7a: {  	_ =	shalt  }
0x7b: {  	_ =	shalt  }
0x7c: {  	_ =	shalt  }
0x7d: {  	_ =	shalt  }
0x7e: {  	_ =	shalt  }
0x7f: {  	_ =	shalt  }
0x80: {  	_ =	shalt  }
0x81: {  	_ =	shalt  }
0x82: {  	_ =	shalt  }
0x83: {  	_ =	shalt  }
0x84: {  	_ =	shalt  }
0x85: {  	_ =	shalt  }
0x86: {  	_ =	shalt  }
0x87: {  	_ =	shalt  }
.Lfunc_end0:
.L_simem_size_0:
called_computation_lowered:
.L_overlay_start_0:
0x88: {  	s2 =	sld [smem:$0x3FD9]  }
0x89: {  	s3 =	sld [smem:$0x3FFE];
	_ =	sdelay $0x1  }
0x8a: {  	s1 =	srdreg.scid  }
0x8b: {  	s0 =	sand.u32 $0x1, s1  }
0x8c: {  	s16 =	sshll.u32 s0, $0xA;
	s2 =	sadd.s32 s3, s2  }
0x8d: {  	s2 =	sadd.s32 s2, s16  }
0x8e: {  	[smem:$0x3FC0] =	sst s2  }
0x8f: {  	_ = 	snop  }
0x90: {  	(tm) =	ssettm $0x1  }
0x91: {  	s17 =	sld [smem:$0x3FFB];
	_ =	sdelay $0x3  }
0x92: {  	_ =	strace s17  }
0x93: {  	s2 =	sld [smem:$0x3FFC];
	_ =	sdelay $0x3  }
0x94: {  	_ =	strace s2  }
0x95: {  	s2 =	sld [smem:$0x3FFD];
	_ =	sdelay $0x3  }
0x96: {  	_ =	strace s2  }
0x97: {  	_ =	strace $0x8FFFFFFF  }
0x98: {  	s18 =	sld [smem:$0x3FDB];
	_ =	sdelay $0x1  }
0x99: {  	s19 =	simm.s32 $_scs_section_size  }
0x9a: {  	s4 =	simm.s32 $_size__tile_overlayer_lowered;
	s5 =	simm.s32 $_tile_overlayer_lowered  }
0x9b: {  	s22 =	simm.s32 $0x1BFF;
	s21 =	sshll.u32 s5, $0x1;
	s2 =	sadd.s32 s19, s18  }
0x9c: {  	s6 =	simm.s32 $0x0;
	s20 =	sshll.u32 s4, $0x1;
	s4 =	sadd.s32 s21, s2  }
0x9d: {  	[timem:s6], [sflag:s22] =	dma.local [hbm:s4], s20  }
0x9e: {  	_ =	swait.ge [sflag:s22], s20  }
0x9f: {  	s3 =	ssub.s32 $0x0, s20;
	[sflag:s22] =	ssyncset.done $0x0  }
0xa0: {  	[sflag:s22] =	ssyncadd.s32 s3;
	_ =	sdelay $0x1  }
0xa1: {  	s23 =	simm.s32 $0x1B8B  }
0xa2: {  	_ =	swait.ge [sflag:s23], $0x1  }
0xa3: {  	[sflag:s23] =	ssyncset.done $0x0  }
0xa4: {  	s25 =	simm.s32 $0x1B8E;
	s24 =	sld [smem:$0x3FFE];
	[sflag:s23] =	ssyncadd.s32 $0xFFFFFFFF  }
0xa5: {  	s26 =	simm.s32 $execute0_lowered;
	[smem:$0x3FD2] =	sst s25  }
0xa6: {  	s4 =	sshll.u32 s26, $0x1;
	_ =	strace $0x80000046;
	[dreg:$0x1] =	wrdreg $0xFFFFFFFF  }
0xa7: {  	s28 =	simm.s32 $_size_execute0_lowered;
	s2 =	sadd.s32 s2, s4;
	[dreg:$0x0] =	wrdreg $0x0  }
0xa8: {  	s4 =	sshll.u32 s28, $0x1;
	[dreg:$0x2] =	wrdreg s2  }
0xa9: {  	[dreg:$0x3] =	wrdreg s4  }
0xaa: {  	[dreg:$0x4] =	wrdreg $0xC0  }
0xab: {  	_ =	task [dreg:s6], $0x5FFFF  }
0xac: {  	[dreg:$0x1] =	wrdreg $0xFFFFFFFF  }
0xad: {  	[dreg:$0x0] =	wrdreg $0x60  }
0xae: {  	[dreg:$0x2] =	wrdreg s24  }
0xaf: {  	[dreg:$0x3] =	wrdreg $0x0  }
0xb0: {  	[dreg:$0x4] =	wrdreg $0x9  }
0xb1: {  	_ =	task.clear_ibuf [dreg:s6], $0x5FFFF;
	_ =	strace $0x90000046  }
0xb2: {  	s29 =	simm.s32 $0x9;
	_ =	strace $0x80000048  }
0xb3: {  	_ =	swait.ge [sflag:s29], $0x1  }
0xb4: {  	[sflag:s29] =	ssyncadd.s32 $0xFFFFFFFF  }
0xb5: {  	_ =	strace $0x90000048  }
0xb6: {  	_ =	sfence  }
0xb7: {  	s30 =	sld [smem:$0x0];
	_ =	sdelay $0x2  }
0xb8: {  	s31 =	sshll.u32 s1, $0xD;
	s1 =	sshrl.u32 s1, $0x2  }
0xb9: {  	s3 =	sand.u32 $0x4000, s31;
	s1 =	sadd.s32 s1, s30  }
0xba: {  	s0 =	sor.u32 s3, s0;
	s1 =	sshll.u32 s1, $0x11  }
0xbb: {  	s0 =	sor.u32 s1, s0  }
0xbc: {  	s0 =	sadd.s32 $0x8F2B, s0  }
0xbd: {  	[sflag:s0] =	ssyncadd.remote.s32 $0x1  }
0xbe: {  	_ =	sfence.sel $0xFFFF  }
0xbf: {  	[dreg:$0x0] =	wrdreg $0xFFFFFFFF;
	(pc) =	sbr.abs _section_cstart, $3  }
0xc0: {  	[dreg:$0x1] =	wrdreg $0xFFFFFFFF  }
0xc1: {  	_ =	task.clear_ibuf [dreg:s6], $0x2FFFF;
	_ =	strace $0x9FFFFFFF  }
0xc2: {  	(tm) =	ssettm $0x7FFFFFFF  }
0xc3: {  	_ =	shalt  }
tec
execute0_lowered:
.L_overlay_start_1:
0x0: {  	(tag) =	ssettag $0x1  }
0x1: {  	s7 =	rddreg [dreg:$0x0]  }
0x2: {  	s2 =	rddreg [dreg:$0x1]  }
0x3: {  	s0 =	srdreg.scid;
	s1 =	rddreg [dreg:$0x2];
	s3 =	simm.s32 $0x0  }
0x4: {  	s10 =	simm.s32 $0x19200;
	s11 =	simm.s32 $0x500;
	s12 =	simm.s32 $0x80  }
0x5: {  	s13 =	simm.s32 $0x1900;
	s14 =	simm.s32 $0x580;
	s15 =	simm.s32 $0x1980  }
0x6: {  	s16 =	simm.s32 $0x1;
	s4 =	sand.u32 $0x1, s0;
	s0 =	stileid.u32  }
0x7: {  	s17 =	simm.s32 $0x2;
	[smem:$0x7FF] =	sst s3;
	s5 =	smul.u32 $0x500, s4  }
0x8: {  	s20 =	simm.s32 $0x0;
	s6 =	smul.u32 $0x50, s0;
	_ =	strace $0x80000047  }
0x9: {  	s30 =	ssub.s32 $0x2, s4;
	s9 =	smul.u32 $0x280, s0;
	p0 =	seq.s32 s4, $0x1  }
0xa: {  	s18 =	sshll.u32 s0, $0x6;
	s31 =	sshrl.u32 s30, $0x1;
	s10 =	simm.s32 @!p0 $0x18C00  }
0xb: {  	s18 =	sor.u32 $0x1C03, s18;
	s5 =	sadd.s32 s6, s5;
	s4 =	sadd.s32 s9, s2  }
0xc: {  	s9 =	sshrl.u32 s9, $0x3;
	s10 =	sadd.s32 s10, s7;
	s5 =	sshll.u32 s5, $0x4  }
0xd: {  	s19 =	sshrl.u32 s4, $0x3;
	s8 =	sadd.s32 s5, s7;
	s5 =	ssub.s32 s30, s31  }
0xe: {  	s5 =	smax.u32 s5, $0x1;
	s6 =	sadd.s32 $0x4C00, s8;
	s7 =	sadd.s32 $0x4E80, s8  }
0xf: {  	v0 =	vimm.f32 $0.0e+00;
	v1 =	vimm.f32 $1.000000000e+00;
	s8 =	sadd.s32 s10, s9;
	s9 =	simm.s32 $0x280;
	s10 =	simm.s32 $0x3  }
.LBB2_1:
0x10: {  	[tilespmem:$0x280] =	vst v0  }
0x11: {  	[tilespmem:$0x290] =	vst v0  }
0x12: {  	[tilespmem:$0x2A0] =	vst v0  }
0x13: {  	[tilespmem:$0x2B0] =	vst v0  }
0x14: {  	[tilespmem:$0x2C0] =	vst v0  }
0x15: {  	[tilespmem:$0x2D0] =	vst v0  }
0x16: {  	[tilespmem:$0x2E0] =	vst v0  }
0x17: {  	[tilespmem:$0x2F0] =	vst v0  }
0x18: {  	[tilespmem:$0x300] =	vst v0  }
0x19: {  	[tilespmem:$0x310] =	vst v0  }
0x1a: {  	[tilespmem:$0x320] =	vst v0  }
0x1b: {  	[tilespmem:$0x330] =	vst v0  }
0x1c: {  	[tilespmem:$0x340] =	vst v0  }
0x1d: {  	[tilespmem:$0x350] =	vst v0  }
0x1e: {  	[tilespmem:$0x360] =	vst v0  }
0x1f: {  	[tilespmem:$0x370] =	vst v0  }
0x20: {  	[tilespmem:$0x380] =	vst v0  }
0x21: {  	[tilespmem:$0x390] =	vst v0  }
0x22: {  	[tilespmem:$0x3A0] =	vst v0  }
0x23: {  	[tilespmem:$0x3B0] =	vst v0  }
0x24: {  	[tilespmem:$0x3C0] =	vst v0  }
0x25: {  	[tilespmem:$0x3D0] =	vst v0  }
0x26: {  	[tilespmem:$0x3E0] =	vst v0  }
0x27: {  	[tilespmem:$0x3F0] =	vst v0  }
0x28: {  	[tilespmem:$0x400] =	vst v0  }
0x29: {  	[tilespmem:$0x410] =	vst v0  }
0x2a: {  	[tilespmem:$0x420] =	vst v0  }
0x2b: {  	[tilespmem:$0x430] =	vst v0  }
0x2c: {  	[tilespmem:$0x440] =	vst v0  }
0x2d: {  	[tilespmem:$0x450] =	vst v0  }
0x2e: {  	[tilespmem:$0x460] =	vst v0  }
0x2f: {  	[tilespmem:$0x470] =	vst v0  }
0x30: {  	[tilespmem:$0x480] =	vst v0  }
0x31: {  	[tilespmem:$0x490] =	vst v0  }
0x32: {  	[tilespmem:$0x4A0] =	vst v0  }
0x33: {  	[tilespmem:$0x4B0] =	vst v0  }
0x34: {  	[tilespmem:$0x4C0] =	vst v0  }
0x35: {  	[tilespmem:$0x4D0] =	vst v0  }
0x36: {  	[tilespmem:$0x4E0] =	vst v0  }
0x37: {  	[tilespmem:$0x4F0] =	vst v0  }
0x38: {  	[spmem:s4] =	stream.linear.scatter [tilespmem:s9], [sflag:$0x3], $0x280, $0x38;
	[tilespmem:$0x1A00] =	vst v63  }
0x39: {  	_ =	swait.ge [sflag:s10], $0x280  }
0x3a: {  	[sflag:s10] =	ssyncset.done $0x0  }
0x3b: {  	[sflag:s10] =	ssyncadd.s32 $0xFFFFFD80  }
0x3c: {  	[bflag:$0x0] =	sbarrier.arrive $0xFFFF  }
0x3d: {  	[tilespmem:$0x1900] =	vst v1  }
0x3e: {  	[tilespmem:$0x1910] =	vst v1  }
0x3f: {  	[tilespmem:$0x1920] =	vst v1  }
0x40: {  	[tilespmem:$0x1930] =	vst v1  }
0x41: {  	[tilespmem:$0x1940] =	vst v1  }
0x42: {  	[tilespmem:$0x1950] =	vst v1  }
0x43: {  	[tilespmem:$0x1960] =	vst v1  }
0x44: {  	[tilespmem:$0x1970] =	vst v1  }
0x45: {  	[tilespmem:$0x1980] =	vst v1  }
0x46: {  	[tilespmem:$0x1990] =	vst v1  }
0x47: {  	[tilespmem:$0x19A0] =	vst v1  }
0x48: {  	[tilespmem:$0x19B0] =	vst v1  }
0x49: {  	[tilespmem:$0x19C0] =	vst v1  }
0x4a: {  	[tilespmem:$0x19D0] =	vst v1  }
0x4b: {  	[tilespmem:$0x19E0] =	vst v1  }
0x4c: {  	[tilespmem:$0x19F0] =	vst v1  }
0x4d: {  	[tilespmem:s11], [sflag:$0x3] =	stream.linear.gather [hbm4b:s6+s3], $0x1400, $0x38;
	[tilespmem:$0x1A00] =	vst v63  }
0x4e: {  	_ =	swait.ge [sflag:s10], $0x1400  }
0x4f: {  	[sflag:s10] =	ssyncset.done $0x0  }
0x50: {  	[sflag:s10] =	ssyncadd.s32 $0xFFFFEC00  }
0x51: {  	[spmem:s2] =	stream.indirect.scatter.add.f32 [tilespmem:s13], [sflag:$0x1], $0x1, s11, s12, $0xb8;
	[tilespmem:$0x1A00] =	vst v63  }
0x52: {  	_ = 	snop  }
0x53: {  	[spmem:s2] =	stream.indirect.scatter.add.f32 [tilespmem:s15], [sflag:$0x2], $0x1, s14, s12, $0xb8;
	[tilespmem:$0x1A00] =	vst v63  }
0x54: {  	_ =	swait.ge [sflag:s16], $0x80  }
0x55: {  	[sflag:s16] =	ssyncset.done $0x0  }
0x56: {  	s21 =	simm.s32 $0x600;
	[sflag:s16] =	ssyncadd.s32 $0xFFFFFF80  }
0x57: {  	[spmem:s2] =	stream.indirect.scatter.add.f32 [tilespmem:s13], [sflag:$0x1], $0x1, s21, s12, $0xb8;
	[tilespmem:$0x1A00] =	vst v63  }
0x58: {  	_ =	swait.ge [sflag:s17], $0x80  }
0x59: {  	[sflag:s17] =	ssyncset.done $0x0  }
0x5a: {  	s22 =	simm.s32 $0x680;
	s21 =	simm.s32 $0xFFFFB800;
	[sflag:s17] =	ssyncadd.s32 $0xFFFFFF80  }
.LBB2_2:
0x5b: {  	[spmem:s2] =	stream.indirect.scatter.add.f32 [tilespmem:s15], [sflag:$0x2], $0x1, s22, s12, $0xb8;
	[tilespmem:$0x1A00] =	vst v63  }
0x5c: {  	s22 =	smov.u32 s21  }
0x5d: {  	p0 =	sne.s32 s21, $0xFFFFFC00;
	s21 =	sadd.s32 $0x400, s21;
	_ =	swait.ge [sflag:s16], $0x80  }
0x5e: {  	s22 =	sshra.s32 s22, $0x2;
	[sflag:s16] =	ssyncset.done $0x0  }
.Ltmp0:
0x5f: {  	s23 =	sadd.s32 $0x1900, s22;
	[sflag:s16] =	ssyncadd.s32 $0xFFFFFF80;
	(pc) =	sbr.rel @p0 .LBB2_2-.Ltmp0, $4  }
0x60: {  	[spmem:s2] =	stream.indirect.scatter.add.f32 [tilespmem:s13], [sflag:$0x1], $0x1, s23, s12, $0xb8;
	[tilespmem:$0x1A00] =	vst v63  }
0x61: {  	_ =	swait.ge [sflag:s17], $0x80  }
0x62: {  	[sflag:s17] =	ssyncset.done $0x0  }
0x63: {  	s22 =	sadd.s32 $0x1980, s22;
	[sflag:s17] =	ssyncadd.s32 $0xFFFFFF80  }
0x64: {  	[spmem:s2] =	stream.indirect.scatter.add.f32 [tilespmem:s15], [sflag:$0x2], $0x1, s22, s12, $0xb8;
	[tilespmem:$0x1A00] =	vst v63  }
0x65: {  	_ =	swait.ge [sflag:s16], $0x80  }
0x66: {  	[sflag:s16] =	ssyncset.done $0x0  }
0x67: {  	[sflag:s16] =	ssyncadd.s32 $0xFFFFFF80  }
0x68: {  	_ =	swait.ge [sflag:s17], $0x80  }
0x69: {  	[sflag:s17] =	ssyncset.done $0x0  }
0x6a: {  	[sflag:s17] =	ssyncadd.s32 $0xFFFFFF80  }
0x6b: {  	[tilespmem:s11], [sflag:$0x3] =	stream.linear.gather [hbm4b:s7+s3], $0x1400, $0x38;
	[tilespmem:$0x1A00] =	vst v63  }
0x6c: {  	_ =	swait.ge [sflag:s10], $0x1400  }
0x6d: {  	[sflag:s10] =	ssyncset.done $0x0  }
0x6e: {  	[sflag:s10] =	ssyncadd.s32 $0xFFFFEC00  }
0x6f: {  	[spmem:s2] =	stream.indirect.scatter.add.f32 [tilespmem:s13], [sflag:$0x1], $0x1, s11, s12, $0xb8;
	[tilespmem:$0x1A00] =	vst v63  }
0x70: {  	_ = 	snop  }
0x71: {  	[spmem:s2] =	stream.indirect.scatter.add.f32 [tilespmem:s15], [sflag:$0x2], $0x1, s14, s12, $0xb8;
	[tilespmem:$0x1A00] =	vst v63  }
0x72: {  	_ =	swait.ge [sflag:s16], $0x80  }
0x73: {  	[sflag:s16] =	ssyncset.done $0x0  }
0x74: {  	s21 =	simm.s32 $0x600;
	[sflag:s16] =	ssyncadd.s32 $0xFFFFFF80  }
0x75: {  	[spmem:s2] =	stream.indirect.scatter.add.f32 [tilespmem:s13], [sflag:$0x1], $0x1, s21, s12, $0xb8;
	[tilespmem:$0x1A00] =	vst v63  }
0x76: {  	_ =	swait.ge [sflag:s17], $0x80  }
0x77: {  	[sflag:s17] =	ssyncset.done $0x0  }
0x78: {  	s22 =	simm.s32 $0x680;
	s21 =	simm.s32 $0xFFFFB800;
	[sflag:s17] =	ssyncadd.s32 $0xFFFFFF80  }
.LBB2_4:
0x79: {  	[spmem:s2] =	stream.indirect.scatter.add.f32 [tilespmem:s15], [sflag:$0x2], $0x1, s22, s12, $0xb8;
	[tilespmem:$0x1A00] =	vst v63  }
0x7a: {  	s22 =	smov.u32 s21  }
0x7b: {  	p0 =	sne.s32 s21, $0xFFFFFC00;
	s21 =	sadd.s32 $0x400, s21;
	_ =	swait.ge [sflag:s16], $0x80  }
0x7c: {  	s22 =	sshra.s32 s22, $0x2;
	[sflag:s16] =	ssyncset.done $0x0  }
.Ltmp1:
0x7d: {  	s23 =	sadd.s32 $0x1900, s22;
	[sflag:s16] =	ssyncadd.s32 $0xFFFFFF80;
	(pc) =	sbr.rel @p0 .LBB2_4-.Ltmp1, $4  }
0x7e: {  	[spmem:s2] =	stream.indirect.scatter.add.f32 [tilespmem:s13], [sflag:$0x1], $0x1, s23, s12, $0xb8;
	[tilespmem:$0x1A00] =	vst v63  }
0x7f: {  	_ =	swait.ge [sflag:s17], $0x80  }
0x80: {  	[sflag:s17] =	ssyncset.done $0x0  }
0x81: {  	s22 =	sadd.s32 $0x1980, s22;
	[sflag:s17] =	ssyncadd.s32 $0xFFFFFF80  }
0x82: {  	[spmem:s2] =	stream.indirect.scatter.add.f32 [tilespmem:s15], [sflag:$0x2], $0x1, s22, s12, $0xb8;
	[tilespmem:$0x1A00] =	vst v63  }
0x83: {  	_ =	swait.ge [sflag:s16], $0x80  }
0x84: {  	[sflag:s16] =	ssyncset.done $0x0  }
0x85: {  	[sflag:s16] =	ssyncadd.s32 $0xFFFFFF80  }
0x86: {  	_ =	swait.ge [sflag:s17], $0x80  }
0x87: {  	s20 =	sadd.s32 $0x1, s20;
	[sflag:s17] =	ssyncset.done $0x0  }
0x88: {  	p0 =	sne.s32 s20, s5;
	[sflag:s17] =	ssyncadd.s32 $0xFFFFFF80  }
.Ltmp2:
0x89: {  	[bflag:$0x0] =	sbarrier.arrive $0xFFFF;
	(pc) =	sbr.rel @p0 .LBB2_1-.Ltmp2, $4  }
0x8a: {  	[hbm:s8], [sflag:s18] =	dma.local [spmem:s19], $0x50  }
0x8b: {  	_ =	swait.ge [sflag:s10], $0x50  }
0x8c: {  	[sflag:s10] =	ssyncset.done $0x0  }
0x8d: {  	[sflag:s10] =	ssyncadd.s32 $0xFFFFFFB0  }
0x8e: {  	_ =	sfence.sel $0x180000  }
0x8f: {  	[bflag:$0x0] =	sbarrier.arrive $0xFFFF  }
0x90: {  	p0 =	sne.s32 s0, $0x0;
	_ =	strace $0x90000047  }
0x91: {  	s0 =	sadd.s32 @!p0 $0x100000, s1;
	[bflag:$0x2] =	sbarrier.arrive $0xFFFF  }
0x92: {  	[sflag:s0] =	ssyncadd.tile.s32 @!p0 $0x1;
	_ =	shalt  }
.Lfunc_end2:
_tile_overlayer_lowered:
.L_overlay_start_2:
0x93: {  	(tag) =	ssettag $0x2  }
0x94: {  	s0 =	rddreg [dreg:$0x0];
	s2 =	stileid.u32  }
0x95: {  	s1 =	rddreg [dreg:$0x1];
	p0 =	sne.s32 s2, $0x0  }
0x96: {  	s3 =	rddreg [dreg:$0x2];
	[bflag:$0x3] =	sbarrier.arrive $0xFFFF;
	s2 =	simm.s32 @!p0 $0x1C03  }
0x97: {  	[timem:s3], [sflag:s2] =	dma.local @!p0 [hbm:s0], s1  }
0x98: {  	s0 =	simm.s32 @!p0 $0x3  }
0x99: {  	_ =	swait.ge @!p0 [sflag:s0], s1  }
0x9a: {  	s1 =	ssub.s32 @!p0 $0x0, s1;
	[sflag:s0] =	ssyncset.done @!p0 $0x0  }
0x9b: {  	[sflag:s0] =	ssyncadd.s32 @!p0 s1  }
0x9c: {  	[bflag:$0x3] =	sbarrier.arrive $0xFFFF  }
0x9d: {  	_ =	shalt  }

// kernel: kernel.13.cloned.1.call-start
scs
__scs_entry_jumppad:
0x0: {  	(pc) =	sbr.rel $0x88, $3  }
0x1: {  	(tag) =	ssettag $0x0;
	lr =	simm.s32 $0x1  }
0x2: {  	[smem:$0x3F99] =	sst lr;
	_ =	strace $0xD0000000  }
0x3: {  	_ = 	snop  }
0x4: {  	_ = 	snop  }
0x5: {  	_ = 	snop  }
0x6: {  	_ = 	snop  }
0x7: {  	_ = 	snop  }
__scs_overlays_trampoline_lowered:
0x8: {  	[smem:$0x3FA8] =	sst s0  }
0x9: {  	[smem:$0x3FA9] =	sst s1  }
0xa: {  	[smem:$0x3FAA] =	sst s2  }
0xb: {  	[smem:$0x3FAB] =	sst s3  }
0xc: {  	[smem:$0x3FAC] =	sst s4  }
0xd: {  	[smem:$0x3FAD] =	sst s5  }
0xe: {  	[smem:$0x3FAE] =	sst s6  }
0xf: {  	[smem:$0x3FAF] =	sst s7  }
0x10: {  	[smem:$0x3FB0] =	sst s8  }
0x11: {  	[smem:$0x3FB1] =	sst s9;
	s0 =	simm.s32 @!p0 $0x0  }
0x12: {  	s1 =	sld [smem:$0x3F97];
	s0 =	simm.s32 @p0 $0x1  }
0x13: {  	[smem:$0x3FB2] =	sst s0;
	s0 =	simm.s32 @!p1 $0x0  }
0x14: {  	s2 =	sld [smem:$0x3F96];
	s0 =	simm.s32 @p1 $0x1  }
0x15: {  	[smem:$0x3FB3] =	sst s0;
	s0 =	simm.s32 @!p2 $0x0  }
0x16: {  	s3 =	sld [smem:$0x3FDB];
	s0 =	simm.s32 @p2 $0x1  }
0x17: {  	s4 =	simm.s32 $0x1BF5;
	[smem:$0x3FB5] =	sst s0  }
0x18: {  	s0 =	sld [smem:$0x3F98];
	_ =	swait.ge [sflag:s4], $0x0  }
0x19: {  	s7 =	sld [smem:$0x3F99]  }
0x1a: {  	s8 =	sadd.s32 $0xFFFFE003, lr  }
0x1b: {  	s9 =	sadd.s32 $0xFFFFFEF7, lr;
	s5 =	simm.s32 $0xFFFFFFFF;
	p2 =	slt.u32 s8, $0xFFFFF086  }
0x1c: {  	p1 =	slt.u32 s9, $0xF7A;
	s5 =	simm.s32 @!p2 $0x0  }
0x1d: {  	s5 =	simm.s32 @p1 $0x1;
	p0 =	seq.s32 s7, s2  }
0x1e: {  	s7 =	smul.u32 @!p0 $0xF7A, s2;
	p2 =	seq.s32 @!p0 s5, $0x0  }
0x1f: {  	s9 =	smul.u32 $0xF7A, s1;
	s8 =	simm.s32 @!p0 $0x1BF5;
	p2 =	por !p2, p0  }
0x20: {  	[sflag:s8] =	ssyncset.s32 @!p0 $0xFFFFF086;
	s6 =	sadd.s32 @!p0 s3, s7;
	s7 =	simm.s32 @!p0 $0x108  }
0x21: {  	s3 =	sadd.s32 s3, s9;
	s6 =	sadd.s32 @!p0 $0x88, s6;
	s7 =	simm.s32 @p2 $0x1082  }
0x22: {  	[simem:s7], [sflag:s8] =	dma.local @!p0 [hbm:s6], $0xF7A  }
0x23: {  	s9 =	sor.u32 $0xD0000000, s2;
	s6 =	simm.s32 $0x108;
	_ =	swait.ge @!p0 [sflag:s8], $0x0  }
0x24: {  	s3 =	sadd.s32 $0x88, s3;
	s6 =	simm.s32 @!p1 $0x1082;
	[sflag:s4] =	ssyncset.s32 $0xFFFFF086  }
0x25: {  	[simem:s6], [sflag:s4] =	dma.local [hbm:s3], $0xF7A  }
0x26: {  	[smem:$0x3F99] =	sst s1;
	(tag) =	ssettag s2;
	_ =	strace s9  }
0x27: {  	s1 =	sld [smem:$0x3FA9]  }
0x28: {  	s2 =	sld [smem:$0x3FAA]  }
0x29: {  	s4 =	sld [smem:$0x3FAC]  }
0x2a: {  	p0 =	seq.s32 s5, $0x0;
	s5 =	sld [smem:$0x3FAD]  }
0x2b: {  	s6 =	sld [smem:$0x3FAE]  }
0x2c: {  	s7 =	sld [smem:$0x3FAF]  }
0x2d: {  	s3 =	simm.s32 $0x108;
	s8 =	sld [smem:$0x3FB0]  }
0x2e: {  	s3 =	simm.s32 @!p0 $0x1082;
	s9 =	sld [smem:$0x3FB1]  }
0x2f: {  	lr =	sadd.s32 s0, s3;
	s0 =	sld [smem:$0x3FA8]  }
0x30: {  	s3 =	sld [smem:$0x3FAB]  }
0x31: {  	[smem:$0x3FB4] =	sst s10  }
0x32: {  	s10 =	sld [smem:$0x3FB2];
	_ =	sdelay $0x3  }
0x33: {  	p0 =	seq.s32 s10, $0x1;
	s10 =	sld [smem:$0x3FB4];
	_ =	sdelay $0x3  }
0x34: {  	[smem:$0x3FB4] =	sst s10  }
0x35: {  	s10 =	sld [smem:$0x3FB3];
	_ =	sdelay $0x3  }
0x36: {  	p1 =	seq.s32 s10, $0x1;
	s10 =	sld [smem:$0x3FB4];
	_ =	sdelay $0x3  }
0x37: {  	[smem:$0x3FB4] =	sst s10  }
0x38: {  	s10 =	sld [smem:$0x3FB5]  }
0x39: {  	_ = 	snop;
	(pc) =	sbr.ind lr, $3  }
0x3a: {  	_ = 	snop  }
0x3b: {  	_ = 	snop  }
0x3c: {  	p2 =	seq.s32 s10, $0x1;
	s10 =	sld [smem:$0x3FB4]  }
0x3d: {  	_ =	shalt  }
0x3e: {  	_ =	shalt  }
0x3f: {  	_ =	shalt  }
0x40: {  	_ =	shalt  }
0x41: {  	_ =	shalt  }
0x42: {  	_ =	shalt  }
0x43: {  	_ =	shalt  }
0x44: {  	_ =	shalt  }
0x45: {  	_ =	shalt  }
0x46: {  	_ =	shalt  }
0x47: {  	_ =	shalt  }
0x48: {  	_ =	shalt  }
0x49: {  	_ =	shalt  }
0x4a: {  	_ =	shalt  }
0x4b: {  	_ =	shalt  }
0x4c: {  	_ =	shalt  }
0x4d: {  	_ =	shalt  }
0x4e: {  	_ =	shalt  }
0x4f: {  	_ =	shalt  }
0x50: {  	_ =	shalt  }
0x51: {  	_ =	shalt  }
0x52: {  	_ =	shalt  }
0x53: {  	_ =	shalt  }
0x54: {  	_ =	shalt  }
0x55: {  	_ =	shalt  }
0x56: {  	_ =	shalt  }
0x57: {  	_ =	shalt  }
0x58: {  	_ =	shalt  }
0x59: {  	_ =	shalt  }
0x5a: {  	_ =	shalt  }
0x5b: {  	_ =	shalt  }
0x5c: {  	_ =	shalt  }
0x5d: {  	_ =	shalt  }
0x5e: {  	_ =	shalt  }
0x5f: {  	_ =	shalt  }
0x60: {  	_ =	shalt  }
0x61: {  	_ =	shalt  }
0x62: {  	_ =	shalt  }
0x63: {  	_ =	shalt  }
0x64: {  	_ =	shalt  }
0x65: {  	_ =	shalt  }
0x66: {  	_ =	shalt  }
0x67: {  	_ =	shalt  }
0x68: {  	_ =	shalt  }
0x69: {  	_ =	shalt  }
0x6a: {  	_ =	shalt  }
0x6b: {  	_ =	shalt  }
0x6c: {  	_ =	shalt  }
0x6d: {  	_ =	shalt  }
0x6e: {  	_ =	shalt  }
0x6f: {  	_ =	shalt  }
0x70: {  	_ =	shalt  }
0x71: {  	_ =	shalt  }
0x72: {  	_ =	shalt  }
0x73: {  	_ =	shalt  }
0x74: {  	_ =	shalt  }
0x75: {  	_ =	shalt  }
0x76: {  	_ =	shalt  }
0x77: {  	_ =	shalt  }
0x78: {  	_ =	shalt  }
0x79: {  	_ =	shalt  }
0x7a: {  	_ =	shalt  }
0x7b: {  	_ =	shalt  }
0x7c: {  	_ =	shalt  }
0x7d: {  	_ =	shalt  }
0x7e: {  	_ =	shalt  }
0x7f: {  	_ =	shalt  }
0x80: {  	_ =	shalt  }
0x81: {  	_ =	shalt  }
0x82: {  	_ =	shalt  }
0x83: {  	_ =	shalt  }
0x84: {  	_ =	shalt  }
0x85: {  	_ =	shalt  }
0x86: {  	_ =	shalt  }
0x87: {  	_ =	shalt  }
.Lfunc_end0:
.L_simem_size_0:
called_computation.1_lowered:
.L_overlay_start_0:
0x88: {  	s2 =	sld [smem:$0x3FD9]  }
0x89: {  	s3 =	sld [smem:$0x3FFE];
	_ =	sdelay $0x1  }
0x8a: {  	s1 =	srdreg.scid  }
0x8b: {  	s0 =	sand.u32 $0x1, s1  }
0x8c: {  	s16 =	sshll.u32 s0, $0xA;
	s2 =	sadd.s32 s3, s2  }
0x8d: {  	s2 =	sadd.s32 s2, s16  }
0x8e: {  	[smem:$0x3FC0] =	sst s2  }
0x8f: {  	_ = 	snop  }
0x90: {  	(tm) =	ssettm $0x1  }
0x91: {  	s17 =	sld [smem:$0x3FFB];
	_ =	sdelay $0x3  }
0x92: {  	_ =	strace s17  }
0x93: {  	s2 =	sld [smem:$0x3FFC];
	_ =	sdelay $0x3  }
0x94: {  	_ =	strace s2  }
0x95: {  	s2 =	sld [smem:$0x3FFD];
	_ =	sdelay $0x3  }
0x96: {  	_ =	strace s2  }
0x97: {  	_ =	strace $0x8FFFFFFF  }
0x98: {  	s18 =	sld [smem:$0x3FDB];
	_ =	sdelay $0x1  }
0x99: {  	s19 =	simm.s32 $_scs_section_size  }
0x9a: {  	s4 =	simm.s32 $_size__tile_overlayer_lowered;
	s5 =	simm.s32 $_tile_overlayer_lowered  }
0x9b: {  	s22 =	simm.s32 $0x1BFF;
	s21 =	sshll.u32 s5, $0x1;
	s2 =	sadd.s32 s19, s18  }
0x9c: {  	s6 =	simm.s32 $0x0;
	s20 =	sshll.u32 s4, $0x1;
	s4 =	sadd.s32 s21, s2  }
0x9d: {  	[timem:s6], [sflag:s22] =	dma.local [hbm:s4], s20  }
0x9e: {  	_ =	swait.ge [sflag:s22], s20  }
0x9f: {  	s3 =	ssub.s32 $0x0, s20;
	[sflag:s22] =	ssyncset.done $0x0  }
0xa0: {  	[sflag:s22] =	ssyncadd.s32 s3;
	_ =	sdelay $0x1  }
0xa1: {  	s23 =	simm.s32 $0x1B8B  }
0xa2: {  	_ =	swait.ge [sflag:s23], $0x1  }
0xa3: {  	[sflag:s23] =	ssyncset.done $0x0  }
0xa4: {  	s25 =	simm.s32 $0x1B8E;
	s24 =	sld [smem:$0x3FFE];
	[sflag:s23] =	ssyncadd.s32 $0xFFFFFFFF  }
0xa5: {  	s26 =	simm.s32 $execute0_lowered;
	[smem:$0x3FD2] =	sst s25  }
0xa6: {  	s4 =	sshll.u32 s26, $0x1;
	_ =	strace $0x80000049;
	[dreg:$0x1] =	wrdreg $0xFFFFFFFF  }
0xa7: {  	s28 =	simm.s32 $_size_execute0_lowered;
	s2 =	sadd.s32 s2, s4;
	[dreg:$0x0] =	wrdreg $0x0  }
0xa8: {  	s4 =	sshll.u32 s28, $0x1;
	[dreg:$0x2] =	wrdreg s2  }
0xa9: {  	[dreg:$0x3] =	wrdreg s4  }
0xaa: {  	[dreg:$0x4] =	wrdreg $0xC0  }
0xab: {  	_ =	task [dreg:s6], $0x5FFFF  }
0xac: {  	[dreg:$0x1] =	wrdreg $0xFFFFFFFF  }
0xad: {  	[dreg:$0x0] =	wrdreg $0x60  }
0xae: {  	[dreg:$0x2] =	wrdreg s24  }
0xaf: {  	[dreg:$0x3] =	wrdreg $0x0  }
0xb0: {  	[dreg:$0x4] =	wrdreg $0x9  }
0xb1: {  	_ =	task.clear_ibuf [dreg:s6], $0x5FFFF;
	_ =	strace $0x90000049  }
0xb2: {  	s29 =	simm.s32 $0x9;
	_ =	strace $0x8000004B  }
0xb3: {  	_ =	swait.ge [sflag:s29], $0x1  }
0xb4: {  	[sflag:s29] =	ssyncadd.s32 $0xFFFFFFFF  }
0xb5: {  	_ =	strace $0x9000004B  }
0xb6: {  	_ =	sfence  }
0xb7: {  	s30 =	sld [smem:$0x0];
	_ =	sdelay $0x2  }
0xb8: {  	s31 =	sshll.u32 s1, $0xD;
	s1 =	sshrl.u32 s1, $0x2  }
0xb9: {  	s3 =	sand.u32 $0x4000, s31;
	s1 =	sadd.s32 s1, s30  }
0xba: {  	s0 =	sor.u32 s3, s0;
	s1 =	sshll.u32 s1, $0x11  }
0xbb: {  	s0 =	sor.u32 s1, s0  }
0xbc: {  	s0 =	sadd.s32 $0x8F2B, s0  }
0xbd: {  	[sflag:s0] =	ssyncadd.remote.s32 $0x1  }
0xbe: {  	_ =	sfence.sel $0xFFFF  }
0xbf: {  	[dreg:$0x0] =	wrdreg $0xFFFFFFFF;
	(pc) =	sbr.abs _section_cstart, $3  }
0xc0: {  	[dreg:$0x1] =	wrdreg $0xFFFFFFFF  }
0xc1: {  	_ =	task.clear_ibuf [dreg:s6], $0x2FFFF;
	_ =	strace $0x9FFFFFFF  }
0xc2: {  	(tm) =	ssettm $0x7FFFFFFF  }
0xc3: {  	_ =	shalt  }
tec
execute0_lowered:
.L_overlay_start_1:
0x0: {  	(tag) =	ssettag $0x1  }
0x1: {  	s0 =	rddreg [dreg:$0x0]  }
0x2: {  	s2 =	rddreg [dreg:$0x1];
	s3 =	simm.s32 $0x0;
	s1 =	srdreg.scid  }
0x3: {  	s11 =	stileid.u32;
	[smem:$0x7FF] =	sst s3;
	s1 =	sand.u32 $0x1, s1  }
0x4: {  	s26 =	smul.u32 $0x50000, s11;
	s4 =	sadd.s32 $0x18C00, s0;
	s7 =	sadd.s32 $0xEC00, s0  }
0x5: {  	s8 =	smul.u32 $0x50, s11;
	s9 =	sadd.s32 $0x4C00, s0;
	s5 =	ssub.s32 $0x2, s1  }
0x6: {  	s12 =	smul.u32 $0x2800, s11;
	s11 =	simm.s32 $0x1;
	s10 =	sshrl.u32 s5, $0x1  }
0x7: {  	_ =	strace $0x8000004A;
	s3 =	sshrl.u32 s26, $0x2;
	s10 =	ssub.s32 s5, s10  }
0x8: {  	s6 =	smul.u32 $0x500, s1;
	s5 =	sadd.s32 s3, s2;
	s13 =	smax.u32 s10, $0x1  }
0x9: {  	p0 =	seq.s32 s1, $0x1;
	s14 =	sadd.s32 $0x1000, s5;
	[dreg:$0x3] =	wrdreg s13  }
0xa: {  	s1 =	simm.s32 $0x3;
	s15 =	sadd.s32 $0x2000, s5;
	[dreg:$0x4] =	wrdreg s14  }
0xb: {  	s8 =	sadd.s32 s8, s6;
	s16 =	sadd.s32 $0x3000, s5;
	[dreg:$0x5] =	wrdreg s15  }
0xc: {  	s6 =	simm.s32 $0x16400;
	s17 =	sadd.s32 $0x4000, s5;
	[dreg:$0x6] =	wrdreg s16  }
0xd: {  	s18 =	sadd.s32 $0x5000, s5;
	s19 =	sadd.s32 $0x6000, s5;
	[dreg:$0x7] =	wrdreg s17  }
0xe: {  	s20 =	sadd.s32 $0x7000, s5;
	s21 =	sadd.s32 $0x8000, s5;
	[dreg:$0x8] =	wrdreg s18  }
0xf: {  	s22 =	sadd.s32 $0x9000, s5;
	s23 =	sadd.s32 $0xA000, s5;
	[dreg:$0x9] =	wrdreg s19  }
0x10: {  	s24 =	sadd.s32 $0xB000, s5;
	s3 =	sshll.u32 s8, $0x4;
	[dreg:$0xa] =	wrdreg s20  }
0x11: {  	s8 =	simm.s32 $0x67E00;
	s28 =	sadd.s32 $0x10000, s5;
	[dreg:$0xb] =	wrdreg s21  }
0x12: {  	s29 =	sadd.s32 $0x11000, s5;
	s30 =	sadd.s32 $0x12000, s5;
	[dreg:$0xc] =	wrdreg s22  }
0x13: {  	s31 =	sadd.s32 $0x13000, s5;
	s10 =	simm.s32 $0x1B800;
	[dreg:$0xd] =	wrdreg s23  }
0x14: {  	[dreg:$0xe] =	wrdreg s24;
	s25 =	sadd.s32 s7, s3;
	s26 =	sadd.s32 $0x280, s3  }
0x15: {  	s3 =	sadd.s32 s9, s3;
	s8 =	simm.s32 @!p0 $0x3FE00;
	s22 =	sadd.s32 $0xC000, s5  }
0x16: {  	s23 =	sadd.s32 $0xD000, s5;
	s13 =	simm.s32 $0x17700;
	[dreg:$0xf] =	wrdreg s25  }
0x17: {  	s14 =	simm.s32 $0x17780;
	s15 =	simm.s32 $0x0;
	[dreg:$0x10] =	wrdreg s3  }
0x18: {  	s20 =	sadd.s32 s7, s26;
	s21 =	sadd.s32 s9, s26;
	s0 =	sadd.s32 s8, s0  }
0x19: {  	s25 =	sadd.s32 $0xE000, s5;
	s26 =	sadd.s32 $0xF000, s5;
	s3 =	simm.s32 $0x15000  }
0x1a: {  	s7 =	simm.s32 $0x80;
	s8 =	simm.s32 $0x17800;
	s9 =	simm.s32 $0x15080  }
0x1b: {  	v0 =	vimm.f32 $0.0e+00;
	s24 =	sadd.s32 s0, s12;
	s0 =	simm.s32 $0x14000;
	s12 =	simm.s32 $0x2  }
.LBB2_1:
0x1c: {  	s17 =	simm.s32 $0x0  }
0x1d: {  	s16 =	sand.u32 $0x3E00, s17  }
0x1e: {  	s17 =	sand.u32 $0x70, s17;
	s18 =	sshrl.u32 s16, $0x2  }
0x1f: {  	s16 =	simm.s32 $0x40;
	s18 =	sor.u32 s17, s18;
	s17 =	simm.s32 $0x0  }
.LBB2_2:
0x20: {  	p0 =	sne.s32 s16, $0x3FC0  }
0x21: {  	[tilespmem:s18+$0x14000] =	vst v0;
	s17 =	sadd.s32 $0x10, s17;
	s18 =	smov.u32 s16;
	s16 =	sadd.s32 $0x40, s16  }
.Ltmp0:
0x22: {  	(pc) =	sbr.rel @p0 .LBB2_2-.Ltmp0, $4  }
0x23: {  	_ = 	snop  }
0x24: {  	s18 =	sand.u32 $0x3E00, s18  }
0x25: {  	s19 =	sand.u32 $0x70, s17;
	s18 =	sshrl.u32 s18, $0x2  }
0x26: {  	s18 =	sor.u32 s19, s18  }
0x27: {  	[tilespmem:s18+$0x14000] =	vst v0  }
0x28: {  	[spmem:s5] =	stream.linear.scatter [tilespmem:s0], [sflag:$0x3], $0x1000, $0x38;
	[tilespmem:$0x1F800] =	vst v63  }
0x29: {  	_ =	swait.ge [sflag:s1], $0x1000  }
0x2a: {  	[sflag:s1] =	ssyncset.done $0x0  }
0x2b: {  	s16 =	rddreg [dreg:$0x4];
	[sflag:s1] =	ssyncadd.s32 $0xFFFFF000  }
0x2c: {  	[spmem:s16] =	stream.linear.scatter [tilespmem:s0], [sflag:$0x3], $0x1000, $0x38;
	[tilespmem:$0x1F800] =	vst v63  }
0x2d: {  	_ =	swait.ge [sflag:s1], $0x1000  }
0x2e: {  	[sflag:s1] =	ssyncset.done $0x0  }
0x2f: {  	s17 =	rddreg [dreg:$0x5];
	[sflag:s1] =	ssyncadd.s32 $0xFFFFF000  }
0x30: {  	[spmem:s17] =	stream.linear.scatter [tilespmem:s0], [sflag:$0x3], $0x1000, $0x38;
	[tilespmem:$0x1F800] =	vst v63  }
0x31: {  	_ =	swait.ge [sflag:s1], $0x1000  }
0x32: {  	[sflag:s1] =	ssyncset.done $0x0  }
0x33: {  	s18 =	rddreg [dreg:$0x6];
	[sflag:s1] =	ssyncadd.s32 $0xFFFFF000  }
0x34: {  	[spmem:s18] =	stream.linear.scatter [tilespmem:s0], [sflag:$0x3], $0x1000, $0x38;
	[tilespmem:$0x1F800] =	vst v63  }
0x35: {  	_ =	swait.ge [sflag:s1], $0x1000  }
0x36: {  	[sflag:s1] =	ssyncset.done $0x0  }
0x37: {  	s19 =	rddreg [dreg:$0x7];
	[sflag:s1] =	ssyncadd.s32 $0xFFFFF000  }
0x38: {  	[spmem:s19] =	stream.linear.scatter [tilespmem:s0], [sflag:$0x3], $0x1000, $0x38;
	[tilespmem:$0x1F800] =	vst v63  }
0x39: {  	_ =	swait.ge [sflag:s1], $0x1000  }
0x3a: {  	[sflag:s1] =	ssyncset.done $0x0  }
0x3b: {  	s17 =	rddreg [dreg:$0x8];
	[sflag:s1] =	ssyncadd.s32 $0xFFFFF000  }
0x3c: {  	[spmem:s17] =	stream.linear.scatter [tilespmem:s0], [sflag:$0x3], $0x1000, $0x38;
	[tilespmem:$0x1F800] =	vst v63  }
0x3d: {  	_ =	swait.ge [sflag:s1], $0x1000  }
0x3e: {  	[sflag:s1] =	ssyncset.done $0x0  }
0x3f: {  	s18 =	rddreg [dreg:$0x9];
	[sflag:s1] =	ssyncadd.s32 $0xFFFFF000  }
0x40: {  	[spmem:s18] =	stream.linear.scatter [tilespmem:s0], [sflag:$0x3], $0x1000, $0x38;
	[tilespmem:$0x1F800] =	vst v63  }
0x41: {  	_ =	swait.ge [sflag:s1], $0x1000  }
0x42: {  	[sflag:s1] =	ssyncset.done $0x0  }
0x43: {  	s19 =	rddreg [dreg:$0xa];
	[sflag:s1] =	ssyncadd.s32 $0xFFFFF000  }
0x44: {  	[spmem:s19] =	stream.linear.scatter [tilespmem:s0], [sflag:$0x3], $0x1000, $0x38;
	[tilespmem:$0x1F800] =	vst v63  }
0x45: {  	_ =	swait.ge [sflag:s1], $0x1000  }
0x46: {  	[sflag:s1] =	ssyncset.done $0x0  }
0x47: {  	s17 =	rddreg [dreg:$0xb];
	[sflag:s1] =	ssyncadd.s32 $0xFFFFF000  }
0x48: {  	[spmem:s17] =	stream.linear.scatter [tilespmem:s0], [sflag:$0x3], $0x1000, $0x38;
	[tilespmem:$0x1F800] =	vst v63  }
0x49: {  	_ =	swait.ge [sflag:s1], $0x1000  }
0x4a: {  	[sflag:s1] =	ssyncset.done $0x0  }
0x4b: {  	s18 =	rddreg [dreg:$0xc];
	[sflag:s1] =	ssyncadd.s32 $0xFFFFF000  }
0x4c: {  	[spmem:s18] =	stream.linear.scatter [tilespmem:s0], [sflag:$0x3], $0x1000, $0x38;
	[tilespmem:$0x1F800] =	vst v63  }
0x4d: {  	_ =	swait.ge [sflag:s1], $0x1000  }
0x4e: {  	[sflag:s1] =	ssyncset.done $0x0  }
0x4f: {  	s19 =	rddreg [dreg:$0xd];
	[sflag:s1] =	ssyncadd.s32 $0xFFFFF000  }
0x50: {  	[spmem:s19] =	stream.linear.scatter [tilespmem:s0], [sflag:$0x3], $0x1000, $0x38;
	[tilespmem:$0x1F800] =	vst v63  }
0x51: {  	_ =	swait.ge [sflag:s1], $0x1000  }
0x52: {  	[sflag:s1] =	ssyncset.done $0x0  }
0x53: {  	s17 =	rddreg [dreg:$0xe];
	[sflag:s1] =	ssyncadd.s32 $0xFFFFF000  }
0x54: {  	[spmem:s17] =	stream.linear.scatter [tilespmem:s0], [sflag:$0x3], $0x1000, $0x38;
	[tilespmem:$0x1F800] =	vst v63  }
0x55: {  	_ =	swait.ge [sflag:s1], $0x1000  }
0x56: {  	[sflag:s1] =	ssyncset.done $0x0  }
0x57: {  	[sflag:s1] =	ssyncadd.s32 $0xFFFFF000  }
0x58: {  	[spmem:s22] =	stream.linear.scatter [tilespmem:s0], [sflag:$0x3], $0x1000, $0x38;
	[tilespmem:$0x1F800] =	vst v63  }
0x59: {  	_ =	swait.ge [sflag:s1], $0x1000  }
0x5a: {  	[sflag:s1] =	ssyncset.done $0x0  }
0x5b: {  	[sflag:s1] =	ssyncadd.s32 $0xFFFFF000  }
0x5c: {  	[spmem:s23] =	stream.linear.scatter [tilespmem:s0], [sflag:$0x3], $0x1000, $0x38;
	[tilespmem:$0x1F800] =	vst v63  }
0x5d: {  	_ =	swait.ge [sflag:s1], $0x1000  }
0x5e: {  	[sflag:s1] =	ssyncset.done $0x0  }
0x5f: {  	[sflag:s1] =	ssyncadd.s32 $0xFFFFF000  }
0x60: {  	[spmem:s25] =	stream.linear.scatter [tilespmem:s0], [sflag:$0x3], $0x1000, $0x38;
	[tilespmem:$0x1F800] =	vst v63  }
0x61: {  	_ =	swait.ge [sflag:s1], $0x1000  }
0x62: {  	[sflag:s1] =	ssyncset.done $0x0  }
0x63: {  	[sflag:s1] =	ssyncadd.s32 $0xFFFFF000  }
0x64: {  	[spmem:s26] =	stream.linear.scatter [tilespmem:s0], [sflag:$0x3], $0x1000, $0x38;
	[tilespmem:$0x1F800] =	vst v63  }
0x65: {  	_ =	swait.ge [sflag:s1], $0x1000  }
0x66: {  	[sflag:s1] =	ssyncset.done $0x0  }
0x67: {  	[sflag:s1] =	ssyncadd.s32 $0xFFFFF000  }
0x68: {  	[spmem:s28] =	stream.linear.scatter [tilespmem:s0], [sflag:$0x3], $0x1000, $0x38;
	[tilespmem:$0x1F800] =	vst v63  }
0x69: {  	_ =	swait.ge [sflag:s1], $0x1000  }
0x6a: {  	[sflag:s1] =	ssyncset.done $0x0  }
0x6b: {  	[sflag:s1] =	ssyncadd.s32 $0xFFFFF000  }
0x6c: {  	[spmem:s29] =	stream.linear.scatter [tilespmem:s0], [sflag:$0x3], $0x1000, $0x38;
	[tilespmem:$0x1F800] =	vst v63  }
0x6d: {  	_ =	swait.ge [sflag:s1], $0x1000  }
0x6e: {  	[sflag:s1] =	ssyncset.done $0x0  }
0x6f: {  	[sflag:s1] =	ssyncadd.s32 $0xFFFFF000  }
0x70: {  	[spmem:s30] =	stream.linear.scatter [tilespmem:s0], [sflag:$0x3], $0x1000, $0x38;
	[tilespmem:$0x1F800] =	vst v63  }
0x71: {  	_ =	swait.ge [sflag:s1], $0x1000  }
0x72: {  	[sflag:s1] =	ssyncset.done $0x0  }
0x73: {  	[sflag:s1] =	ssyncadd.s32 $0xFFFFF000  }
0x74: {  	[spmem:s31] =	stream.linear.scatter [tilespmem:s0], [sflag:$0x3], $0x1000, $0x38;
	[tilespmem:$0x1F800] =	vst v63  }
0x75: {  	_ =	swait.ge [sflag:s1], $0x1000  }
0x76: {  	[sflag:s1] =	ssyncset.done $0x0  }
0x77: {  	[sflag:s1] =	ssyncadd.s32 $0xFFFFF000  }
0x78: {  	[bflag:$0x0] =	sbarrier.arrive $0xFFFF  }
0x79: {  	s18 =	simm.s32 $0x0;
	s17 =	rddreg [dreg:$0xf]  }
0x7a: {  	[tilespmem:s3], [sflag:$0x3] =	stream.linear.gather [hbm4b:s17+s18], $0x1400, $0x38;
	[tilespmem:$0x1F800] =	vst v63  }
0x7b: {  	_ =	swait.ge [sflag:s1], $0x1400  }
0x7c: {  	[sflag:s1] =	ssyncset.done $0x0  }
0x7d: {  	s19 =	rddreg [dreg:$0x10];
	[sflag:s1] =	ssyncadd.s32 $0xFFFFEC00  }
0x7e: {  	[tilespmem:s6], [sflag:$0x3] =	stream.linear.gather [hbm4b:s19+s18], $0x1400, $0x38;
	[tilespmem:$0x1F800] =	vst v63  }
0x7f: {  	_ =	swait.ge [sflag:s1], $0x1400  }
0x80: {  	[sflag:s1] =	ssyncset.done $0x0  }
0x81: {  	[sflag:s1] =	ssyncadd.s32 $0xFFFFEC00  }
0x82: {  	[tilespmem:s8], [sflag:$0x1] =	stream.indirect.gather [hbm4b:s4+s7], $0x80, s3, s7, $0xb8;
	[tilespmem:$0x1F800] =	vst v63  }
0x83: {  	_ = 	snop  }
0x84: {  	[tilespmem:s10], [sflag:$0x2] =	stream.indirect.gather [hbm4b:s4+s7], $0x80, s9, s7, $0xb8;
	[tilespmem:$0x1F800] =	vst v63  }
0x85: {  	_ =	swait.ge [sflag:s11], $0x4000  }
0x86: {  	[sflag:s11] =	ssyncset.done $0x0  }
0x87: {  	s17 =	simm.s32 $0x16400;
	[sflag:s11] =	ssyncadd.s32 $0xFFFFC000  }
0x88: {  	[spmem:s2] =	stream.indirect.scatter.add.f32 [tilespmem:s8], [sflag:$0x3], $0x80, s17, s7, $0xb8;
	[tilespmem:$0x1F800] =	vst v63  }
0x89: {  	_ =	swait.ge [sflag:s1], $0x4000  }
0x8a: {  	[sflag:s1] =	ssyncset.done $0x0  }
0x8b: {  	s18 =	simm.s32 $0x15100;
	[sflag:s1] =	ssyncadd.s32 $0xFFFFC000  }
0x8c: {  	[tilespmem:s8], [sflag:$0x1] =	stream.indirect.gather [hbm4b:s4+s7], $0x80, s18, s7, $0xb8;
	[tilespmem:$0x1F800] =	vst v63  }
0x8d: {  	_ =	swait.ge [sflag:s12], $0x4000  }
0x8e: {  	[sflag:s12] =	ssyncset.done $0x0  }
0x8f: {  	s19 =	simm.s32 $0x16480;
	[sflag:s12] =	ssyncadd.s32 $0xFFFFC000  }
0x90: {  	[spmem:s2] =	stream.indirect.scatter.add.f32 [tilespmem:s10], [sflag:$0x3], $0x80, s19, s7, $0xb8;
	[tilespmem:$0x1F800] =	vst v63  }
0x91: {  	_ =	swait.ge [sflag:s1], $0x4000  }
0x92: {  	[sflag:s1] =	ssyncset.done $0x0  }
0x93: {  	s16 =	simm.s32 $0x400;
	s17 =	simm.s32 $0x15180;
	[sflag:s1] =	ssyncadd.s32 $0xFFFFC000  }
.LBB2_4:
0x94: {  	[tilespmem:s10], [sflag:$0x2] =	stream.indirect.gather [hbm4b:s4+s7], $0x80, s17, s7, $0xb8;
	[tilespmem:$0x1F800] =	vst v63  }
0x95: {  	s17 =	smov.u32 s16  }
0x96: {  	p0 =	sne.s32 s16, $0x4800;
	s16 =	sadd.s32 $0x400, s16;
	_ =	swait.ge [sflag:s11], $0x4000  }
0x97: {  	s17 =	sshra.s32 s17, $0x2;
	[sflag:s11] =	ssyncset.done $0x0  }
0x98: {  	s18 =	sadd.s32 $0x16400, s17;
	[sflag:s11] =	ssyncadd.s32 $0xFFFFC000  }
0x99: {  	[spmem:s2] =	stream.indirect.scatter.add.f32 [tilespmem:s8], [sflag:$0x3], $0x80, s18, s7, $0xb8;
	[tilespmem:$0x1F800] =	vst v63  }
0x9a: {  	_ =	swait.ge [sflag:s1], $0x4000  }
0x9b: {  	[sflag:s1] =	ssyncset.done $0x0  }
0x9c: {  	s18 =	sadd.s32 $0x15100, s17;
	[sflag:s1] =	ssyncadd.s32 $0xFFFFC000  }
0x9d: {  	[tilespmem:s8], [sflag:$0x1] =	stream.indirect.gather [hbm4b:s4+s7], $0x80, s18, s7, $0xb8;
	[tilespmem:$0x1F800] =	vst v63  }
0x9e: {  	_ =	swait.ge [sflag:s12], $0x4000  }
0x9f: {  	[sflag:s12] =	ssyncset.done $0x0  }
.Ltmp1:
0xa0: {  	s18 =	sadd.s32 $0x16480, s17;
	[sflag:s12] =	ssyncadd.s32 $0xFFFFC000;
	(pc) =	sbr.rel @p0 .LBB2_4-.Ltmp1, $4  }
0xa1: {  	[spmem:s2] =	stream.indirect.scatter.add.f32 [tilespmem:s10], [sflag:$0x3], $0x80, s18, s7, $0xb8;
	[tilespmem:$0x1F800] =	vst v63  }
0xa2: {  	_ =	swait.ge [sflag:s1], $0x4000  }
0xa3: {  	[sflag:s1] =	ssyncset.done $0x0  }
0xa4: {  	s17 =	sadd.s32 $0x15180, s17;
	[sflag:s1] =	ssyncadd.s32 $0xFFFFC000  }
0xa5: {  	[tilespmem:s10], [sflag:$0x2] =	stream.indirect.gather [hbm4b:s4+s7], $0x80, s17, s7, $0xb8;
	[tilespmem:$0x1F800] =	vst v63  }
0xa6: {  	_ =	swait.ge [sflag:s11], $0x4000  }
0xa7: {  	[sflag:s11] =	ssyncset.done $0x0  }
0xa8: {  	[sflag:s11] =	ssyncadd.s32 $0xFFFFC000  }
0xa9: {  	[spmem:s2] =	stream.indirect.scatter.add.f32 [tilespmem:s8], [sflag:$0x3], $0x80, s13, s7, $0xb8;
	[tilespmem:$0x1F800] =	vst v63  }
0xaa: {  	_ =	swait.ge [sflag:s1], $0x4000  }
0xab: {  	[sflag:s1] =	ssyncset.done $0x0  }
0xac: {  	[sflag:s1] =	ssyncadd.s32 $0xFFFFC000  }
0xad: {  	_ =	swait.ge [sflag:s12], $0x4000  }
0xae: {  	[sflag:s12] =	ssyncset.done $0x0  }
0xaf: {  	[sflag:s12] =	ssyncadd.s32 $0xFFFFC000  }
0xb0: {  	[spmem:s2] =	stream.indirect.scatter.add.f32 [tilespmem:s10], [sflag:$0x3], $0x80, s14, s7, $0xb8;
	[tilespmem:$0x1F800] =	vst v63  }
0xb1: {  	_ =	swait.ge [sflag:s1], $0x4000  }
0xb2: {  	[sflag:s1] =	ssyncset.done $0x0  }
0xb3: {  	s16 =	simm.s32 $0x0;
	[sflag:s1] =	ssyncadd.s32 $0xFFFFC000  }
0xb4: {  	[tilespmem:s3], [sflag:$0x3] =	stream.linear.gather [hbm4b:s20+s16], $0x1400, $0x38;
	[tilespmem:$0x1F800] =	vst v63  }
0xb5: {  	_ =	swait.ge [sflag:s1], $0x1400  }
0xb6: {  	[sflag:s1] =	ssyncset.done $0x0  }
0xb7: {  	[sflag:s1] =	ssyncadd.s32 $0xFFFFEC00  }
0xb8: {  	[tilespmem:s6], [sflag:$0x3] =	stream.linear.gather [hbm4b:s21+s16], $0x1400, $0x38;
	[tilespmem:$0x1F800] =	vst v63  }
0xb9: {  	_ =	swait.ge [sflag:s1], $0x1400  }
0xba: {  	[sflag:s1] =	ssyncset.done $0x0  }
0xbb: {  	[sflag:s1] =	ssyncadd.s32 $0xFFFFEC00  }
0xbc: {  	[tilespmem:s8], [sflag:$0x1] =	stream.indirect.gather [hbm4b:s4+s7], $0x80, s3, s7, $0xb8;
	[tilespmem:$0x1F800] =	vst v63  }
0xbd: {  	_ = 	snop  }
0xbe: {  	[tilespmem:s10], [sflag:$0x2] =	stream.indirect.gather [hbm4b:s4+s7], $0x80, s9, s7, $0xb8;
	[tilespmem:$0x1F800] =	vst v63  }
0xbf: {  	_ =	swait.ge [sflag:s11], $0x4000  }
0xc0: {  	[sflag:s11] =	ssyncset.done $0x0  }
0xc1: {  	s17 =	simm.s32 $0x16400;
	[sflag:s11] =	ssyncadd.s32 $0xFFFFC000  }
0xc2: {  	[spmem:s2] =	stream.indirect.scatter.add.f32 [tilespmem:s8], [sflag:$0x3], $0x80, s17, s7, $0xb8;
	[tilespmem:$0x1F800] =	vst v63  }
0xc3: {  	_ =	swait.ge [sflag:s1], $0x4000  }
0xc4: {  	[sflag:s1] =	ssyncset.done $0x0  }
0xc5: {  	s18 =	simm.s32 $0x15100;
	[sflag:s1] =	ssyncadd.s32 $0xFFFFC000  }
0xc6: {  	[tilespmem:s8], [sflag:$0x1] =	stream.indirect.gather [hbm4b:s4+s7], $0x80, s18, s7, $0xb8;
	[tilespmem:$0x1F800] =	vst v63  }
0xc7: {  	_ =	swait.ge [sflag:s12], $0x4000  }
0xc8: {  	[sflag:s12] =	ssyncset.done $0x0  }
0xc9: {  	s19 =	simm.s32 $0x16480;
	[sflag:s12] =	ssyncadd.s32 $0xFFFFC000  }
0xca: {  	[spmem:s2] =	stream.indirect.scatter.add.f32 [tilespmem:s10], [sflag:$0x3], $0x80, s19, s7, $0xb8;
	[tilespmem:$0x1F800] =	vst v63  }
0xcb: {  	_ =	swait.ge [sflag:s1], $0x4000  }
0xcc: {  	[sflag:s1] =	ssyncset.done $0x0  }
0xcd: {  	s16 =	simm.s32 $0x400;
	s17 =	simm.s32 $0x15180;
	[sflag:s1] =	ssyncadd.s32 $0xFFFFC000  }
.LBB2_6:
0xce: {  	[tilespmem:s10], [sflag:$0x2] =	stream.indirect.gather [hbm4b:s4+s7], $0x80, s17, s7, $0xb8;
	[tilespmem:$0x1F800] =	vst v63  }
0xcf: {  	s17 =	smov.u32 s16  }
0xd0: {  	p0 =	sne.s32 s16, $0x4800;
	s16 =	sadd.s32 $0x400, s16;
	_ =	swait.ge [sflag:s11], $0x4000  }
0xd1: {  	s17 =	sshra.s32 s17, $0x2;
	[sflag:s11] =	ssyncset.done $0x0  }
0xd2: {  	s18 =	sadd.s32 $0x16400, s17;
	[sflag:s11] =	ssyncadd.s32 $0xFFFFC000  }
0xd3: {  	[spmem:s2] =	stream.indirect.scatter.add.f32 [tilespmem:s8], [sflag:$0x3], $0x80, s18, s7, $0xb8;
	[tilespmem:$0x1F800] =	vst v63  }
0xd4: {  	_ =	swait.ge [sflag:s1], $0x4000  }
0xd5: {  	[sflag:s1] =	ssyncset.done $0x0  }
0xd6: {  	s18 =	sadd.s32 $0x15100, s17;
	[sflag:s1] =	ssyncadd.s32 $0xFFFFC000  }
0xd7: {  	[tilespmem:s8], [sflag:$0x1] =	stream.indirect.gather [hbm4b:s4+s7], $0x80, s18, s7, $0xb8;
	[tilespmem:$0x1F800] =	vst v63  }
0xd8: {  	_ =	swait.ge [sflag:s12], $0x4000  }
0xd9: {  	[sflag:s12] =	ssyncset.done $0x0  }
.Ltmp2:
0xda: {  	s18 =	sadd.s32 $0x16480, s17;
	[sflag:s12] =	ssyncadd.s32 $0xFFFFC000;
	(pc) =	sbr.rel @p0 .LBB2_6-.Ltmp2, $4  }
0xdb: {  	[spmem:s2] =	stream.indirect.scatter.add.f32 [tilespmem:s10], [sflag:$0x3], $0x80, s18, s7, $0xb8;
	[tilespmem:$0x1F800] =	vst v63  }
0xdc: {  	_ =	swait.ge [sflag:s1], $0x4000  }
0xdd: {  	[sflag:s1] =	ssyncset.done $0x0  }
0xde: {  	s17 =	sadd.s32 $0x15180, s17;
	[sflag:s1] =	ssyncadd.s32 $0xFFFFC000  }
0xdf: {  	[tilespmem:s10], [sflag:$0x2] =	stream.indirect.gather [hbm4b:s4+s7], $0x80, s17, s7, $0xb8;
	[tilespmem:$0x1F800] =	vst v63  }
0xe0: {  	_ =	swait.ge [sflag:s11], $0x4000  }
0xe1: {  	[sflag:s11] =	ssyncset.done $0x0  }
0xe2: {  	[sflag:s11] =	ssyncadd.s32 $0xFFFFC000  }
0xe3: {  	[spmem:s2] =	stream.indirect.scatter.add.f32 [tilespmem:s8], [sflag:$0x3], $0x80, s13, s7, $0xb8;
	[tilespmem:$0x1F800] =	vst v63  }
0xe4: {  	_ =	swait.ge [sflag:s1], $0x4000  }
0xe5: {  	[sflag:s1] =	ssyncset.done $0x0  }
0xe6: {  	[sflag:s1] =	ssyncadd.s32 $0xFFFFC000  }
0xe7: {  	_ =	swait.ge [sflag:s12], $0x4000  }
0xe8: {  	[sflag:s12] =	ssyncset.done $0x0  }
0xe9: {  	[sflag:s12] =	ssyncadd.s32 $0xFFFFC000  }
0xea: {  	[spmem:s2] =	stream.indirect.scatter.add.f32 [tilespmem:s10], [sflag:$0x3], $0x80, s14, s7, $0xb8;
	[tilespmem:$0x1F800] =	vst v63  }
0xeb: {  	_ =	swait.ge [sflag:s1], $0x4000  }
0xec: {  	s16 =	stileid.u32;
	[sflag:s1] =	ssyncset.done $0x0  }
0xed: {  	s16 =	sshll.u32 s16, $0x6;
	[sflag:s1] =	ssyncadd.s32 $0xFFFFC000  }
0xee: {  	s18 =	sshrl.u32 s5, $0x3;
	s16 =	sor.u32 $0x1C03, s16;
	[bflag:$0x0] =	sbarrier.arrive $0xFFFF  }
0xef: {  	[hbm:s24], [sflag:s16] =	dma.local [spmem:s18], $0x2800  }
0xf0: {  	_ =	swait.ge [sflag:s1], $0x2800  }
0xf1: {  	s15 =	sadd.s32 $0x1, s15;
	s19 =	rddreg [dreg:$0x3]  }
0xf2: {  	p0 =	sne.s32 s15, s19  }
.Ltmp3:
0xf3: {  	_ = 	snop;
	(pc) =	sbr.rel @p0 .LBB2_1-.Ltmp3, $3  }
0xf4: {  	_ =	sdelay $0x1  }
0xf5: {  	[sflag:s1] =	ssyncset.done $0x0  }
0xf6: {  	[sflag:s1] =	ssyncadd.s32 $0xFFFFD800  }
0xf7: {  	_ =	sfence.sel $0x180000  }
0xf8: {  	[bflag:$0x0] =	sbarrier.arrive $0xFFFF  }
0xf9: {  	_ =	strace $0x9000004A  }
0xfa: {  	s0 =	stileid.u32;
	[bflag:$0x2] =	sbarrier.arrive $0xFFFF  }
0xfb: {  	p0 =	sne.s32 s0, $0x0;
	s0 =	rddreg [dreg:$0x2]  }
0xfc: {  	s0 =	sadd.s32 @!p0 $0x100000, s0  }
0xfd: {  	[sflag:s0] =	ssyncadd.tile.s32 @!p0 $0x1;
	_ =	shalt  }
.Lfunc_end2:
_tile_overlayer_lowered:
.L_overlay_start_2:
0xfe: {  	(tag) =	ssettag $0x2  }
0xff: {  	s0 =	rddreg [dreg:$0x0];
	s2 =	stileid.u32  }
0x100: {  	s1 =	rddreg [dreg:$0x1];
	p0 =	sne.s32 s2, $0x0  }
0x101: {  	s3 =	rddreg [dreg:$0x2];
	[bflag:$0x3] =	sbarrier.arrive $0xFFFF;
	s2 =	simm.s32 @!p0 $0x1C03  }
0x102: {  	[timem:s3], [sflag:s2] =	dma.local @!p0 [hbm:s0], s1  }
0x103: {  	s0 =	simm.s32 @!p0 $0x3  }
0x104: {  	_ =	swait.ge @!p0 [sflag:s0], s1  }
0x105: {  	s1 =	ssub.s32 @!p0 $0x0, s1;
	[sflag:s0] =	ssyncset.done @!p0 $0x0  }
0x106: {  	[sflag:s0] =	ssyncadd.s32 @!p0 s1  }
0x107: {  	[bflag:$0x3] =	sbarrier.arrive $0xFFFF  }
0x108: {  	_ =	shalt  }

// kernel: kernel.16.cloned.1.call-start
scs
__scs_entry_jumppad:
0x0: {  	(pc) =	sbr.rel $0x88, $3  }
0x1: {  	(tag) =	ssettag $0x0;
	lr =	simm.s32 $0x1  }
0x2: {  	[smem:$0x3F99] =	sst lr;
	_ =	strace $0xD0000000  }
0x3: {  	_ = 	snop  }
0x4: {  	_ = 	snop  }
0x5: {  	_ = 	snop  }
0x6: {  	_ = 	snop  }
0x7: {  	_ = 	snop  }
__scs_overlays_trampoline_lowered:
0x8: {  	[smem:$0x3FA8] =	sst s0  }
0x9: {  	[smem:$0x3FA9] =	sst s1  }
0xa: {  	[smem:$0x3FAA] =	sst s2  }
0xb: {  	[smem:$0x3FAB] =	sst s3  }
0xc: {  	[smem:$0x3FAC] =	sst s4  }
0xd: {  	[smem:$0x3FAD] =	sst s5  }
0xe: {  	[smem:$0x3FAE] =	sst s6  }
0xf: {  	[smem:$0x3FAF] =	sst s7  }
0x10: {  	[smem:$0x3FB0] =	sst s8  }
0x11: {  	[smem:$0x3FB1] =	sst s9;
	s0 =	simm.s32 @!p0 $0x0  }
0x12: {  	s1 =	sld [smem:$0x3F97];
	s0 =	simm.s32 @p0 $0x1  }
0x13: {  	[smem:$0x3FB2] =	sst s0;
	s0 =	simm.s32 @!p1 $0x0  }
0x14: {  	s2 =	sld [smem:$0x3F96];
	s0 =	simm.s32 @p1 $0x1  }
0x15: {  	[smem:$0x3FB3] =	sst s0;
	s0 =	simm.s32 @!p2 $0x0  }
0x16: {  	s3 =	sld [smem:$0x3FDB];
	s0 =	simm.s32 @p2 $0x1  }
0x17: {  	s4 =	simm.s32 $0x1BF5;
	[smem:$0x3FB5] =	sst s0  }
0x18: {  	s0 =	sld [smem:$0x3F98];
	_ =	swait.ge [sflag:s4], $0x0  }
0x19: {  	s7 =	sld [smem:$0x3F99]  }
0x1a: {  	s8 =	sadd.s32 $0xFFFFE003, lr  }
0x1b: {  	s9 =	sadd.s32 $0xFFFFFEF7, lr;
	s5 =	simm.s32 $0xFFFFFFFF;
	p2 =	slt.u32 s8, $0xFFFFF086  }
0x1c: {  	p1 =	slt.u32 s9, $0xF7A;
	s5 =	simm.s32 @!p2 $0x0  }
0x1d: {  	s5 =	simm.s32 @p1 $0x1;
	p0 =	seq.s32 s7, s2  }
0x1e: {  	s7 =	smul.u32 @!p0 $0xF7A, s2;
	p2 =	seq.s32 @!p0 s5, $0x0  }
0x1f: {  	s9 =	smul.u32 $0xF7A, s1;
	s8 =	simm.s32 @!p0 $0x1BF5;
	p2 =	por !p2, p0  }
0x20: {  	[sflag:s8] =	ssyncset.s32 @!p0 $0xFFFFF086;
	s6 =	sadd.s32 @!p0 s3, s7;
	s7 =	simm.s32 @!p0 $0x108  }
0x21: {  	s3 =	sadd.s32 s3, s9;
	s6 =	sadd.s32 @!p0 $0x88, s6;
	s7 =	simm.s32 @p2 $0x1082  }
0x22: {  	[simem:s7], [sflag:s8] =	dma.local @!p0 [hbm:s6], $0xF7A  }
0x23: {  	s9 =	sor.u32 $0xD0000000, s2;
	s6 =	simm.s32 $0x108;
	_ =	swait.ge @!p0 [sflag:s8], $0x0  }
0x24: {  	s3 =	sadd.s32 $0x88, s3;
	s6 =	simm.s32 @!p1 $0x1082;
	[sflag:s4] =	ssyncset.s32 $0xFFFFF086  }
0x25: {  	[simem:s6], [sflag:s4] =	dma.local [hbm:s3], $0xF7A  }
0x26: {  	[smem:$0x3F99] =	sst s1;
	(tag) =	ssettag s2;
	_ =	strace s9  }
0x27: {  	s1 =	sld [smem:$0x3FA9]  }
0x28: {  	s2 =	sld [smem:$0x3FAA]  }
0x29: {  	s4 =	sld [smem:$0x3FAC]  }
0x2a: {  	p0 =	seq.s32 s5, $0x0;
	s5 =	sld [smem:$0x3FAD]  }
0x2b: {  	s6 =	sld [smem:$0x3FAE]  }
0x2c: {  	s7 =	sld [smem:$0x3FAF]  }
0x2d: {  	s3 =	simm.s32 $0x108;
	s8 =	sld [smem:$0x3FB0]  }
0x2e: {  	s3 =	simm.s32 @!p0 $0x1082;
	s9 =	sld [smem:$0x3FB1]  }
0x2f: {  	lr =	sadd.s32 s0, s3;
	s0 =	sld [smem:$0x3FA8]  }
0x30: {  	s3 =	sld [smem:$0x3FAB]  }
0x31: {  	[smem:$0x3FB4] =	sst s10  }
0x32: {  	s10 =	sld [smem:$0x3FB2];
	_ =	sdelay $0x3  }
0x33: {  	p0 =	seq.s32 s10, $0x1;
	s10 =	sld [smem:$0x3FB4];
	_ =	sdelay $0x3  }
0x34: {  	[smem:$0x3FB4] =	sst s10  }
0x35: {  	s10 =	sld [smem:$0x3FB3];
	_ =	sdelay $0x3  }
0x36: {  	p1 =	seq.s32 s10, $0x1;
	s10 =	sld [smem:$0x3FB4];
	_ =	sdelay $0x3  }
0x37: {  	[smem:$0x3FB4] =	sst s10  }
0x38: {  	s10 =	sld [smem:$0x3FB5]  }
0x39: {  	_ = 	snop;
	(pc) =	sbr.ind lr, $3  }
0x3a: {  	_ = 	snop  }
0x3b: {  	_ = 	snop  }
0x3c: {  	p2 =	seq.s32 s10, $0x1;
	s10 =	sld [smem:$0x3FB4]  }
0x3d: {  	_ =	shalt  }
0x3e: {  	_ =	shalt  }
0x3f: {  	_ =	shalt  }
0x40: {  	_ =	shalt  }
0x41: {  	_ =	shalt  }
0x42: {  	_ =	shalt  }
0x43: {  	_ =	shalt  }
0x44: {  	_ =	shalt  }
0x45: {  	_ =	shalt  }
0x46: {  	_ =	shalt  }
0x47: {  	_ =	shalt  }
0x48: {  	_ =	shalt  }
0x49: {  	_ =	shalt  }
0x4a: {  	_ =	shalt  }
0x4b: {  	_ =	shalt  }
0x4c: {  	_ =	shalt  }
0x4d: {  	_ =	shalt  }
0x4e: {  	_ =	shalt  }
0x4f: {  	_ =	shalt  }
0x50: {  	_ =	shalt  }
0x51: {  	_ =	shalt  }
0x52: {  	_ =	shalt  }
0x53: {  	_ =	shalt  }
0x54: {  	_ =	shalt  }
0x55: {  	_ =	shalt  }
0x56: {  	_ =	shalt  }
0x57: {  	_ =	shalt  }
0x58: {  	_ =	shalt  }
0x59: {  	_ =	shalt  }
0x5a: {  	_ =	shalt  }
0x5b: {  	_ =	shalt  }
0x5c: {  	_ =	shalt  }
0x5d: {  	_ =	shalt  }
0x5e: {  	_ =	shalt  }
0x5f: {  	_ =	shalt  }
0x60: {  	_ =	shalt  }
0x61: {  	_ =	shalt  }
0x62: {  	_ =	shalt  }
0x63: {  	_ =	shalt  }
0x64: {  	_ =	shalt  }
0x65: {  	_ =	shalt  }
0x66: {  	_ =	shalt  }
0x67: {  	_ =	shalt  }
0x68: {  	_ =	shalt  }
0x69: {  	_ =	shalt  }
0x6a: {  	_ =	shalt  }
0x6b: {  	_ =	shalt  }
0x6c: {  	_ =	shalt  }
0x6d: {  	_ =	shalt  }
0x6e: {  	_ =	shalt  }
0x6f: {  	_ =	shalt  }
0x70: {  	_ =	shalt  }
0x71: {  	_ =	shalt  }
0x72: {  	_ =	shalt  }
0x73: {  	_ =	shalt  }
0x74: {  	_ =	shalt  }
0x75: {  	_ =	shalt  }
0x76: {  	_ =	shalt  }
0x77: {  	_ =	shalt  }
0x78: {  	_ =	shalt  }
0x79: {  	_ =	shalt  }
0x7a: {  	_ =	shalt  }
0x7b: {  	_ =	shalt  }
0x7c: {  	_ =	shalt  }
0x7d: {  	_ =	shalt  }
0x7e: {  	_ =	shalt  }
0x7f: {  	_ =	shalt  }
0x80: {  	_ =	shalt  }
0x81: {  	_ =	shalt  }
0x82: {  	_ =	shalt  }
0x83: {  	_ =	shalt  }
0x84: {  	_ =	shalt  }
0x85: {  	_ =	shalt  }
0x86: {  	_ =	shalt  }
0x87: {  	_ =	shalt  }
.Lfunc_end0:
.L_simem_size_0:
called_computation.2_lowered:
.L_overlay_start_0:
0x88: {  	s2 =	sld [smem:$0x3FD9]  }
0x89: {  	s3 =	sld [smem:$0x3FFE];
	_ =	sdelay $0x1  }
0x8a: {  	s1 =	srdreg.scid  }
0x8b: {  	s0 =	sand.u32 $0x1, s1  }
0x8c: {  	s16 =	sshll.u32 s0, $0xA;
	s2 =	sadd.s32 s3, s2  }
0x8d: {  	s2 =	sadd.s32 s2, s16  }
0x8e: {  	[smem:$0x3FC0] =	sst s2  }
0x8f: {  	_ = 	snop  }
0x90: {  	(tm) =	ssettm $0x1  }
0x91: {  	s17 =	sld [smem:$0x3FFB];
	_ =	sdelay $0x3  }
0x92: {  	_ =	strace s17  }
0x93: {  	s2 =	sld [smem:$0x3FFC];
	_ =	sdelay $0x3  }
0x94: {  	_ =	strace s2  }
0x95: {  	s2 =	sld [smem:$0x3FFD];
	_ =	sdelay $0x3  }
0x96: {  	_ =	strace s2  }
0x97: {  	_ =	strace $0x8FFFFFFF  }
0x98: {  	s18 =	sld [smem:$0x3FDB];
	_ =	sdelay $0x1  }
0x99: {  	s19 =	simm.s32 $_scs_section_size  }
0x9a: {  	s4 =	simm.s32 $_size__tile_overlayer_lowered;
	s5 =	simm.s32 $_tile_overlayer_lowered  }
0x9b: {  	s22 =	simm.s32 $0x1BFF;
	s21 =	sshll.u32 s5, $0x1;
	s2 =	sadd.s32 s19, s18  }
0x9c: {  	s6 =	simm.s32 $0x0;
	s20 =	sshll.u32 s4, $0x1;
	s4 =	sadd.s32 s21, s2  }
0x9d: {  	[timem:s6], [sflag:s22] =	dma.local [hbm:s4], s20  }
0x9e: {  	_ =	swait.ge [sflag:s22], s20  }
0x9f: {  	s3 =	ssub.s32 $0x0, s20;
	[sflag:s22] =	ssyncset.done $0x0  }
0xa0: {  	[sflag:s22] =	ssyncadd.s32 s3;
	_ =	sdelay $0x1  }
0xa1: {  	s23 =	simm.s32 $0x1B8B  }
0xa2: {  	_ =	swait.ge [sflag:s23], $0x1  }
0xa3: {  	[sflag:s23] =	ssyncset.done $0x0  }
0xa4: {  	s25 =	simm.s32 $0x1B8E;
	s24 =	sld [smem:$0x3FFE];
	[sflag:s23] =	ssyncadd.s32 $0xFFFFFFFF  }
0xa5: {  	s26 =	simm.s32 $execute0_lowered;
	[smem:$0x3FD2] =	sst s25  }
0xa6: {  	s4 =	sshll.u32 s26, $0x1;
	_ =	strace $0x8000004C;
	[dreg:$0x1] =	wrdreg $0xFFFFFFFF  }
0xa7: {  	s28 =	simm.s32 $_size_execute0_lowered;
	s2 =	sadd.s32 s2, s4;
	[dreg:$0x0] =	wrdreg $0x0  }
0xa8: {  	s4 =	sshll.u32 s28, $0x1;
	[dreg:$0x2] =	wrdreg s2  }
0xa9: {  	[dreg:$0x3] =	wrdreg s4  }
0xaa: {  	[dreg:$0x4] =	wrdreg $0xC0  }
0xab: {  	_ =	task [dreg:s6], $0x5FFFF  }
0xac: {  	[dreg:$0x1] =	wrdreg $0xFFFFFFFF  }
0xad: {  	[dreg:$0x0] =	wrdreg $0x60  }
0xae: {  	[dreg:$0x2] =	wrdreg s24  }
0xaf: {  	[dreg:$0x3] =	wrdreg $0x0  }
0xb0: {  	[dreg:$0x4] =	wrdreg $0x9  }
0xb1: {  	_ =	task.clear_ibuf [dreg:s6], $0x5FFFF;
	_ =	strace $0x9000004C  }
0xb2: {  	s29 =	simm.s32 $0x9;
	_ =	strace $0x8000004E  }
0xb3: {  	_ =	swait.ge [sflag:s29], $0x1  }
0xb4: {  	[sflag:s29] =	ssyncadd.s32 $0xFFFFFFFF  }
0xb5: {  	_ =	strace $0x9000004E  }
0xb6: {  	_ =	sfence  }
0xb7: {  	s30 =	sld [smem:$0x0];
	_ =	sdelay $0x2  }
0xb8: {  	s31 =	sshll.u32 s1, $0xD;
	s1 =	sshrl.u32 s1, $0x2  }
0xb9: {  	s3 =	sand.u32 $0x4000, s31;
	s1 =	sadd.s32 s1, s30  }
0xba: {  	s0 =	sor.u32 s3, s0;
	s1 =	sshll.u32 s1, $0x11  }
0xbb: {  	s0 =	sor.u32 s1, s0  }
0xbc: {  	s0 =	sadd.s32 $0x8F2B, s0  }
0xbd: {  	[sflag:s0] =	ssyncadd.remote.s32 $0x1  }
0xbe: {  	_ =	sfence.sel $0xFFFF  }
0xbf: {  	[dreg:$0x0] =	wrdreg $0xFFFFFFFF;
	(pc) =	sbr.abs _section_cstart, $3  }
0xc0: {  	[dreg:$0x1] =	wrdreg $0xFFFFFFFF  }
0xc1: {  	_ =	task.clear_ibuf [dreg:s6], $0x2FFFF;
	_ =	strace $0x9FFFFFFF  }
0xc2: {  	(tm) =	ssettm $0x7FFFFFFF  }
0xc3: {  	_ =	shalt  }
tec
execute0_lowered:
.L_overlay_start_1:
0x0: {  	(tag) =	ssettag $0x1  }
0x1: {  	s0 =	rddreg [dreg:$0x0]  }
0x2: {  	s1 =	rddreg [dreg:$0x1];
	s2 =	simm.s32 $0x0;
	s10 =	srdreg.scid  }
0x3: {  	s9 =	stileid.u32;
	[smem:$0x7FF] =	sst s2;
	s4 =	sadd.s32 $0x18C00, s0  }
0x4: {  	s5 =	sadd.s32 $0x3FE00, s0;
	s6 =	sadd.s32 $0xEC00, s0;
	s2 =	sand.u32 $0x1, s10  }
0x5: {  	s7 =	sadd.s32 $0x4C00, s0;
	s8 =	smul.u32 $0x50000, s9;
	s10 =	sadd.s32 $0x67000, s0  }
0x6: {  	s0 =	sadd.s32 $0x8F000, s0;
	s13 =	smul.u32 $0x2800, s9;
	s3 =	ssub.s32 $0x2, s2  }
0x7: {  	_ =	strace $0x8000004D;
	[dreg:$0x3] =	wrdreg s10;
	s11 =	sshrl.u32 s3, $0x1  }
0x8: {  	[dreg:$0x4] =	wrdreg s0;
	s12 =	sshrl.u32 s8, $0x2;
	s0 =	ssub.s32 s3, s11  }
0x9: {  	[dreg:$0x5] =	wrdreg s13;
	s11 =	sadd.s32 s12, s1;
	s0 =	smax.u32 s0, $0x1  }
0xa: {  	s14 =	sadd.s32 $0x1000, s11;
	[dreg:$0x6] =	wrdreg s0  }
0xb: {  	s15 =	sadd.s32 $0x2000, s11;
	[dreg:$0x7] =	wrdreg s14  }
0xc: {  	s10 =	smul.u32 $0x5000, s9;
	s16 =	sadd.s32 $0x3000, s11;
	[dreg:$0x8] =	wrdreg s15  }
0xd: {  	p0 =	sne.s32 s2, $0x0;
	s17 =	sadd.s32 $0x4000, s11;
	[dreg:$0x9] =	wrdreg s16  }
0xe: {  	s9 =	simm.s32 $0x14000;
	s18 =	sadd.s32 $0x5000, s11;
	[dreg:$0xa] =	wrdreg s17  }
0xf: {  	s2 =	simm.s32 $0x15000;
	s19 =	sadd.s32 $0x6000, s11;
	[dreg:$0xb] =	wrdreg s18  }
0x10: {  	s13 =	simm.s32 $0x80;
	s20 =	sadd.s32 $0x7000, s11;
	[dreg:$0xc] =	wrdreg s19  }
0x11: {  	s3 =	simm.s32 $0x3;
	s21 =	sadd.s32 $0x8000, s11;
	[dreg:$0xd] =	wrdreg s20  }
0x12: {  	s12 =	simm.s32 $0x16000;
	s22 =	sadd.s32 $0x9000, s11;
	[dreg:$0xe] =	wrdreg s21  }
0x13: {  	s23 =	sadd.s32 $0xA000, s11;
	s24 =	sadd.s32 $0xB000, s11;
	[dreg:$0xf] =	wrdreg s22  }
0x14: {  	s25 =	sadd.s32 $0xC000, s11;
	s26 =	sadd.s32 $0xD000, s11;
	[dreg:$0x10] =	wrdreg s23  }
0x15: {  	s28 =	sadd.s32 $0xE000, s11;
	s29 =	sadd.s32 $0xF000, s11;
	[dreg:$0x11] =	wrdreg s24  }
.Ltmp0:
0x16: {  	s30 =	sadd.s32 $0x10000, s11;
	[dreg:$0x12] =	wrdreg s25;
	(pc) =	sbr.rel .LBB2_1-.Ltmp0, $4  }
0x17: {  	s31 =	sadd.s32 $0x11000, s11;
	s8 =	sadd.s32 $0x13000, s11;
	[dreg:$0x13] =	wrdreg s26  }
0x18: {  	s0 =	sadd.s32 $0x12000, s11;
	s14 =	simm.s32 $0x17000;
	s15 =	simm.s32 $0x15080  }
0x19: {  	s16 =	simm.s32 $0x1B000;
	s17 =	simm.s32 $0x1;
	s18 =	simm.s32 $0x2  }
0x1a: {  	v0 =	vimm.f32 $0.0e+00;
	s19 =	simm.s32 $0x16F00;
	s20 =	simm.s32 $0x16F80;
	s21 =	simm.s32 $0x0  }
.LBB2_12:
0x1b: {  	s23 =	rddreg [dreg:$0x5];
	s25 =	stileid.u32  }
0x1c: {  	s22 =	sadd.s32 s22, s23;
	s23 =	sshll.u32 s25, $0x6  }
0x1d: {  	[bflag:$0x0] =	sbarrier.arrive $0xFFFF;
	s24 =	sshrl.u32 s11, $0x3;
	s23 =	sor.u32 $0x1C03, s23  }
0x1e: {  	[hbm:s22], [sflag:s23] =	dma.local [spmem:s24], $0x2800  }
0x1f: {  	_ =	swait.ge [sflag:s3], $0x2800  }
0x20: {  	s21 =	sadd.s32 $0x1, s21;
	s26 =	rddreg [dreg:$0x6]  }
0x21: {  	p1 =	sne.s32 s21, s26  }
.Ltmp1:
0x22: {  	_ = 	snop;
	(pc) =	sbr.rel @!p1 .LBB2_13-.Ltmp1, $3  }
0x23: {  	_ =	sdelay $0x1  }
0x24: {  	[sflag:s3] =	ssyncset.done $0x0  }
0x25: {  	[sflag:s3] =	ssyncadd.s32 $0xFFFFD800  }
.LBB2_1:
0x26: {  	s23 =	simm.s32 $0x0  }
0x27: {  	s22 =	sand.u32 $0x3E00, s23  }
0x28: {  	s23 =	sand.u32 $0x70, s23;
	s24 =	sshrl.u32 s22, $0x2  }
0x29: {  	s22 =	simm.s32 $0x40;
	s24 =	sor.u32 s23, s24;
	s23 =	simm.s32 $0x0  }
.LBB2_2:
0x2a: {  	p1 =	sne.s32 s22, $0x3FC0  }
0x2b: {  	[tilespmem:s24+$0x14000] =	vst v0;
	s23 =	sadd.s32 $0x10, s23;
	s24 =	smov.u32 s22;
	s22 =	sadd.s32 $0x40, s22  }
.Ltmp2:
0x2c: {  	(pc) =	sbr.rel @p1 .LBB2_2-.Ltmp2, $4  }
0x2d: {  	_ = 	snop  }
0x2e: {  	s24 =	sand.u32 $0x3E00, s24  }
0x2f: {  	s25 =	sand.u32 $0x70, s23;
	s24 =	sshrl.u32 s24, $0x2  }
0x30: {  	s24 =	sor.u32 s25, s24  }
0x31: {  	[tilespmem:s24+$0x14000] =	vst v0  }
0x32: {  	[spmem:s11] =	stream.linear.scatter [tilespmem:s9], [sflag:$0x3], $0x1000, $0x38;
	[tilespmem:$0x1F000] =	vst v63  }
0x33: {  	_ =	swait.ge [sflag:s3], $0x1000  }
0x34: {  	[sflag:s3] =	ssyncset.done $0x0  }
0x35: {  	s22 =	rddreg [dreg:$0x7];
	[sflag:s3] =	ssyncadd.s32 $0xFFFFF000  }
0x36: {  	[spmem:s22] =	stream.linear.scatter [tilespmem:s9], [sflag:$0x3], $0x1000, $0x38;
	[tilespmem:$0x1F000] =	vst v63  }
0x37: {  	_ =	swait.ge [sflag:s3], $0x1000  }
0x38: {  	[sflag:s3] =	ssyncset.done $0x0  }
0x39: {  	s23 =	rddreg [dreg:$0x8];
	[sflag:s3] =	ssyncadd.s32 $0xFFFFF000  }
0x3a: {  	[spmem:s23] =	stream.linear.scatter [tilespmem:s9], [sflag:$0x3], $0x1000, $0x38;
	[tilespmem:$0x1F000] =	vst v63  }
0x3b: {  	_ =	swait.ge [sflag:s3], $0x1000  }
0x3c: {  	[sflag:s3] =	ssyncset.done $0x0  }
0x3d: {  	s24 =	rddreg [dreg:$0x9];
	[sflag:s3] =	ssyncadd.s32 $0xFFFFF000  }
0x3e: {  	[spmem:s24] =	stream.linear.scatter [tilespmem:s9], [sflag:$0x3], $0x1000, $0x38;
	[tilespmem:$0x1F000] =	vst v63  }
0x3f: {  	_ =	swait.ge [sflag:s3], $0x1000  }
0x40: {  	[sflag:s3] =	ssyncset.done $0x0  }
0x41: {  	s25 =	rddreg [dreg:$0xa];
	[sflag:s3] =	ssyncadd.s32 $0xFFFFF000  }
0x42: {  	[spmem:s25] =	stream.linear.scatter [tilespmem:s9], [sflag:$0x3], $0x1000, $0x38;
	[tilespmem:$0x1F000] =	vst v63  }
0x43: {  	_ =	swait.ge [sflag:s3], $0x1000  }
0x44: {  	[sflag:s3] =	ssyncset.done $0x0  }
0x45: {  	s26 =	rddreg [dreg:$0xb];
	[sflag:s3] =	ssyncadd.s32 $0xFFFFF000  }
0x46: {  	[spmem:s26] =	stream.linear.scatter [tilespmem:s9], [sflag:$0x3], $0x1000, $0x38;
	[tilespmem:$0x1F000] =	vst v63  }
0x47: {  	_ =	swait.ge [sflag:s3], $0x1000  }
0x48: {  	[sflag:s3] =	ssyncset.done $0x0  }
0x49: {  	s23 =	rddreg [dreg:$0xc];
	[sflag:s3] =	ssyncadd.s32 $0xFFFFF000  }
0x4a: {  	[spmem:s23] =	stream.linear.scatter [tilespmem:s9], [sflag:$0x3], $0x1000, $0x38;
	[tilespmem:$0x1F000] =	vst v63  }
0x4b: {  	_ =	swait.ge [sflag:s3], $0x1000  }
0x4c: {  	[sflag:s3] =	ssyncset.done $0x0  }
0x4d: {  	s24 =	rddreg [dreg:$0xd];
	[sflag:s3] =	ssyncadd.s32 $0xFFFFF000  }
0x4e: {  	[spmem:s24] =	stream.linear.scatter [tilespmem:s9], [sflag:$0x3], $0x1000, $0x38;
	[tilespmem:$0x1F000] =	vst v63  }
0x4f: {  	_ =	swait.ge [sflag:s3], $0x1000  }
0x50: {  	[sflag:s3] =	ssyncset.done $0x0  }
0x51: {  	s25 =	rddreg [dreg:$0xe];
	[sflag:s3] =	ssyncadd.s32 $0xFFFFF000  }
0x52: {  	[spmem:s25] =	stream.linear.scatter [tilespmem:s9], [sflag:$0x3], $0x1000, $0x38;
	[tilespmem:$0x1F000] =	vst v63  }
0x53: {  	_ =	swait.ge [sflag:s3], $0x1000  }
0x54: {  	[sflag:s3] =	ssyncset.done $0x0  }
0x55: {  	s26 =	rddreg [dreg:$0xf];
	[sflag:s3] =	ssyncadd.s32 $0xFFFFF000  }
0x56: {  	[spmem:s26] =	stream.linear.scatter [tilespmem:s9], [sflag:$0x3], $0x1000, $0x38;
	[tilespmem:$0x1F000] =	vst v63  }
0x57: {  	_ =	swait.ge [sflag:s3], $0x1000  }
0x58: {  	[sflag:s3] =	ssyncset.done $0x0  }
0x59: {  	s23 =	rddreg [dreg:$0x10];
	[sflag:s3] =	ssyncadd.s32 $0xFFFFF000  }
0x5a: {  	[spmem:s23] =	stream.linear.scatter [tilespmem:s9], [sflag:$0x3], $0x1000, $0x38;
	[tilespmem:$0x1F000] =	vst v63  }
0x5b: {  	_ =	swait.ge [sflag:s3], $0x1000  }
0x5c: {  	[sflag:s3] =	ssyncset.done $0x0  }
0x5d: {  	s24 =	rddreg [dreg:$0x11];
	[sflag:s3] =	ssyncadd.s32 $0xFFFFF000  }
0x5e: {  	[spmem:s24] =	stream.linear.scatter [tilespmem:s9], [sflag:$0x3], $0x1000, $0x38;
	[tilespmem:$0x1F000] =	vst v63  }
0x5f: {  	_ =	swait.ge [sflag:s3], $0x1000  }
0x60: {  	[sflag:s3] =	ssyncset.done $0x0  }
0x61: {  	s25 =	rddreg [dreg:$0x12];
	[sflag:s3] =	ssyncadd.s32 $0xFFFFF000  }
0x62: {  	[spmem:s25] =	stream.linear.scatter [tilespmem:s9], [sflag:$0x3], $0x1000, $0x38;
	[tilespmem:$0x1F000] =	vst v63  }
0x63: {  	_ =	swait.ge [sflag:s3], $0x1000  }
0x64: {  	[sflag:s3] =	ssyncset.done $0x0  }
0x65: {  	s26 =	rddreg [dreg:$0x13];
	[sflag:s3] =	ssyncadd.s32 $0xFFFFF000  }
0x66: {  	[spmem:s26] =	stream.linear.scatter [tilespmem:s9], [sflag:$0x3], $0x1000, $0x38;
	[tilespmem:$0x1F000] =	vst v63  }
0x67: {  	_ =	swait.ge [sflag:s3], $0x1000  }
0x68: {  	[sflag:s3] =	ssyncset.done $0x0  }
0x69: {  	[sflag:s3] =	ssyncadd.s32 $0xFFFFF000  }
0x6a: {  	[spmem:s28] =	stream.linear.scatter [tilespmem:s9], [sflag:$0x3], $0x1000, $0x38;
	[tilespmem:$0x1F000] =	vst v63  }
0x6b: {  	_ =	swait.ge [sflag:s3], $0x1000  }
0x6c: {  	[sflag:s3] =	ssyncset.done $0x0  }
0x6d: {  	[sflag:s3] =	ssyncadd.s32 $0xFFFFF000  }
0x6e: {  	[spmem:s29] =	stream.linear.scatter [tilespmem:s9], [sflag:$0x3], $0x1000, $0x38;
	[tilespmem:$0x1F000] =	vst v63  }
0x6f: {  	_ =	swait.ge [sflag:s3], $0x1000  }
0x70: {  	[sflag:s3] =	ssyncset.done $0x0  }
0x71: {  	[sflag:s3] =	ssyncadd.s32 $0xFFFFF000  }
0x72: {  	[spmem:s30] =	stream.linear.scatter [tilespmem:s9], [sflag:$0x3], $0x1000, $0x38;
	[tilespmem:$0x1F000] =	vst v63  }
0x73: {  	_ =	swait.ge [sflag:s3], $0x1000  }
0x74: {  	[sflag:s3] =	ssyncset.done $0x0  }
0x75: {  	[sflag:s3] =	ssyncadd.s32 $0xFFFFF000  }
0x76: {  	[spmem:s31] =	stream.linear.scatter [tilespmem:s9], [sflag:$0x3], $0x1000, $0x38;
	[tilespmem:$0x1F000] =	vst v63  }
0x77: {  	_ =	swait.ge [sflag:s3], $0x1000  }
0x78: {  	[sflag:s3] =	ssyncset.done $0x0  }
0x79: {  	[sflag:s3] =	ssyncadd.s32 $0xFFFFF000  }
0x7a: {  	[spmem:s0] =	stream.linear.scatter [tilespmem:s9], [sflag:$0x3], $0x1000, $0x38;
	[tilespmem:$0x1F000] =	vst v63  }
0x7b: {  	_ =	swait.ge [sflag:s3], $0x1000  }
0x7c: {  	[sflag:s3] =	ssyncset.done $0x0  }
0x7d: {  	[sflag:s3] =	ssyncadd.s32 $0xFFFFF000  }
0x7e: {  	[spmem:s8] =	stream.linear.scatter [tilespmem:s9], [sflag:$0x3], $0x1000, $0x38;
	[tilespmem:$0x1F000] =	vst v63  }
.Ltmp3:
0x7f: {  	_ =	swait.ge [sflag:s3], $0x1000;
	(pc) =	sbr.rel @p0 .LBB2_8-.Ltmp3, $4  }
0x80: {  	[sflag:s3] =	ssyncset.done $0x0  }
0x81: {  	[sflag:s3] =	ssyncadd.s32 $0xFFFFF000  }
0x82: {  	[bflag:$0x0] =	sbarrier.arrive $0xFFFF  }
0x83: {  	s22 =	simm.s32 $0x0;
	s23 =	simm.s32 $0x0;
	s24 =	simm.s32 $0x0  }
.LBB2_4:
0x84: {  	s24 =	sshll.u32 s23, $0xC  }
0x85: {  	s24 =	sadd.s32 s10, s24  }
0x86: {  	s24 =	sshrl.u32 s24, $0x3  }
0x87: {  	s25 =	sadd.s32 s6, s24  }
0x88: {  	[tilespmem:s2], [sflag:$0x3] =	stream.linear.gather [hbm4b:s25+s22], $0x1000, $0x38;
	[tilespmem:$0x1F000] =	vst v63  }
0x89: {  	_ =	swait.ge [sflag:s3], $0x1000  }
0x8a: {  	[sflag:s3] =	ssyncset.done $0x0  }
0x8b: {  	s24 =	sadd.s32 s7, s24;
	[sflag:s3] =	ssyncadd.s32 $0xFFFFF000  }
0x8c: {  	[tilespmem:s12], [sflag:$0x3] =	stream.linear.gather [hbm4b:s24+s22], $0x1000, $0x38;
	[tilespmem:$0x1F000] =	vst v63  }
0x8d: {  	_ =	swait.ge [sflag:s3], $0x1000  }
0x8e: {  	[sflag:s3] =	ssyncset.done $0x0  }
0x8f: {  	[sflag:s3] =	ssyncadd.s32 $0xFFFFF000  }
0x90: {  	[tilespmem:s14], [sflag:$0x1] =	stream.indirect.gather [hbm4b:s4+s13], $0x80, s2, s13, $0xb8;
	[tilespmem:$0x1F000] =	vst v63  }
0x91: {  	_ = 	snop  }
0x92: {  	[tilespmem:s16], [sflag:$0x2] =	stream.indirect.gather [hbm4b:s4+s13], $0x80, s15, s13, $0xb8;
	[tilespmem:$0x1F000] =	vst v63  }
0x93: {  	_ =	swait.ge [sflag:s17], $0x4000  }
0x94: {  	[sflag:s17] =	ssyncset.done $0x0  }
0x95: {  	s26 =	simm.s32 $0x16000;
	[sflag:s17] =	ssyncadd.s32 $0xFFFFC000  }
0x96: {  	[spmem:s1] =	stream.indirect.scatter.add.f32 [tilespmem:s14], [sflag:$0x3], $0x80, s26, s13, $0xb8;
	[tilespmem:$0x1F000] =	vst v63  }
0x97: {  	_ =	swait.ge [sflag:s3], $0x4000  }
0x98: {  	[sflag:s3] =	ssyncset.done $0x0  }
0x99: {  	s25 =	simm.s32 $0x15100;
	[sflag:s3] =	ssyncadd.s32 $0xFFFFC000  }
0x9a: {  	[tilespmem:s14], [sflag:$0x1] =	stream.indirect.gather [hbm4b:s4+s13], $0x80, s25, s13, $0xb8;
	[tilespmem:$0x1F000] =	vst v63  }
0x9b: {  	_ =	swait.ge [sflag:s18], $0x4000  }
0x9c: {  	[sflag:s18] =	ssyncset.done $0x0  }
0x9d: {  	s26 =	simm.s32 $0x16080;
	[sflag:s18] =	ssyncadd.s32 $0xFFFFC000  }
0x9e: {  	[spmem:s1] =	stream.indirect.scatter.add.f32 [tilespmem:s16], [sflag:$0x3], $0x80, s26, s13, $0xb8;
	[tilespmem:$0x1F000] =	vst v63  }
0x9f: {  	_ =	swait.ge [sflag:s3], $0x4000  }
0xa0: {  	[sflag:s3] =	ssyncset.done $0x0  }
0xa1: {  	s24 =	simm.s32 $0x400;
	s25 =	simm.s32 $0x15180;
	[sflag:s3] =	ssyncadd.s32 $0xFFFFC000  }
.LBB2_5:
0xa2: {  	[tilespmem:s16], [sflag:$0x2] =	stream.indirect.gather [hbm4b:s4+s13], $0x80, s25, s13, $0xb8;
	[tilespmem:$0x1F000] =	vst v63  }
0xa3: {  	s25 =	smov.u32 s24  }
0xa4: {  	p1 =	sne.s32 s24, $0x3800;
	s24 =	sadd.s32 $0x400, s24;
	_ =	swait.ge [sflag:s17], $0x4000  }
0xa5: {  	s25 =	sshra.s32 s25, $0x2;
	[sflag:s17] =	ssyncset.done $0x0  }
0xa6: {  	s26 =	sadd.s32 $0x16000, s25;
	[sflag:s17] =	ssyncadd.s32 $0xFFFFC000  }
0xa7: {  	[spmem:s1] =	stream.indirect.scatter.add.f32 [tilespmem:s14], [sflag:$0x3], $0x80, s26, s13, $0xb8;
	[tilespmem:$0x1F000] =	vst v63  }
0xa8: {  	_ =	swait.ge [sflag:s3], $0x4000  }
0xa9: {  	[sflag:s3] =	ssyncset.done $0x0  }
0xaa: {  	s26 =	sadd.s32 $0x15100, s25;
	[sflag:s3] =	ssyncadd.s32 $0xFFFFC000  }
0xab: {  	[tilespmem:s14], [sflag:$0x1] =	stream.indirect.gather [hbm4b:s4+s13], $0x80, s26, s13, $0xb8;
	[tilespmem:$0x1F000] =	vst v63  }
0xac: {  	_ =	swait.ge [sflag:s18], $0x4000  }
0xad: {  	[sflag:s18] =	ssyncset.done $0x0  }
.Ltmp4:
0xae: {  	s26 =	sadd.s32 $0x16080, s25;
	[sflag:s18] =	ssyncadd.s32 $0xFFFFC000;
	(pc) =	sbr.rel @p1 .LBB2_5-.Ltmp4, $4  }
0xaf: {  	[spmem:s1] =	stream.indirect.scatter.add.f32 [tilespmem:s16], [sflag:$0x3], $0x80, s26, s13, $0xb8;
	[tilespmem:$0x1F000] =	vst v63  }
0xb0: {  	_ =	swait.ge [sflag:s3], $0x4000  }
0xb1: {  	[sflag:s3] =	ssyncset.done $0x0  }
0xb2: {  	s25 =	sadd.s32 $0x15180, s25;
	[sflag:s3] =	ssyncadd.s32 $0xFFFFC000  }
0xb3: {  	[tilespmem:s16], [sflag:$0x2] =	stream.indirect.gather [hbm4b:s4+s13], $0x80, s25, s13, $0xb8;
	[tilespmem:$0x1F000] =	vst v63  }
0xb4: {  	_ =	swait.ge [sflag:s17], $0x4000  }
0xb5: {  	[sflag:s17] =	ssyncset.done $0x0  }
0xb6: {  	[sflag:s17] =	ssyncadd.s32 $0xFFFFC000  }
0xb7: {  	[spmem:s1] =	stream.indirect.scatter.add.f32 [tilespmem:s14], [sflag:$0x3], $0x80, s19, s13, $0xb8;
	[tilespmem:$0x1F000] =	vst v63  }
0xb8: {  	_ =	swait.ge [sflag:s3], $0x4000  }
0xb9: {  	[sflag:s3] =	ssyncset.done $0x0  }
0xba: {  	[sflag:s3] =	ssyncadd.s32 $0xFFFFC000  }
0xbb: {  	s23 =	sadd.s32 $0x1, s23;
	_ =	swait.ge [sflag:s18], $0x4000  }
0xbc: {  	p1 =	seq.s32 s23, $0x5;
	[sflag:s18] =	ssyncset.done $0x0  }
.Ltmp5:
0xbd: {  	[sflag:s18] =	ssyncadd.s32 $0xFFFFC000;
	(pc) =	sbr.rel @!p1 .LBB2_4-.Ltmp5, $4  }
0xbe: {  	[spmem:s1] =	stream.indirect.scatter.add.f32 [tilespmem:s16], [sflag:$0x3], $0x80, s20, s13, $0xb8;
	[tilespmem:$0x1F000] =	vst v63  }
0xbf: {  	_ =	swait.ge [sflag:s3], $0x4000  }
0xc0: {  	[sflag:s3] =	ssyncset.done $0x0  }
0xc1: {  	[sflag:s3] =	ssyncadd.s32 $0xFFFFC000  }
.Ltmp6:
0xc2: {  	(pc) =	sbr.rel .LBB2_12-.Ltmp6, $2  }
0xc3: {  	_ =	sdelay $0x2  }
0xc4: {  	s22 =	rddreg [dreg:$0x3]  }
.LBB2_8:
0xc5: {  	s23 =	sshll.u32 s24, $0xC  }
0xc6: {  	s23 =	sadd.s32 s10, s23  }
0xc7: {  	s23 =	sshrl.u32 s23, $0x3  }
0xc8: {  	s25 =	sadd.s32 s6, s23  }
0xc9: {  	[tilespmem:s2], [sflag:$0x3] =	stream.linear.gather [hbm4b:s25+s22], $0x1000, $0x38;
	[tilespmem:$0x1F000] =	vst v63  }
0xca: {  	_ =	swait.ge [sflag:s3], $0x1000  }
0xcb: {  	[sflag:s3] =	ssyncset.done $0x0  }
0xcc: {  	s23 =	sadd.s32 s7, s23;
	[sflag:s3] =	ssyncadd.s32 $0xFFFFF000  }
0xcd: {  	[tilespmem:s12], [sflag:$0x3] =	stream.linear.gather [hbm4b:s23+s22], $0x1000, $0x38;
	[tilespmem:$0x1F000] =	vst v63  }
0xce: {  	_ =	swait.ge [sflag:s3], $0x1000  }
0xcf: {  	[sflag:s3] =	ssyncset.done $0x0  }
0xd0: {  	[sflag:s3] =	ssyncadd.s32 $0xFFFFF000  }
0xd1: {  	[tilespmem:s14], [sflag:$0x1] =	stream.indirect.gather [hbm4b:s5+s13], $0x80, s2, s13, $0xb8;
	[tilespmem:$0x1F000] =	vst v63  }
0xd2: {  	_ = 	snop  }
0xd3: {  	[tilespmem:s16], [sflag:$0x2] =	stream.indirect.gather [hbm4b:s5+s13], $0x80, s15, s13, $0xb8;
	[tilespmem:$0x1F000] =	vst v63  }
0xd4: {  	_ =	swait.ge [sflag:s17], $0x4000  }
0xd5: {  	[sflag:s17] =	ssyncset.done $0x0  }
0xd6: {  	s26 =	simm.s32 $0x16000;
	[sflag:s17] =	ssyncadd.s32 $0xFFFFC000  }
0xd7: {  	[spmem:s1] =	stream.indirect.scatter.add.f32 [tilespmem:s14], [sflag:$0x3], $0x80, s26, s13, $0xb8;
	[tilespmem:$0x1F000] =	vst v63  }
0xd8: {  	_ =	swait.ge [sflag:s3], $0x4000  }
0xd9: {  	[sflag:s3] =	ssyncset.done $0x0  }
0xda: {  	s25 =	simm.s32 $0x15100;
	[sflag:s3] =	ssyncadd.s32 $0xFFFFC000  }
0xdb: {  	[tilespmem:s14], [sflag:$0x1] =	stream.indirect.gather [hbm4b:s5+s13], $0x80, s25, s13, $0xb8;
	[tilespmem:$0x1F000] =	vst v63  }
0xdc: {  	_ =	swait.ge [sflag:s18], $0x4000  }
0xdd: {  	[sflag:s18] =	ssyncset.done $0x0  }
0xde: {  	s26 =	simm.s32 $0x16080;
	[sflag:s18] =	ssyncadd.s32 $0xFFFFC000  }
0xdf: {  	[spmem:s1] =	stream.indirect.scatter.add.f32 [tilespmem:s16], [sflag:$0x3], $0x80, s26, s13, $0xb8;
	[tilespmem:$0x1F000] =	vst v63  }
0xe0: {  	_ =	swait.ge [sflag:s3], $0x4000  }
0xe1: {  	[sflag:s3] =	ssyncset.done $0x0  }
0xe2: {  	s23 =	simm.s32 $0x400;
	s25 =	simm.s32 $0x15180;
	[sflag:s3] =	ssyncadd.s32 $0xFFFFC000  }
.LBB2_9:
0xe3: {  	[tilespmem:s16], [sflag:$0x2] =	stream.indirect.gather [hbm4b:s5+s13], $0x80, s25, s13, $0xb8;
	[tilespmem:$0x1F000] =	vst v63  }
0xe4: {  	s25 =	smov.u32 s23  }
0xe5: {  	p1 =	sne.s32 s23, $0x3800;
	s23 =	sadd.s32 $0x400, s23;
	_ =	swait.ge [sflag:s17], $0x4000  }
0xe6: {  	s25 =	sshra.s32 s25, $0x2;
	[sflag:s17] =	ssyncset.done $0x0  }
0xe7: {  	s26 =	sadd.s32 $0x16000, s25;
	[sflag:s17] =	ssyncadd.s32 $0xFFFFC000  }
0xe8: {  	[spmem:s1] =	stream.indirect.scatter.add.f32 [tilespmem:s14], [sflag:$0x3], $0x80, s26, s13, $0xb8;
	[tilespmem:$0x1F000] =	vst v63  }
0xe9: {  	_ =	swait.ge [sflag:s3], $0x4000  }
0xea: {  	[sflag:s3] =	ssyncset.done $0x0  }
0xeb: {  	s26 =	sadd.s32 $0x15100, s25;
	[sflag:s3] =	ssyncadd.s32 $0xFFFFC000  }
0xec: {  	[tilespmem:s14], [sflag:$0x1] =	stream.indirect.gather [hbm4b:s5+s13], $0x80, s26, s13, $0xb8;
	[tilespmem:$0x1F000] =	vst v63  }
0xed: {  	_ =	swait.ge [sflag:s18], $0x4000  }
0xee: {  	[sflag:s18] =	ssyncset.done $0x0  }
.Ltmp7:
0xef: {  	s26 =	sadd.s32 $0x16080, s25;
	[sflag:s18] =	ssyncadd.s32 $0xFFFFC000;
	(pc) =	sbr.rel @p1 .LBB2_9-.Ltmp7, $4  }
0xf0: {  	[spmem:s1] =	stream.indirect.scatter.add.f32 [tilespmem:s16], [sflag:$0x3], $0x80, s26, s13, $0xb8;
	[tilespmem:$0x1F000] =	vst v63  }
0xf1: {  	_ =	swait.ge [sflag:s3], $0x4000  }
0xf2: {  	[sflag:s3] =	ssyncset.done $0x0  }
0xf3: {  	s25 =	sadd.s32 $0x15180, s25;
	[sflag:s3] =	ssyncadd.s32 $0xFFFFC000  }
0xf4: {  	[tilespmem:s16], [sflag:$0x2] =	stream.indirect.gather [hbm4b:s5+s13], $0x80, s25, s13, $0xb8;
	[tilespmem:$0x1F000] =	vst v63  }
0xf5: {  	_ =	swait.ge [sflag:s17], $0x4000  }
0xf6: {  	[sflag:s17] =	ssyncset.done $0x0  }
0xf7: {  	[sflag:s17] =	ssyncadd.s32 $0xFFFFC000  }
0xf8: {  	[spmem:s1] =	stream.indirect.scatter.add.f32 [tilespmem:s14], [sflag:$0x3], $0x80, s19, s13, $0xb8;
	[tilespmem:$0x1F000] =	vst v63  }
0xf9: {  	_ =	swait.ge [sflag:s3], $0x4000  }
0xfa: {  	[sflag:s3] =	ssyncset.done $0x0  }
0xfb: {  	[sflag:s3] =	ssyncadd.s32 $0xFFFFC000  }
0xfc: {  	s24 =	sadd.s32 $0x1, s24;
	_ =	swait.ge [sflag:s18], $0x4000  }
0xfd: {  	p1 =	sne.s32 s24, $0x5;
	[sflag:s18] =	ssyncset.done $0x0  }
.Ltmp8:
0xfe: {  	[sflag:s18] =	ssyncadd.s32 $0xFFFFC000;
	(pc) =	sbr.rel @p1 .LBB2_8-.Ltmp8, $4  }
0xff: {  	[spmem:s1] =	stream.indirect.scatter.add.f32 [tilespmem:s16], [sflag:$0x3], $0x80, s20, s13, $0xb8;
	[tilespmem:$0x1F000] =	vst v63  }
0x100: {  	_ =	swait.ge [sflag:s3], $0x4000  }
0x101: {  	[sflag:s3] =	ssyncset.done $0x0  }
0x102: {  	[sflag:s3] =	ssyncadd.s32 $0xFFFFC000  }
.Ltmp9:
0x103: {  	(pc) =	sbr.rel .LBB2_12-.Ltmp9, $2  }
0x104: {  	_ =	sdelay $0x2  }
0x105: {  	s22 =	rddreg [dreg:$0x4]  }
.LBB2_13:
0x106: {  	_ =	sfence.sel $0x180000  }
0x107: {  	[bflag:$0x0] =	sbarrier.arrive $0xFFFF  }
0x108: {  	_ =	strace $0x9000004D  }
0x109: {  	s0 =	stileid.u32;
	[bflag:$0x2] =	sbarrier.arrive $0xFFFF  }
0x10a: {  	p0 =	sne.s32 s0, $0x0;
	s0 =	rddreg [dreg:$0x2]  }
0x10b: {  	s0 =	sadd.s32 @!p0 $0x100000, s0  }
0x10c: {  	[sflag:s0] =	ssyncadd.tile.s32 @!p0 $0x1;
	_ =	shalt  }
.Lfunc_end2:
_tile_overlayer_lowered:
.L_overlay_start_2:
0x10d: {  	(tag) =	ssettag $0x2  }
0x10e: {  	s0 =	rddreg [dreg:$0x0];
	s2 =	stileid.u32  }
0x10f: {  	s1 =	rddreg [dreg:$0x1];
	p0 =	sne.s32 s2, $0x0  }
0x110: {  	s3 =	rddreg [dreg:$0x2];
	[bflag:$0x3] =	sbarrier.arrive $0xFFFF;
	s2 =	simm.s32 @!p0 $0x1C03  }
0x111: {  	[timem:s3], [sflag:s2] =	dma.local @!p0 [hbm:s0], s1  }
0x112: {  	s0 =	simm.s32 @!p0 $0x3  }
0x113: {  	_ =	swait.ge @!p0 [sflag:s0], s1  }
0x114: {  	s1 =	ssub.s32 @!p0 $0x0, s1;
	[sflag:s0] =	ssyncset.done @!p0 $0x0  }
0x115: {  	[sflag:s0] =	ssyncadd.s32 @!p0 s1  }
0x116: {  	[bflag:$0x3] =	sbarrier.arrive $0xFFFF  }
0x117: {  	_ =	shalt  }

// kernel: kernel.19.cloned.1.call-start
scs
__scs_entry_jumppad:
0x0: {  	(pc) =	sbr.rel $0x88, $3  }
0x1: {  	(tag) =	ssettag $0x0;
	lr =	simm.s32 $0x1  }
0x2: {  	[smem:$0x3F99] =	sst lr;
	_ =	strace $0xD0000000  }
0x3: {  	_ = 	snop  }
0x4: {  	_ = 	snop  }
0x5: {  	_ = 	snop  }
0x6: {  	_ = 	snop  }
0x7: {  	_ = 	snop  }
__scs_overlays_trampoline_lowered:
0x8: {  	[smem:$0x3FA8] =	sst s0  }
0x9: {  	[smem:$0x3FA9] =	sst s1  }
0xa: {  	[smem:$0x3FAA] =	sst s2  }
0xb: {  	[smem:$0x3FAB] =	sst s3  }
0xc: {  	[smem:$0x3FAC] =	sst s4  }
0xd: {  	[smem:$0x3FAD] =	sst s5  }
0xe: {  	[smem:$0x3FAE] =	sst s6  }
0xf: {  	[smem:$0x3FAF] =	sst s7  }
0x10: {  	[smem:$0x3FB0] =	sst s8  }
0x11: {  	[smem:$0x3FB1] =	sst s9;
	s0 =	simm.s32 @!p0 $0x0  }
0x12: {  	s1 =	sld [smem:$0x3F97];
	s0 =	simm.s32 @p0 $0x1  }
0x13: {  	[smem:$0x3FB2] =	sst s0;
	s0 =	simm.s32 @!p1 $0x0  }
0x14: {  	s2 =	sld [smem:$0x3F96];
	s0 =	simm.s32 @p1 $0x1  }
0x15: {  	[smem:$0x3FB3] =	sst s0;
	s0 =	simm.s32 @!p2 $0x0  }
0x16: {  	s3 =	sld [smem:$0x3FDB];
	s0 =	simm.s32 @p2 $0x1  }
0x17: {  	s4 =	simm.s32 $0x1BF5;
	[smem:$0x3FB5] =	sst s0  }
0x18: {  	s0 =	sld [smem:$0x3F98];
	_ =	swait.ge [sflag:s4], $0x0  }
0x19: {  	s7 =	sld [smem:$0x3F99]  }
0x1a: {  	s8 =	sadd.s32 $0xFFFFE003, lr  }
0x1b: {  	s9 =	sadd.s32 $0xFFFFFEF7, lr;
	s5 =	simm.s32 $0xFFFFFFFF;
	p2 =	slt.u32 s8, $0xFFFFF086  }
0x1c: {  	p1 =	slt.u32 s9, $0xF7A;
	s5 =	simm.s32 @!p2 $0x0  }
0x1d: {  	s5 =	simm.s32 @p1 $0x1;
	p0 =	seq.s32 s7, s2  }
0x1e: {  	s7 =	smul.u32 @!p0 $0xF7A, s2;
	p2 =	seq.s32 @!p0 s5, $0x0  }
0x1f: {  	s9 =	smul.u32 $0xF7A, s1;
	s8 =	simm.s32 @!p0 $0x1BF5;
	p2 =	por !p2, p0  }
0x20: {  	[sflag:s8] =	ssyncset.s32 @!p0 $0xFFFFF086;
	s6 =	sadd.s32 @!p0 s3, s7;
	s7 =	simm.s32 @!p0 $0x108  }
0x21: {  	s3 =	sadd.s32 s3, s9;
	s6 =	sadd.s32 @!p0 $0x88, s6;
	s7 =	simm.s32 @p2 $0x1082  }
0x22: {  	[simem:s7], [sflag:s8] =	dma.local @!p0 [hbm:s6], $0xF7A  }
0x23: {  	s9 =	sor.u32 $0xD0000000, s2;
	s6 =	simm.s32 $0x108;
	_ =	swait.ge @!p0 [sflag:s8], $0x0  }
0x24: {  	s3 =	sadd.s32 $0x88, s3;
	s6 =	simm.s32 @!p1 $0x1082;
	[sflag:s4] =	ssyncset.s32 $0xFFFFF086  }
0x25: {  	[simem:s6], [sflag:s4] =	dma.local [hbm:s3], $0xF7A  }
0x26: {  	[smem:$0x3F99] =	sst s1;
	(tag) =	ssettag s2;
	_ =	strace s9  }
0x27: {  	s1 =	sld [smem:$0x3FA9]  }
0x28: {  	s2 =	sld [smem:$0x3FAA]  }
0x29: {  	s4 =	sld [smem:$0x3FAC]  }
0x2a: {  	p0 =	seq.s32 s5, $0x0;
	s5 =	sld [smem:$0x3FAD]  }
0x2b: {  	s6 =	sld [smem:$0x3FAE]  }
0x2c: {  	s7 =	sld [smem:$0x3FAF]  }
0x2d: {  	s3 =	simm.s32 $0x108;
	s8 =	sld [smem:$0x3FB0]  }
0x2e: {  	s3 =	simm.s32 @!p0 $0x1082;
	s9 =	sld [smem:$0x3FB1]  }
0x2f: {  	lr =	sadd.s32 s0, s3;
	s0 =	sld [smem:$0x3FA8]  }
0x30: {  	s3 =	sld [smem:$0x3FAB]  }
0x31: {  	[smem:$0x3FB4] =	sst s10  }
0x32: {  	s10 =	sld [smem:$0x3FB2];
	_ =	sdelay $0x3  }
0x33: {  	p0 =	seq.s32 s10, $0x1;
	s10 =	sld [smem:$0x3FB4];
	_ =	sdelay $0x3  }
0x34: {  	[smem:$0x3FB4] =	sst s10  }
0x35: {  	s10 =	sld [smem:$0x3FB3];
	_ =	sdelay $0x3  }
0x36: {  	p1 =	seq.s32 s10, $0x1;
	s10 =	sld [smem:$0x3FB4];
	_ =	sdelay $0x3  }
0x37: {  	[smem:$0x3FB4] =	sst s10  }
0x38: {  	s10 =	sld [smem:$0x3FB5]  }
0x39: {  	_ = 	snop;
	(pc) =	sbr.ind lr, $3  }
0x3a: {  	_ = 	snop  }
0x3b: {  	_ = 	snop  }
0x3c: {  	p2 =	seq.s32 s10, $0x1;
	s10 =	sld [smem:$0x3FB4]  }
0x3d: {  	_ =	shalt  }
0x3e: {  	_ =	shalt  }
0x3f: {  	_ =	shalt  }
0x40: {  	_ =	shalt  }
0x41: {  	_ =	shalt  }
0x42: {  	_ =	shalt  }
0x43: {  	_ =	shalt  }
0x44: {  	_ =	shalt  }
0x45: {  	_ =	shalt  }
0x46: {  	_ =	shalt  }
0x47: {  	_ =	shalt  }
0x48: {  	_ =	shalt  }
0x49: {  	_ =	shalt  }
0x4a: {  	_ =	shalt  }
0x4b: {  	_ =	shalt  }
0x4c: {  	_ =	shalt  }
0x4d: {  	_ =	shalt  }
0x4e: {  	_ =	shalt  }
0x4f: {  	_ =	shalt  }
0x50: {  	_ =	shalt  }
0x51: {  	_ =	shalt  }
0x52: {  	_ =	shalt  }
0x53: {  	_ =	shalt  }
0x54: {  	_ =	shalt  }
0x55: {  	_ =	shalt  }
0x56: {  	_ =	shalt  }
0x57: {  	_ =	shalt  }
0x58: {  	_ =	shalt  }
0x59: {  	_ =	shalt  }
0x5a: {  	_ =	shalt  }
0x5b: {  	_ =	shalt  }
0x5c: {  	_ =	shalt  }
0x5d: {  	_ =	shalt  }
0x5e: {  	_ =	shalt  }
0x5f: {  	_ =	shalt  }
0x60: {  	_ =	shalt  }
0x61: {  	_ =	shalt  }
0x62: {  	_ =	shalt  }
0x63: {  	_ =	shalt  }
0x64: {  	_ =	shalt  }
0x65: {  	_ =	shalt  }
0x66: {  	_ =	shalt  }
0x67: {  	_ =	shalt  }
0x68: {  	_ =	shalt  }
0x69: {  	_ =	shalt  }
0x6a: {  	_ =	shalt  }
0x6b: {  	_ =	shalt  }
0x6c: {  	_ =	shalt  }
0x6d: {  	_ =	shalt  }
0x6e: {  	_ =	shalt  }
0x6f: {  	_ =	shalt  }
0x70: {  	_ =	shalt  }
0x71: {  	_ =	shalt  }
0x72: {  	_ =	shalt  }
0x73: {  	_ =	shalt  }
0x74: {  	_ =	shalt  }
0x75: {  	_ =	shalt  }
0x76: {  	_ =	shalt  }
0x77: {  	_ =	shalt  }
0x78: {  	_ =	shalt  }
0x79: {  	_ =	shalt  }
0x7a: {  	_ =	shalt  }
0x7b: {  	_ =	shalt  }
0x7c: {  	_ =	shalt  }
0x7d: {  	_ =	shalt  }
0x7e: {  	_ =	shalt  }
0x7f: {  	_ =	shalt  }
0x80: {  	_ =	shalt  }
0x81: {  	_ =	shalt  }
0x82: {  	_ =	shalt  }
0x83: {  	_ =	shalt  }
0x84: {  	_ =	shalt  }
0x85: {  	_ =	shalt  }
0x86: {  	_ =	shalt  }
0x87: {  	_ =	shalt  }
.Lfunc_end0:
.L_simem_size_0:
called_computation.3_lowered:
.L_overlay_start_0:
0x88: {  	s2 =	sld [smem:$0x3FD9]  }
0x89: {  	s3 =	sld [smem:$0x3FFE];
	_ =	sdelay $0x1  }
0x8a: {  	s1 =	srdreg.scid  }
0x8b: {  	s0 =	sand.u32 $0x1, s1  }
0x8c: {  	s16 =	sshll.u32 s0, $0xA;
	s2 =	sadd.s32 s3, s2  }
0x8d: {  	s2 =	sadd.s32 s2, s16  }
0x8e: {  	[smem:$0x3FC0] =	sst s2  }
0x8f: {  	_ = 	snop  }
0x90: {  	(tm) =	ssettm $0x1  }
0x91: {  	s17 =	sld [smem:$0x3FFB];
	_ =	sdelay $0x3  }
0x92: {  	_ =	strace s17  }
0x93: {  	s2 =	sld [smem:$0x3FFC];
	_ =	sdelay $0x3  }
0x94: {  	_ =	strace s2  }
0x95: {  	s2 =	sld [smem:$0x3FFD];
	_ =	sdelay $0x3  }
0x96: {  	_ =	strace s2  }
0x97: {  	_ =	strace $0x8FFFFFFF  }
0x98: {  	s18 =	sld [smem:$0x3FDB];
	_ =	sdelay $0x1  }
0x99: {  	s19 =	simm.s32 $_scs_section_size  }
0x9a: {  	s4 =	simm.s32 $_size__tile_overlayer_lowered;
	s5 =	simm.s32 $_tile_overlayer_lowered  }
0x9b: {  	s22 =	simm.s32 $0x1BFF;
	s21 =	sshll.u32 s5, $0x1;
	s2 =	sadd.s32 s19, s18  }
0x9c: {  	s6 =	simm.s32 $0x0;
	s20 =	sshll.u32 s4, $0x1;
	s4 =	sadd.s32 s21, s2  }
0x9d: {  	[timem:s6], [sflag:s22] =	dma.local [hbm:s4], s20  }
0x9e: {  	_ =	swait.ge [sflag:s22], s20  }
0x9f: {  	s3 =	ssub.s32 $0x0, s20;
	[sflag:s22] =	ssyncset.done $0x0  }
0xa0: {  	[sflag:s22] =	ssyncadd.s32 s3;
	_ =	sdelay $0x1  }
0xa1: {  	s23 =	simm.s32 $0x1B8B  }
0xa2: {  	_ =	swait.ge [sflag:s23], $0x1  }
0xa3: {  	[sflag:s23] =	ssyncset.done $0x0  }
0xa4: {  	s25 =	simm.s32 $0x1B8E;
	s24 =	sld [smem:$0x3FFE];
	[sflag:s23] =	ssyncadd.s32 $0xFFFFFFFF  }
0xa5: {  	s26 =	simm.s32 $execute0_lowered;
	[smem:$0x3FD2] =	sst s25  }
0xa6: {  	s4 =	sshll.u32 s26, $0x1;
	_ =	strace $0x8000004F;
	[dreg:$0x1] =	wrdreg $0xFFFFFFFF  }
0xa7: {  	s28 =	simm.s32 $_size_execute0_lowered;
	s2 =	sadd.s32 s2, s4;
	[dreg:$0x0] =	wrdreg $0x0  }
0xa8: {  	s4 =	sshll.u32 s28, $0x1;
	[dreg:$0x2] =	wrdreg s2  }
0xa9: {  	[dreg:$0x3] =	wrdreg s4  }
0xaa: {  	[dreg:$0x4] =	wrdreg $0xC0  }
0xab: {  	_ =	task [dreg:s6], $0x5FFFF  }
0xac: {  	[dreg:$0x1] =	wrdreg $0xFFFFFFFF  }
0xad: {  	[dreg:$0x0] =	wrdreg $0x60  }
0xae: {  	[dreg:$0x2] =	wrdreg s24  }
0xaf: {  	[dreg:$0x3] =	wrdreg $0x0  }
0xb0: {  	[dreg:$0x4] =	wrdreg $0x9  }
0xb1: {  	_ =	task.clear_ibuf [dreg:s6], $0x5FFFF;
	_ =	strace $0x9000004F  }
0xb2: {  	s29 =	simm.s32 $0x9;
	_ =	strace $0x80000051  }
0xb3: {  	_ =	swait.ge [sflag:s29], $0x1  }
0xb4: {  	[sflag:s29] =	ssyncadd.s32 $0xFFFFFFFF  }
0xb5: {  	_ =	strace $0x90000051  }
0xb6: {  	_ =	sfence  }
0xb7: {  	s30 =	sld [smem:$0x0];
	_ =	sdelay $0x2  }
0xb8: {  	s31 =	sshll.u32 s1, $0xD;
	s1 =	sshrl.u32 s1, $0x2  }
0xb9: {  	s3 =	sand.u32 $0x4000, s31;
	s1 =	sadd.s32 s1, s30  }
0xba: {  	s0 =	sor.u32 s3, s0;
	s1 =	sshll.u32 s1, $0x11  }
0xbb: {  	s0 =	sor.u32 s1, s0  }
0xbc: {  	s0 =	sadd.s32 $0x8F2B, s0  }
0xbd: {  	[sflag:s0] =	ssyncadd.remote.s32 $0x1  }
0xbe: {  	_ =	sfence.sel $0xFFFF  }
0xbf: {  	[dreg:$0x0] =	wrdreg $0xFFFFFFFF;
	(pc) =	sbr.abs _section_cstart, $3  }
0xc0: {  	[dreg:$0x1] =	wrdreg $0xFFFFFFFF  }
0xc1: {  	_ =	task.clear_ibuf [dreg:s6], $0x2FFFF;
	_ =	strace $0x9FFFFFFF  }
0xc2: {  	(tm) =	ssettm $0x7FFFFFFF  }
0xc3: {  	_ =	shalt  }
tec
execute0_lowered:
.L_overlay_start_1:
0x0: {  	(tag) =	ssettag $0x1  }
0x1: {  	s10 =	rddreg [dreg:$0x0]  }
0x2: {  	s1 =	rddreg [dreg:$0x1]  }
0x3: {  	s0 =	rddreg [dreg:$0x2];
	s3 =	simm.s32 $0x0  }
0x4: {  	s4 =	srdreg.scid;
	s2 =	stileid.u32;
	s15 =	simm.s32 $0x1900  }
0x5: {  	s16 =	simm.s32 $0x80;
	s17 =	simm.s32 $0x2D00;
	s18 =	simm.s32 $0x580  }
0x6: {  	s19 =	simm.s32 $0x2D80;
	s20 =	simm.s32 $0x1;
	s21 =	simm.s32 $0x2  }
0x7: {  	s22 =	simm.s32 $0x2C00;
	s23 =	simm.s32 $0x2C80;
	s24 =	simm.s32 $0x0  }
0x8: {  	[smem:$0x7FF] =	sst s3;
	s6 =	sand.u32 $0x1, s4;
	s7 =	smul.u32 $0x280, s2  }
0x9: {  	s4 =	sadd.s32 $0x18C00, s10;
	s9 =	sadd.s32 $0xEC00, s10;
	s12 =	smul.u32 $0x50, s2  }
0xa: {  	s13 =	sadd.s32 $0x4C00, s10;
	s5 =	ssub.s32 $0x2, s6;
	s8 =	smul.u32 $0x500, s6  }
0xb: {  	_ =	strace $0x80000050;
	p0 =	seq.s32 s6, $0x1;
	s11 =	sshrl.u32 s5, $0x1  }
0xc: {  	s31 =	sshrl.u32 s7, $0x3;
	s11 =	ssub.s32 s5, s11;
	s8 =	sadd.s32 s12, s8  }
0xd: {  	s5 =	sadd.s32 s7, s1;
	s12 =	simm.s32 $0x280;
	s8 =	sshll.u32 s8, $0x4  }
0xe: {  	s6 =	smax.u32 s11, $0x1;
	s11 =	simm.s32 $0x19800;
	s7 =	sadd.s32 s9, s8  }
0xf: {  	s14 =	sadd.s32 $0x280, s8;
	s11 =	simm.s32 @!p0 $0x19200;
	s8 =	sadd.s32 s13, s8  }
0x10: {  	s9 =	sadd.s32 s9, s14;
	s11 =	sadd.s32 s11, s10;
	s10 =	sadd.s32 s13, s14  }
0x11: {  	v0 =	vimm.f32 $0.0e+00;
	s13 =	simm.s32 $0x3;
	s14 =	simm.s32 $0x500;
	s11 =	sadd.s32 s11, s31  }
.LBB2_1:
0x12: {  	[tilespmem:$0x280] =	vst v0  }
0x13: {  	[tilespmem:$0x290] =	vst v0  }
0x14: {  	[tilespmem:$0x2A0] =	vst v0  }
0x15: {  	[tilespmem:$0x2B0] =	vst v0  }
0x16: {  	[tilespmem:$0x2C0] =	vst v0  }
0x17: {  	[tilespmem:$0x2D0] =	vst v0  }
0x18: {  	[tilespmem:$0x2E0] =	vst v0  }
0x19: {  	[tilespmem:$0x2F0] =	vst v0  }
0x1a: {  	[tilespmem:$0x300] =	vst v0  }
0x1b: {  	[tilespmem:$0x310] =	vst v0  }
0x1c: {  	[tilespmem:$0x320] =	vst v0  }
0x1d: {  	[tilespmem:$0x330] =	vst v0  }
0x1e: {  	[tilespmem:$0x340] =	vst v0  }
0x1f: {  	[tilespmem:$0x350] =	vst v0  }
0x20: {  	[tilespmem:$0x360] =	vst v0  }
0x21: {  	[tilespmem:$0x370] =	vst v0  }
0x22: {  	[tilespmem:$0x380] =	vst v0  }
0x23: {  	[tilespmem:$0x390] =	vst v0  }
0x24: {  	[tilespmem:$0x3A0] =	vst v0  }
0x25: {  	[tilespmem:$0x3B0] =	vst v0  }
0x26: {  	[tilespmem:$0x3C0] =	vst v0  }
0x27: {  	[tilespmem:$0x3D0] =	vst v0  }
0x28: {  	[tilespmem:$0x3E0] =	vst v0  }
0x29: {  	[tilespmem:$0x3F0] =	vst v0  }
0x2a: {  	[tilespmem:$0x400] =	vst v0  }
0x2b: {  	[tilespmem:$0x410] =	vst v0  }
0x2c: {  	[tilespmem:$0x420] =	vst v0  }
0x2d: {  	[tilespmem:$0x430] =	vst v0  }
0x2e: {  	[tilespmem:$0x440] =	vst v0  }
0x2f: {  	[tilespmem:$0x450] =	vst v0  }
0x30: {  	[tilespmem:$0x460] =	vst v0  }
0x31: {  	[tilespmem:$0x470] =	vst v0  }
0x32: {  	[tilespmem:$0x480] =	vst v0  }
0x33: {  	[tilespmem:$0x490] =	vst v0  }
0x34: {  	[tilespmem:$0x4A0] =	vst v0  }
0x35: {  	[tilespmem:$0x4B0] =	vst v0  }
0x36: {  	[tilespmem:$0x4C0] =	vst v0  }
0x37: {  	[tilespmem:$0x4D0] =	vst v0  }
0x38: {  	[tilespmem:$0x4E0] =	vst v0  }
0x39: {  	[tilespmem:$0x4F0] =	vst v0  }
0x3a: {  	[spmem:s5] =	stream.linear.scatter [tilespmem:s12], [sflag:$0x3], $0x280, $0x38;
	[tilespmem:$0x2E00] =	vst v63  }
0x3b: {  	_ =	swait.ge [sflag:s13], $0x280  }
0x3c: {  	[sflag:s13] =	ssyncset.done $0x0  }
0x3d: {  	[sflag:s13] =	ssyncadd.s32 $0xFFFFFD80  }
0x3e: {  	[bflag:$0x0] =	sbarrier.arrive $0xFFFF  }
0x3f: {  	[tilespmem:s14], [sflag:$0x3] =	stream.linear.gather [hbm4b:s7+s3], $0x1400, $0x38;
	[tilespmem:$0x2E00] =	vst v63  }
0x40: {  	_ =	swait.ge [sflag:s13], $0x1400  }
0x41: {  	[sflag:s13] =	ssyncset.done $0x0  }
0x42: {  	[sflag:s13] =	ssyncadd.s32 $0xFFFFEC00  }
0x43: {  	[tilespmem:s15], [sflag:$0x3] =	stream.linear.gather [hbm4b:s8+s3], $0x1400, $0x38;
	[tilespmem:$0x2E00] =	vst v63  }
0x44: {  	_ =	swait.ge [sflag:s13], $0x1400  }
0x45: {  	[sflag:s13] =	ssyncset.done $0x0  }
0x46: {  	[sflag:s13] =	ssyncadd.s32 $0xFFFFEC00  }
0x47: {  	[tilespmem:s17], [sflag:$0x1] =	stream.indirect.gather [hbm4b:s4+s16], $0x1, s14, s16, $0xb8;
	[tilespmem:$0x2E00] =	vst v63  }
0x48: {  	_ = 	snop  }
0x49: {  	[tilespmem:s19], [sflag:$0x2] =	stream.indirect.gather [hbm4b:s4+s16], $0x1, s18, s16, $0xb8;
	[tilespmem:$0x2E00] =	vst v63  }
0x4a: {  	_ =	swait.ge [sflag:s20], $0x80  }
0x4b: {  	[sflag:s20] =	ssyncset.done $0x0  }
0x4c: {  	s25 =	simm.s32 $0x1900;
	[sflag:s20] =	ssyncadd.s32 $0xFFFFFF80  }
0x4d: {  	[spmem:s1] =	stream.indirect.scatter.add.f32 [tilespmem:s17], [sflag:$0x3], $0x1, s25, s16, $0xb8;
	[tilespmem:$0x2E00] =	vst v63  }
0x4e: {  	_ =	swait.ge [sflag:s13], $0x80  }
0x4f: {  	[sflag:s13] =	ssyncset.done $0x0  }
0x50: {  	s30 =	simm.s32 $0x600;
	[sflag:s13] =	ssyncadd.s32 $0xFFFFFF80  }
0x51: {  	[tilespmem:s17], [sflag:$0x1] =	stream.indirect.gather [hbm4b:s4+s16], $0x1, s30, s16, $0xb8;
	[tilespmem:$0x2E00] =	vst v63  }
0x52: {  	_ =	swait.ge [sflag:s21], $0x80  }
0x53: {  	[sflag:s21] =	ssyncset.done $0x0  }
0x54: {  	s31 =	simm.s32 $0x1980;
	[sflag:s21] =	ssyncadd.s32 $0xFFFFFF80  }
0x55: {  	[spmem:s1] =	stream.indirect.scatter.add.f32 [tilespmem:s19], [sflag:$0x3], $0x1, s31, s16, $0xb8;
	[tilespmem:$0x2E00] =	vst v63  }
0x56: {  	_ =	swait.ge [sflag:s13], $0x80  }
0x57: {  	[sflag:s13] =	ssyncset.done $0x0  }
0x58: {  	s26 =	simm.s32 $0x680;
	s25 =	simm.s32 $0x400;
	[sflag:s13] =	ssyncadd.s32 $0xFFFFFF80  }
.LBB2_2:
0x59: {  	[tilespmem:s19], [sflag:$0x2] =	stream.indirect.gather [hbm4b:s4+s16], $0x1, s26, s16, $0xb8;
	[tilespmem:$0x2E00] =	vst v63  }
0x5a: {  	s26 =	smov.u32 s25  }
0x5b: {  	p0 =	sne.s32 s25, $0x4800;
	s25 =	sadd.s32 $0x400, s25;
	_ =	swait.ge [sflag:s20], $0x80  }
0x5c: {  	s26 =	sshra.s32 s26, $0x2;
	[sflag:s20] =	ssyncset.done $0x0  }
0x5d: {  	s28 =	sadd.s32 $0x1900, s26;
	[sflag:s20] =	ssyncadd.s32 $0xFFFFFF80  }
0x5e: {  	[spmem:s1] =	stream.indirect.scatter.add.f32 [tilespmem:s17], [sflag:$0x3], $0x1, s28, s16, $0xb8;
	[tilespmem:$0x2E00] =	vst v63  }
0x5f: {  	_ =	swait.ge [sflag:s13], $0x80  }
0x60: {  	[sflag:s13] =	ssyncset.done $0x0  }
0x61: {  	s28 =	sadd.s32 $0x600, s26;
	[sflag:s13] =	ssyncadd.s32 $0xFFFFFF80  }
0x62: {  	[tilespmem:s17], [sflag:$0x1] =	stream.indirect.gather [hbm4b:s4+s16], $0x1, s28, s16, $0xb8;
	[tilespmem:$0x2E00] =	vst v63  }
0x63: {  	_ =	swait.ge [sflag:s21], $0x80  }
0x64: {  	[sflag:s21] =	ssyncset.done $0x0  }
.Ltmp0:
0x65: {  	s28 =	sadd.s32 $0x1980, s26;
	[sflag:s21] =	ssyncadd.s32 $0xFFFFFF80;
	(pc) =	sbr.rel @p0 .LBB2_2-.Ltmp0, $4  }
0x66: {  	[spmem:s1] =	stream.indirect.scatter.add.f32 [tilespmem:s19], [sflag:$0x3], $0x1, s28, s16, $0xb8;
	[tilespmem:$0x2E00] =	vst v63  }
0x67: {  	_ =	swait.ge [sflag:s13], $0x80  }
0x68: {  	[sflag:s13] =	ssyncset.done $0x0  }
0x69: {  	s26 =	sadd.s32 $0x680, s26;
	[sflag:s13] =	ssyncadd.s32 $0xFFFFFF80  }
0x6a: {  	[tilespmem:s19], [sflag:$0x2] =	stream.indirect.gather [hbm4b:s4+s16], $0x1, s26, s16, $0xb8;
	[tilespmem:$0x2E00] =	vst v63  }
0x6b: {  	_ =	swait.ge [sflag:s20], $0x80  }
0x6c: {  	[sflag:s20] =	ssyncset.done $0x0  }
0x6d: {  	[sflag:s20] =	ssyncadd.s32 $0xFFFFFF80  }
0x6e: {  	[spmem:s1] =	stream.indirect.scatter.add.f32 [tilespmem:s17], [sflag:$0x3], $0x1, s22, s16, $0xb8;
	[tilespmem:$0x2E00] =	vst v63  }
0x6f: {  	_ =	swait.ge [sflag:s13], $0x80  }
0x70: {  	[sflag:s13] =	ssyncset.done $0x0  }
0x71: {  	[sflag:s13] =	ssyncadd.s32 $0xFFFFFF80  }
0x72: {  	_ =	swait.ge [sflag:s21], $0x80  }
0x73: {  	[sflag:s21] =	ssyncset.done $0x0  }
0x74: {  	[sflag:s21] =	ssyncadd.s32 $0xFFFFFF80  }
0x75: {  	[spmem:s1] =	stream.indirect.scatter.add.f32 [tilespmem:s19], [sflag:$0x3], $0x1, s23, s16, $0xb8;
	[tilespmem:$0x2E00] =	vst v63  }
0x76: {  	_ =	swait.ge [sflag:s13], $0x80  }
0x77: {  	[sflag:s13] =	ssyncset.done $0x0  }
0x78: {  	s25 =	simm.s32 $0x0;
	[sflag:s13] =	ssyncadd.s32 $0xFFFFFF80  }
0x79: {  	[tilespmem:s14], [sflag:$0x3] =	stream.linear.gather [hbm4b:s9+s25], $0x1400, $0x38;
	[tilespmem:$0x2E00] =	vst v63  }
0x7a: {  	_ =	swait.ge [sflag:s13], $0x1400  }
0x7b: {  	[sflag:s13] =	ssyncset.done $0x0  }
0x7c: {  	[sflag:s13] =	ssyncadd.s32 $0xFFFFEC00  }
0x7d: {  	[tilespmem:s15], [sflag:$0x3] =	stream.linear.gather [hbm4b:s10+s25], $0x1400, $0x38;
	[tilespmem:$0x2E00] =	vst v63  }
0x7e: {  	_ =	swait.ge [sflag:s13], $0x1400  }
0x7f: {  	[sflag:s13] =	ssyncset.done $0x0  }
0x80: {  	[sflag:s13] =	ssyncadd.s32 $0xFFFFEC00  }
0x81: {  	[tilespmem:s17], [sflag:$0x1] =	stream.indirect.gather [hbm4b:s4+s16], $0x1, s14, s16, $0xb8;
	[tilespmem:$0x2E00] =	vst v63  }
0x82: {  	_ = 	snop  }
0x83: {  	[tilespmem:s19], [sflag:$0x2] =	stream.indirect.gather [hbm4b:s4+s16], $0x1, s18, s16, $0xb8;
	[tilespmem:$0x2E00] =	vst v63  }
0x84: {  	_ =	swait.ge [sflag:s20], $0x80  }
0x85: {  	[sflag:s20] =	ssyncset.done $0x0  }
0x86: {  	s29 =	simm.s32 $0x1900;
	[sflag:s20] =	ssyncadd.s32 $0xFFFFFF80  }
0x87: {  	[spmem:s1] =	stream.indirect.scatter.add.f32 [tilespmem:s17], [sflag:$0x3], $0x1, s29, s16, $0xb8;
	[tilespmem:$0x2E00] =	vst v63  }
0x88: {  	_ =	swait.ge [sflag:s13], $0x80  }
0x89: {  	[sflag:s13] =	ssyncset.done $0x0  }
0x8a: {  	s30 =	simm.s32 $0x600;
	[sflag:s13] =	ssyncadd.s32 $0xFFFFFF80  }
0x8b: {  	[tilespmem:s17], [sflag:$0x1] =	stream.indirect.gather [hbm4b:s4+s16], $0x1, s30, s16, $0xb8;
	[tilespmem:$0x2E00] =	vst v63  }
0x8c: {  	_ =	swait.ge [sflag:s21], $0x80  }
0x8d: {  	[sflag:s21] =	ssyncset.done $0x0  }
0x8e: {  	s31 =	simm.s32 $0x1980;
	[sflag:s21] =	ssyncadd.s32 $0xFFFFFF80  }
0x8f: {  	[spmem:s1] =	stream.indirect.scatter.add.f32 [tilespmem:s19], [sflag:$0x3], $0x1, s31, s16, $0xb8;
	[tilespmem:$0x2E00] =	vst v63  }
0x90: {  	_ =	swait.ge [sflag:s13], $0x80  }
0x91: {  	[sflag:s13] =	ssyncset.done $0x0  }
0x92: {  	s26 =	simm.s32 $0x680;
	s25 =	simm.s32 $0x400;
	[sflag:s13] =	ssyncadd.s32 $0xFFFFFF80  }
.LBB2_4:
0x93: {  	[tilespmem:s19], [sflag:$0x2] =	stream.indirect.gather [hbm4b:s4+s16], $0x1, s26, s16, $0xb8;
	[tilespmem:$0x2E00] =	vst v63  }
0x94: {  	s26 =	smov.u32 s25  }
0x95: {  	p0 =	sne.s32 s25, $0x4800;
	s25 =	sadd.s32 $0x400, s25;
	_ =	swait.ge [sflag:s20], $0x80  }
0x96: {  	s26 =	sshra.s32 s26, $0x2;
	[sflag:s20] =	ssyncset.done $0x0  }
0x97: {  	s28 =	sadd.s32 $0x1900, s26;
	[sflag:s20] =	ssyncadd.s32 $0xFFFFFF80  }
0x98: {  	[spmem:s1] =	stream.indirect.scatter.add.f32 [tilespmem:s17], [sflag:$0x3], $0x1, s28, s16, $0xb8;
	[tilespmem:$0x2E00] =	vst v63  }
0x99: {  	_ =	swait.ge [sflag:s13], $0x80  }
0x9a: {  	[sflag:s13] =	ssyncset.done $0x0  }
0x9b: {  	s28 =	sadd.s32 $0x600, s26;
	[sflag:s13] =	ssyncadd.s32 $0xFFFFFF80  }
0x9c: {  	[tilespmem:s17], [sflag:$0x1] =	stream.indirect.gather [hbm4b:s4+s16], $0x1, s28, s16, $0xb8;
	[tilespmem:$0x2E00] =	vst v63  }
0x9d: {  	_ =	swait.ge [sflag:s21], $0x80  }
0x9e: {  	[sflag:s21] =	ssyncset.done $0x0  }
.Ltmp1:
0x9f: {  	s28 =	sadd.s32 $0x1980, s26;
	[sflag:s21] =	ssyncadd.s32 $0xFFFFFF80;
	(pc) =	sbr.rel @p0 .LBB2_4-.Ltmp1, $4  }
0xa0: {  	[spmem:s1] =	stream.indirect.scatter.add.f32 [tilespmem:s19], [sflag:$0x3], $0x1, s28, s16, $0xb8;
	[tilespmem:$0x2E00] =	vst v63  }
0xa1: {  	_ =	swait.ge [sflag:s13], $0x80  }
0xa2: {  	[sflag:s13] =	ssyncset.done $0x0  }
0xa3: {  	s26 =	sadd.s32 $0x680, s26;
	[sflag:s13] =	ssyncadd.s32 $0xFFFFFF80  }
0xa4: {  	[tilespmem:s19], [sflag:$0x2] =	stream.indirect.gather [hbm4b:s4+s16], $0x1, s26, s16, $0xb8;
	[tilespmem:$0x2E00] =	vst v63  }
0xa5: {  	_ =	swait.ge [sflag:s20], $0x80  }
0xa6: {  	[sflag:s20] =	ssyncset.done $0x0  }
0xa7: {  	[sflag:s20] =	ssyncadd.s32 $0xFFFFFF80  }
0xa8: {  	[spmem:s1] =	stream.indirect.scatter.add.f32 [tilespmem:s17], [sflag:$0x3], $0x1, s22, s16, $0xb8;
	[tilespmem:$0x2E00] =	vst v63  }
0xa9: {  	_ =	swait.ge [sflag:s13], $0x80  }
0xaa: {  	[sflag:s13] =	ssyncset.done $0x0  }
0xab: {  	[sflag:s13] =	ssyncadd.s32 $0xFFFFFF80  }
0xac: {  	_ =	swait.ge [sflag:s21], $0x80  }
0xad: {  	[sflag:s21] =	ssyncset.done $0x0  }
0xae: {  	[sflag:s21] =	ssyncadd.s32 $0xFFFFFF80  }
0xaf: {  	[spmem:s1] =	stream.indirect.scatter.add.f32 [tilespmem:s19], [sflag:$0x3], $0x1, s23, s16, $0xb8;
	[tilespmem:$0x2E00] =	vst v63  }
0xb0: {  	_ =	swait.ge [sflag:s13], $0x80  }
0xb1: {  	s25 =	sshll.u32 s2, $0x6;
	s24 =	sadd.s32 $0x1, s24;
	[sflag:s13] =	ssyncset.done $0x0  }
0xb2: {  	s31 =	sshrl.u32 s5, $0x3;
	p0 =	sne.s32 s24, s6;
	[sflag:s13] =	ssyncadd.s32 $0xFFFFFF80  }
.Ltmp2:
0xb3: {  	s25 =	sor.u32 $0x1C03, s25;
	[bflag:$0x0] =	sbarrier.arrive $0xFFFF;
	(pc) =	sbr.rel @p0 .LBB2_1-.Ltmp2, $4  }
0xb4: {  	[hbm:s11], [sflag:s25] =	dma.local [spmem:s31], $0x50  }
0xb5: {  	_ =	swait.ge [sflag:s13], $0x50  }
0xb6: {  	[sflag:s13] =	ssyncset.done $0x0  }
0xb7: {  	[sflag:s13] =	ssyncadd.s32 $0xFFFFFFB0  }
0xb8: {  	_ =	sfence.sel $0x180000  }
0xb9: {  	[bflag:$0x0] =	sbarrier.arrive $0xFFFF  }
0xba: {  	p0 =	sne.s32 s2, $0x0;
	_ =	strace $0x90000050  }
0xbb: {  	s0 =	sadd.s32 @!p0 $0x100000, s0;
	[bflag:$0x2] =	sbarrier.arrive $0xFFFF  }
0xbc: {  	[sflag:s0] =	ssyncadd.tile.s32 @!p0 $0x1;
	_ =	shalt  }
.Lfunc_end2:
_tile_overlayer_lowered:
.L_overlay_start_2:
0xbd: {  	(tag) =	ssettag $0x2  }
0xbe: {  	s0 =	rddreg [dreg:$0x0];
	s2 =	stileid.u32  }
0xbf: {  	s1 =	rddreg [dreg:$0x1];
	p0 =	sne.s32 s2, $0x0  }
0xc0: {  	s3 =	rddreg [dreg:$0x2];
	[bflag:$0x3] =	sbarrier.arrive $0xFFFF;
	s2 =	simm.s32 @!p0 $0x1C03  }
0xc1: {  	[timem:s3], [sflag:s2] =	dma.local @!p0 [hbm:s0], s1  }
0xc2: {  	s0 =	simm.s32 @!p0 $0x3  }
0xc3: {  	_ =	swait.ge @!p0 [sflag:s0], s1  }
0xc4: {  	s1 =	ssub.s32 @!p0 $0x0, s1;
	[sflag:s0] =	ssyncset.done @!p0 $0x0  }
0xc5: {  	[sflag:s0] =	ssyncadd.s32 @!p0 s1  }
0xc6: {  	[bflag:$0x3] =	sbarrier.arrive $0xFFFF  }
0xc7: {  	_ =	shalt  }

</sc_bundles>
